<compile_context>
chip_gen: v7x
topology: tpu7x:2x2x1
jax: 0.10.2.dev20260603
libtpu: 0.0.44.dev20260713+nightly
codegen_flags: <defaults>
</compile_context>

<pallas_src>
import functools

import jax
import jax.numpy as jnp
from jax import lax
from jax.experimental import pallas as pl
from jax.experimental.pallas import tpu as pltpu
from jax.experimental.pallas import tpu_sc as plsc

N = 10000
E = 320000
D_IN = 128
H = 64
D_OUT = 128

NC = 2
NS = 16
NW = NC * NS

B = 128
NK = 80
NBUF = 2
E_PAD = NW * NK * B
STRIPE = 640
NP = NS * STRIPE
DUMMY = N

_f32 = jnp.float32


def _sc_body(y_hbm, src_hbm, dst_hbm, part0, part1, src_v, dst_v, rows, tbl,
             acc, gs0, gs1, gs2, ss0):
    c = lax.axis_index("c")
    s = lax.axis_index("s")
    wid = c * NS + s
    base = s * STRIPE

    d_src = pltpu.async_copy(src_hbm.at[wid], src_v, gs1)
    d_dst = pltpu.async_copy(dst_hbm.at[wid], dst_v, gs2)
    d_tbl = pltpu.async_copy(
        y_hbm.at[pl.ds(base, STRIPE)], tbl.at[pl.ds(base, STRIPE)], gs0)

    z = jnp.zeros((16,), _f32)

    def zrow(r, carry):
        for g in range(H // 16):
            rows[0, r, pl.ds(g * 16, 16)] = z
        return carry

    lax.fori_loop(0, B, zrow, 0)
    d_z = [
        pltpu.async_copy(rows.at[0], acc.at[pl.ds(base + j * B, B)], ss0)
        for j in range(STRIPE // B)
    ]
    for d in (d_src, d_dst, d_tbl, *d_z):
        d.wait()
    plsc.subcore_barrier()

    pltpu.async_copy(tbl.at[src_v.at[0]], rows.at[0], gs0)

    def chunk(k, carry):
        b = lax.rem(k, 2)
        nxt = jnp.minimum(k + 1, NK - 1)
        pltpu.make_async_copy(tbl.at[src_v.at[k]], rows.at[b], gs0).wait()
        pltpu.async_copy(tbl.at[src_v.at[nxt]], rows.at[1 - b], gs0)
        pltpu.sync_copy(rows.at[b], acc.at[dst_v.at[k]], add=True)
        return carry

    lax.fori_loop(0, NK, chunk, 0)
    pltpu.make_async_copy(tbl.at[src_v.at[0]], rows.at[NK % 2], gs0).wait()
    plsc.subcore_barrier()

    @pl.when(c == 0)
    def _():
        pltpu.sync_copy(acc.at[pl.ds(base, STRIPE)], part0.at[pl.ds(base, STRIPE)])

    @pl.when(c == 1)
    def _():
        pltpu.sync_copy(acc.at[pl.ds(base, STRIPE)], part1.at[pl.ds(base, STRIPE)])


_sc_segsum = functools.partial(
    pl.kernel,
    out_type=(
        jax.ShapeDtypeStruct((NP, H), _f32),
        jax.ShapeDtypeStruct((NP, H), _f32),
    ),
    mesh=plsc.VectorSubcoreMesh(core_axis_name="c", subcore_axis_name="s"),
    compiler_params=pltpu.CompilerParams(use_tc_tiling_on_sc=False),
    scratch_types=[
        pltpu.VMEM((NK, B), jnp.int32),
        pltpu.VMEM((NK, B), jnp.int32),
        pltpu.VMEM((NBUF, B, H), _f32),
        pltpu.VMEM_SHARED((NP, H), _f32),
        pltpu.VMEM_SHARED((NP, H), _f32),
    ] + [pltpu.SemaphoreType.DMA] * 4,
)(_sc_body)


_DN = (((1,), (1,)), ((), ()))


def _lrelu(v):
    return jnp.where(v >= 0, v, 0.01 * v)


def _t0_body(x_ref, wrel_ref, wroot_ref, b_ref, y_ref, r_ref):
    y_ref[...] = lax.dot_general(x_ref[...], wrel_ref[...], _DN,
                                 preferred_element_type=_f32)
    r_ref[...] = b_ref[...] + lax.dot_general(x_ref[...], wroot_ref[...], _DN,
                                              preferred_element_type=_f32)


def _comb1_body(p0_ref, p1_ref, r_ref, wrel_ref, wroot_ref, b_ref, y_ref,
                r2_ref):
    h = _lrelu(p0_ref[...] + p1_ref[...] + r_ref[...])
    y_ref[...] = lax.dot_general(h, wrel_ref[...], _DN,
                                 preferred_element_type=_f32)
    r2_ref[...] = b_ref[...] + lax.dot_general(h, wroot_ref[...], _DN,
                                               preferred_element_type=_f32)


def _comb2_body(p0_ref, p1_ref, r_ref, wroot_ref, b_ref, h_ref, r2_ref):
    h = _lrelu(p0_ref[...] + p1_ref[...] + r_ref[...])
    h_ref[...] = h
    r2_ref[...] = b_ref[...] + lax.dot_general(h, wroot_ref[...], _DN,
                                               preferred_element_type=_f32)


def _comb3_body(p0_ref, p1_ref, wrel_ref, r_ref, out_ref):
    agg = p0_ref[...] + p1_ref[...]
    rel = lax.dot_general(agg, wrel_ref[...], _DN,
                          preferred_element_type=_f32)
    out_ref[...] = _lrelu(rel + r_ref[...])


_GRID = (N // 1000,)


def _row_spec(w):
    return pl.BlockSpec((1000, w), lambda i: (i, 0))


def _full_spec(shape):
    return pl.BlockSpec(shape, lambda i: (0,) * len(shape))


def _tc_t0(x, wrel, wroot, b):
    return pl.pallas_call(
        _t0_body,
        grid=_GRID,
        in_specs=[_row_spec(D_IN), _full_spec(wrel.shape),
                  _full_spec(wroot.shape), _full_spec((1, H))],
        out_specs=[_row_spec(H), _row_spec(H)],
        out_shape=[jax.ShapeDtypeStruct((NP, H), _f32),
                   jax.ShapeDtypeStruct((NP, H), _f32)],
    )(x, wrel, wroot, b.reshape(1, H))


def _tc_comb1(p0, p1, r, wrel, wroot, b):
    return pl.pallas_call(
        _comb1_body,
        grid=_GRID,
        in_specs=[_row_spec(H), _row_spec(H), _row_spec(H),
                  _full_spec(wrel.shape), _full_spec(wroot.shape),
                  _full_spec((1, H))],
        out_specs=[_row_spec(H), _row_spec(H)],
        out_shape=[jax.ShapeDtypeStruct((NP, H), _f32),
                   jax.ShapeDtypeStruct((NP, H), _f32)],
    )(p0, p1, r, wrel, wroot, b.reshape(1, H))


def _tc_comb2(p0, p1, r, wroot, b):
    return pl.pallas_call(
        _comb2_body,
        grid=_GRID,
        in_specs=[_row_spec(H), _row_spec(H), _row_spec(H),
                  _full_spec(wroot.shape), _full_spec((1, D_OUT))],
        out_specs=[_row_spec(H), _row_spec(D_OUT)],
        out_shape=[jax.ShapeDtypeStruct((NP, H), _f32),
                   jax.ShapeDtypeStruct((NP, D_OUT), _f32)],
    )(p0, p1, r, wroot, b.reshape(1, D_OUT))


def _tc_comb3(p0, p1, wrel, r):
    return pl.pallas_call(
        _comb3_body,
        grid=_GRID,
        in_specs=[_row_spec(H), _row_spec(H), _full_spec(wrel.shape),
                  _row_spec(D_OUT)],
        out_specs=_row_spec(D_OUT),
        out_shape=jax.ShapeDtypeStruct((N, D_OUT), _f32),
    )(p0, p1, wrel, r)


def kernel(x, edge_index, batch, Wrel0, brel0, Wroot0, Wrel1, brel1, Wroot1,
           Wrel2, brel2, Wroot2):
    pad = E_PAD - E
    src = jnp.concatenate([edge_index[0], jnp.zeros((pad,), jnp.int32)])
    dummy = DUMMY + jax.lax.rem(jnp.arange(pad, dtype=jnp.int32), NP - N)
    dst = jnp.concatenate([edge_index[1], dummy])
    src3 = src.reshape(NW, NK, B)
    dst3 = dst.reshape(NW, NK, B)

    y0, r0 = _tc_t0(x, Wrel0, Wroot0, brel0)
    a0, b0 = _sc_segsum(y0, src3, dst3)
    y1, r1 = _tc_comb1(a0, b0, r0, Wrel1, Wroot1, brel1)
    a1, b1 = _sc_segsum(y1, src3, dst3)
    h2, r2 = _tc_comb2(a1, b1, r1, Wroot2, brel2)
    a2, b2 = _sc_segsum(h2, src3, dst3)
    return _tc_comb3(a2, b2, Wrel2, r2)

# --- scband reference (transcript-rebuilt; emitter-appended) ---
"""Pipeline reference for scband-graph-nn-52175262712005 (READ-ONLY COPY).

The authoritative reference and input builder live on the scoring server;
editing this copy changes nothing except your own understanding.
"""

import jax, jax.numpy as jnp
import numpy as np

N = 10000
E = 320000
D_IN = 128
H = 64
D_OUT = 128


def setup_inputs(seed: int = 0) -> dict:
    key = jax.random.key(seed)
    ks = jax.random.split(key, 12)
    x = jax.random.normal(ks[0], (N, D_IN), dtype=jnp.float32)
    edge_index = jax.random.randint(ks[1], (2, E), 0, N, dtype=jnp.int32)
    batch = jnp.zeros((N,), dtype=jnp.int32)
    # GraphConv params: lin_rel (with bias) and lin_root (no bias) per layer
    def lin_w(k, out_d, in_d):
        return jax.random.normal(k, (out_d, in_d), dtype=jnp.float32) * (1.0 / np.sqrt(in_d))
    Wrel0 = lin_w(ks[2], H, D_IN)
    brel0 = jnp.zeros((H,), dtype=jnp.float32)
    Wroot0 = lin_w(ks[3], H, D_IN)
    Wrel1 = lin_w(ks[4], H, H)
    brel1 = jnp.zeros((H,), dtype=jnp.float32)
    Wroot1 = lin_w(ks[5], H, H)
    Wrel2 = lin_w(ks[6], D_OUT, H)
    brel2 = jnp.zeros((D_OUT,), dtype=jnp.float32)
    Wroot2 = lin_w(ks[7], D_OUT, H)
    return {"x": x, "edge_index": edge_index, "batch": batch,
            "Wrel0": Wrel0, "brel0": brel0, "Wroot0": Wroot0,
            "Wrel1": Wrel1, "brel1": brel1, "Wroot1": Wroot1,
            "Wrel2": Wrel2, "brel2": brel2, "Wroot2": Wroot2}


def _graph_conv(x, edge_index, Wrel, brel, Wroot):
    # PyG GraphConv (aggr='add'): out = lin_rel(sum_{j in N(i)} x_j) + lin_root(x_i)
    src = edge_index[0]
    dst = edge_index[1]
    msgs = jnp.take(x, src, axis=0)
    agg = jax.ops.segment_sum(msgs, dst, num_segments=N)
    return agg @ Wrel.T + brel + x @ Wroot.T


def reference(x, edge_index, batch, Wrel0, brel0, Wroot0, Wrel1, brel1, Wroot1, Wrel2, brel2, Wroot2):
    h = _graph_conv(x, edge_index, Wrel0, brel0, Wroot0)
    h = jax.nn.leaky_relu(h, 0.01)
    h = _graph_conv(h, edge_index, Wrel1, brel1, Wroot1)
    h = jax.nn.leaky_relu(h, 0.01)
    h = _graph_conv(h, edge_index, Wrel2, brel2, Wroot2)
    h = jax.nn.leaky_relu(h, 0.01)
    # global_out=False: no pooling / final layers
    return h

if __name__ == "__main__":
    import jax
    _d = setup_inputs()
    print(jax.jit(kernel)(*tuple(_d.values())))

</pallas_src>

<mosaic_0001>
#map = affine_map<(d0, d1) -> (0, 0)>
#map1 = affine_map<(d0, d1) -> (0, 0, 0)>
module attributes {stable_mosaic.version = 14 : i64} {
  func.func @_sc_body(%arg0: i32, %arg1: i32, %arg2: memref<10240x64xf32, #tpu.memory_space<hbm>>, %arg3: memref<32x80x128xi32, #tpu.memory_space<hbm>>, %arg4: memref<32x80x128xi32, #tpu.memory_space<hbm>>, %arg5: memref<10240x64xf32, #tpu.memory_space<hbm>>, %arg6: memref<10240x64xf32, #tpu.memory_space<hbm>>, %arg7: memref<80x128xi32, #tpu.memory_space<vmem>>, %arg8: memref<80x128xi32, #tpu.memory_space<vmem>>, %arg9: memref<2x128x64xf32, #tpu.memory_space<vmem>>, %arg10: memref<10240x64xf32, #tpu.memory_space<vmem_shared>>, %arg11: memref<10240x64xf32, #tpu.memory_space<vmem_shared>>, %arg12: memref<!tpu.dma_semaphore, #tpu.memory_space<semaphore_mem>>, %arg13: memref<!tpu.dma_semaphore, #tpu.memory_space<semaphore_mem>>, %arg14: memref<!tpu.dma_semaphore, #tpu.memory_space<semaphore_mem>>, %arg15: memref<!tpu.dma_semaphore, #tpu.memory_space<semaphore_mem>>) attributes {dimension_semantics = [#tpu.dimension_semantics<core_parallel>, #tpu.dimension_semantics<subcore_parallel>], iteration_bounds = array<i64: 2, 16>, scalar_prefetch = 0 : i64, scratch_operands = 9 : i64, tpu.core_type = #tpu.core_type<sc_vector_subcore>, window_params = [{transform_indices = #map}, {transform_indices = #map1}, {transform_indices = #map1}, {transform_indices = #map}, {transform_indices = #map}]} {
    %mul3A = arith.constant 16 : i32
    %mul3A_0 = arith.muli %arg0, %mul3A : i32
    %add3A = arith.addi %mul3A_0, %arg1 : i32
    %mul3A_1 = arith.constant 640 : i32
    %mul3A_2 = arith.muli %arg1, %mul3A_1 : i32
    %dma_start3A = arith.constant 0 : i32
    %dma_start3A_3 = arith.constant 0 : i32
    %dma_start3A_4 = tpu.memref_slice %arg3[%add3A, %dma_start3A, %dma_start3A_3] : memref<32x80x128xi32, #tpu.memory_space<hbm>> -> memref<1x80x128xi32, #tpu.memory_space<hbm>>
    %dma_start3A_5 = tpu.memref_squeeze %dma_start3A_4 : memref<1x80x128xi32, #tpu.memory_space<hbm>> -> memref<80x128xi32, #tpu.memory_space<hbm>>
    %dma_start3A_6 = arith.constant 0 : i32
    %dma_start3A_7 = arith.constant 0 : i32
    %dma_start3A_8 = tpu.memref_slice %arg3[%add3A, %dma_start3A_6, %dma_start3A_7] : memref<32x80x128xi32, #tpu.memory_space<hbm>> -> memref<1x80x128xi32, #tpu.memory_space<hbm>>
    %dma_start3A_9 = tpu.memref_squeeze %dma_start3A_8 : memref<1x80x128xi32, #tpu.memory_space<hbm>> -> memref<80x128xi32, #tpu.memory_space<hbm>>
    tpu.enqueue_dma source(%dma_start3A_9 : memref<80x128xi32, #tpu.memory_space<hbm>>) target(%arg7 : memref<80x128xi32, #tpu.memory_space<vmem>>) target_semaphore(%arg13 : memref<!tpu.dma_semaphore, #tpu.memory_space<semaphore_mem>>)
    %dma_start3A_10 = arith.constant 0 : i32
    %dma_start3A_11 = arith.constant 0 : i32
    %dma_start3A_12 = tpu.memref_slice %arg4[%add3A, %dma_start3A_10, %dma_start3A_11] : memref<32x80x128xi32, #tpu.memory_space<hbm>> -> memref<1x80x128xi32, #tpu.memory_space<hbm>>
    %dma_start3A_13 = tpu.memref_squeeze %dma_start3A_12 : memref<1x80x128xi32, #tpu.memory_space<hbm>> -> memref<80x128xi32, #tpu.memory_space<hbm>>
    %dma_start3A_14 = arith.constant 0 : i32
    %dma_start3A_15 = arith.constant 0 : i32
    %dma_start3A_16 = tpu.memref_slice %arg4[%add3A, %dma_start3A_14, %dma_start3A_15] : memref<32x80x128xi32, #tpu.memory_space<hbm>> -> memref<1x80x128xi32, #tpu.memory_space<hbm>>
    %dma_start3A_17 = tpu.memref_squeeze %dma_start3A_16 : memref<1x80x128xi32, #tpu.memory_space<hbm>> -> memref<80x128xi32, #tpu.memory_space<hbm>>
    tpu.enqueue_dma source(%dma_start3A_17 : memref<80x128xi32, #tpu.memory_space<hbm>>) target(%arg8 : memref<80x128xi32, #tpu.memory_space<vmem>>) target_semaphore(%arg14 : memref<!tpu.dma_semaphore, #tpu.memory_space<semaphore_mem>>)
    %dma_start3A_18 = arith.constant 0 : i32
    %dma_start3A_19 = tpu.memref_slice %arg10[%mul3A_2, %dma_start3A_18] : memref<10240x64xf32, #tpu.memory_space<vmem_shared>> -> memref<640x64xf32, #tpu.memory_space<vmem_shared>>
    %dma_start3A_20 = arith.constant 0 : i32
    %dma_start3A_21 = tpu.memref_slice %arg2[%mul3A_2, %dma_start3A_20] : memref<10240x64xf32, #tpu.memory_space<hbm>> -> memref<640x64xf32, #tpu.memory_space<hbm>>
    tpu.enqueue_dma source(%dma_start3A_21 : memref<640x64xf32, #tpu.memory_space<hbm>>) target(%dma_start3A_19 : memref<640x64xf32, #tpu.memory_space<vmem_shared>>) target_semaphore(%arg12 : memref<!tpu.dma_semaphore, #tpu.memory_space<semaphore_mem>>)
    %broadcast_in_dim3A = arith.constant 0.000000e+00 : f32
    %broadcast_in_dim3A_22 = vector.broadcast %broadcast_in_dim3A : f32 to vector<16xf32>
    %scan3A = arith.constant 0 : i32
    %scan3A_23 = arith.constant 0 : i32
    %scan3A_24 = arith.constant 128 : i32
    %scan3A_25 = arith.addi %scan3A_23, %scan3A_24 : i32
    %scan3A_26 = arith.constant 1 : i32
    scf.for %scan3A_225 = %scan3A_23 to %scan3A_25 step %scan3A_26  : i32 {
      %swap3A = arith.constant 0 : i32
      %swap3A_226 = arith.index_cast %swap3A : i32 to index
      %swap3A_227 = arith.index_cast %scan3A_225 : i32 to index
      %swap3A_228 = arith.constant 0 : index
      %swap3A_229 = tpu.vector_load %arg9[%swap3A_226, %swap3A_227, %swap3A_228] {strides = array<i32>} : memref<2x128x64xf32, #tpu.memory_space<vmem>>, vector<1x1x16xf32>,
      %swap3A_230 = vector.shape_cast %swap3A_229 : vector<1x1x16xf32> to vector<16xf32>
      %swap3A_231 = vector.shape_cast %broadcast_in_dim3A_22 : vector<16xf32> to vector<1x1x16xf32>
      tpu.vector_store %arg9[%swap3A_226, %swap3A_227, %swap3A_228], %swap3A_231 {strides = array<i32>} : memref<2x128x64xf32, #tpu.memory_space<vmem>>, vector<1x1x16xf32>,
      %swap3A_232 = arith.constant 0 : i32
      %swap3A_233 = arith.index_cast %swap3A_232 : i32 to index
      %swap3A_234 = arith.index_cast %scan3A_225 : i32 to index
      %swap3A_235 = arith.constant 16 : index
      %swap3A_236 = tpu.vector_load %arg9[%swap3A_233, %swap3A_234, %swap3A_235] {strides = array<i32>} : memref<2x128x64xf32, #tpu.memory_space<vmem>>, vector<1x1x16xf32>,
      %swap3A_237 = vector.shape_cast %swap3A_236 : vector<1x1x16xf32> to vector<16xf32>
      %swap3A_238 = vector.shape_cast %broadcast_in_dim3A_22 : vector<16xf32> to vector<1x1x16xf32>
      tpu.vector_store %arg9[%swap3A_233, %swap3A_234, %swap3A_235], %swap3A_238 {strides = array<i32>} : memref<2x128x64xf32, #tpu.memory_space<vmem>>, vector<1x1x16xf32>,
      %swap3A_239 = arith.constant 0 : i32
      %swap3A_240 = arith.index_cast %swap3A_239 : i32 to index
      %swap3A_241 = arith.index_cast %scan3A_225 : i32 to index
      %swap3A_242 = arith.constant 32 : index
      %swap3A_243 = tpu.vector_load %arg9[%swap3A_240, %swap3A_241, %swap3A_242] {strides = array<i32>} : memref<2x128x64xf32, #tpu.memory_space<vmem>>, vector<1x1x16xf32>,
      %swap3A_244 = vector.shape_cast %swap3A_243 : vector<1x1x16xf32> to vector<16xf32>
      %swap3A_245 = vector.shape_cast %broadcast_in_dim3A_22 : vector<16xf32> to vector<1x1x16xf32>
      tpu.vector_store %arg9[%swap3A_240, %swap3A_241, %swap3A_242], %swap3A_245 {strides = array<i32>} : memref<2x128x64xf32, #tpu.memory_space<vmem>>, vector<1x1x16xf32>,
      %swap3A_246 = arith.constant 0 : i32
      %swap3A_247 = arith.index_cast %swap3A_246 : i32 to index
      %swap3A_248 = arith.index_cast %scan3A_225 : i32 to index
      %swap3A_249 = arith.constant 48 : index
      %swap3A_250 = tpu.vector_load %arg9[%swap3A_247, %swap3A_248, %swap3A_249] {strides = array<i32>} : memref<2x128x64xf32, #tpu.memory_space<vmem>>, vector<1x1x16xf32>,
      %swap3A_251 = vector.shape_cast %swap3A_250 : vector<1x1x16xf32> to vector<16xf32>
      %swap3A_252 = vector.shape_cast %broadcast_in_dim3A_22 : vector<16xf32> to vector<1x1x16xf32>
      tpu.vector_store %arg9[%swap3A_247, %swap3A_248, %swap3A_249], %swap3A_252 {strides = array<i32>} : memref<2x128x64xf32, #tpu.memory_space<vmem>>, vector<1x1x16xf32>,
    }
    %scan3A_27 = arith.constant 128 : i32
    %add3A_28 = arith.constant 0 : i32
    %add3A_29 = arith.addi %mul3A_2, %add3A_28 : i32
    %dma_start3A_30 = arith.constant 0 : i32
    %dma_start3A_31 = arith.constant 0 : i32
    %dma_start3A_32 = arith.constant 0 : i32
    %dma_start3A_33 = tpu.memref_slice %arg9[%dma_start3A_30, %dma_start3A_31, %dma_start3A_32] : memref<2x128x64xf32, #tpu.memory_space<vmem>> -> memref<1x128x64xf32, #tpu.memory_space<vmem>>
    %dma_start3A_34 = tpu.memref_squeeze %dma_start3A_33 : memref<1x128x64xf32, #tpu.memory_space<vmem>> -> memref<128x64xf32, #tpu.memory_space<vmem>>
    %dma_start3A_35 = arith.constant 0 : i32
    %dma_start3A_36 = tpu.memref_slice %arg11[%add3A_29, %dma_start3A_35] : memref<10240x64xf32, #tpu.memory_space<vmem_shared>> -> memref<128x64xf32, #tpu.memory_space<vmem_shared>>
    %dma_start3A_37 = arith.constant 0 : i32
    %dma_start3A_38 = tpu.memref_slice %arg11[%add3A_29, %dma_start3A_37] : memref<10240x64xf32, #tpu.memory_space<vmem_shared>> -> memref<128x64xf32, #tpu.memory_space<vmem_shared>>
    %dma_start3A_39 = arith.constant 0 : i32
    %dma_start3A_40 = arith.constant 0 : i32
    %dma_start3A_41 = tpu.memref_slice %arg9[%dma_start3A_30, %dma_start3A_39, %dma_start3A_40] : memref<2x128x64xf32, #tpu.memory_space<vmem>> -> memref<1x128x64xf32, #tpu.memory_space<vmem>>
    %dma_start3A_42 = tpu.memref_squeeze %dma_start3A_41 : memref<1x128x64xf32, #tpu.memory_space<vmem>> -> memref<128x64xf32, #tpu.memory_space<vmem>>
    tpu.enqueue_dma source(%dma_start3A_42 : memref<128x64xf32, #tpu.memory_space<vmem>>) target(%dma_start3A_38 : memref<128x64xf32, #tpu.memory_space<vmem_shared>>) target_semaphore(%arg15 : memref<!tpu.dma_semaphore, #tpu.memory_space<semaphore_mem>>)
    %add3A_43 = arith.constant 128 : i32
    %add3A_44 = arith.addi %mul3A_2, %add3A_43 : i32
    %dma_start3A_45 = arith.constant 0 : i32
    %dma_start3A_46 = arith.constant 0 : i32
    %dma_start3A_47 = arith.constant 0 : i32
    %dma_start3A_48 = tpu.memref_slice %arg9[%dma_start3A_45, %dma_start3A_46, %dma_start3A_47] : memref<2x128x64xf32, #tpu.memory_space<vmem>> -> memref<1x128x64xf32, #tpu.memory_space<vmem>>
    %dma_start3A_49 = tpu.memref_squeeze %dma_start3A_48 : memref<1x128x64xf32, #tpu.memory_space<vmem>> -> memref<128x64xf32, #tpu.memory_space<vmem>>
    %dma_start3A_50 = arith.constant 0 : i32
    %dma_start3A_51 = tpu.memref_slice %arg11[%add3A_44, %dma_start3A_50] : memref<10240x64xf32, #tpu.memory_space<vmem_shared>> -> memref<128x64xf32, #tpu.memory_space<vmem_shared>>
    %dma_start3A_52 = arith.constant 0 : i32
    %dma_start3A_53 = tpu.memref_slice %arg11[%add3A_44, %dma_start3A_52] : memref<10240x64xf32, #tpu.memory_space<vmem_shared>> -> memref<128x64xf32, #tpu.memory_space<vmem_shared>>
    %dma_start3A_54 = arith.constant 0 : i32
    %dma_start3A_55 = arith.constant 0 : i32
    %dma_start3A_56 = tpu.memref_slice %arg9[%dma_start3A_45, %dma_start3A_54, %dma_start3A_55] : memref<2x128x64xf32, #tpu.memory_space<vmem>> -> memref<1x128x64xf32, #tpu.memory_space<vmem>>
    %dma_start3A_57 = tpu.memref_squeeze %dma_start3A_56 : memref<1x128x64xf32, #tpu.memory_space<vmem>> -> memref<128x64xf32, #tpu.memory_space<vmem>>
    tpu.enqueue_dma source(%dma_start3A_57 : memref<128x64xf32, #tpu.memory_space<vmem>>) target(%dma_start3A_53 : memref<128x64xf32, #tpu.memory_space<vmem_shared>>) target_semaphore(%arg15 : memref<!tpu.dma_semaphore, #tpu.memory_space<semaphore_mem>>)
    %add3A_58 = arith.constant 256 : i32
    %add3A_59 = arith.addi %mul3A_2, %add3A_58 : i32
    %dma_start3A_60 = arith.constant 0 : i32
    %dma_start3A_61 = arith.constant 0 : i32
    %dma_start3A_62 = arith.constant 0 : i32
    %dma_start3A_63 = tpu.memref_slice %arg9[%dma_start3A_60, %dma_start3A_61, %dma_start3A_62] : memref<2x128x64xf32, #tpu.memory_space<vmem>> -> memref<1x128x64xf32, #tpu.memory_space<vmem>>
    %dma_start3A_64 = tpu.memref_squeeze %dma_start3A_63 : memref<1x128x64xf32, #tpu.memory_space<vmem>> -> memref<128x64xf32, #tpu.memory_space<vmem>>
    %dma_start3A_65 = arith.constant 0 : i32
    %dma_start3A_66 = tpu.memref_slice %arg11[%add3A_59, %dma_start3A_65] : memref<10240x64xf32, #tpu.memory_space<vmem_shared>> -> memref<128x64xf32, #tpu.memory_space<vmem_shared>>
    %dma_start3A_67 = arith.constant 0 : i32
    %dma_start3A_68 = tpu.memref_slice %arg11[%add3A_59, %dma_start3A_67] : memref<10240x64xf32, #tpu.memory_space<vmem_shared>> -> memref<128x64xf32, #tpu.memory_space<vmem_shared>>
    %dma_start3A_69 = arith.constant 0 : i32
    %dma_start3A_70 = arith.constant 0 : i32
    %dma_start3A_71 = tpu.memref_slice %arg9[%dma_start3A_60, %dma_start3A_69, %dma_start3A_70] : memref<2x128x64xf32, #tpu.memory_space<vmem>> -> memref<1x128x64xf32, #tpu.memory_space<vmem>>
    %dma_start3A_72 = tpu.memref_squeeze %dma_start3A_71 : memref<1x128x64xf32, #tpu.memory_space<vmem>> -> memref<128x64xf32, #tpu.memory_space<vmem>>
    tpu.enqueue_dma source(%dma_start3A_72 : memref<128x64xf32, #tpu.memory_space<vmem>>) target(%dma_start3A_68 : memref<128x64xf32, #tpu.memory_space<vmem_shared>>) target_semaphore(%arg15 : memref<!tpu.dma_semaphore, #tpu.memory_space<semaphore_mem>>)
    %add3A_73 = arith.constant 384 : i32
    %add3A_74 = arith.addi %mul3A_2, %add3A_73 : i32
    %dma_start3A_75 = arith.constant 0 : i32
    %dma_start3A_76 = arith.constant 0 : i32
    %dma_start3A_77 = arith.constant 0 : i32
    %dma_start3A_78 = tpu.memref_slice %arg9[%dma_start3A_75, %dma_start3A_76, %dma_start3A_77] : memref<2x128x64xf32, #tpu.memory_space<vmem>> -> memref<1x128x64xf32, #tpu.memory_space<vmem>>
    %dma_start3A_79 = tpu.memref_squeeze %dma_start3A_78 : memref<1x128x64xf32, #tpu.memory_space<vmem>> -> memref<128x64xf32, #tpu.memory_space<vmem>>
    %dma_start3A_80 = arith.constant 0 : i32
    %dma_start3A_81 = tpu.memref_slice %arg11[%add3A_74, %dma_start3A_80] : memref<10240x64xf32, #tpu.memory_space<vmem_shared>> -> memref<128x64xf32, #tpu.memory_space<vmem_shared>>
    %dma_start3A_82 = arith.constant 0 : i32
    %dma_start3A_83 = tpu.memref_slice %arg11[%add3A_74, %dma_start3A_82] : memref<10240x64xf32, #tpu.memory_space<vmem_shared>> -> memref<128x64xf32, #tpu.memory_space<vmem_shared>>
    %dma_start3A_84 = arith.constant 0 : i32
    %dma_start3A_85 = arith.constant 0 : i32
    %dma_start3A_86 = tpu.memref_slice %arg9[%dma_start3A_75, %dma_start3A_84, %dma_start3A_85] : memref<2x128x64xf32, #tpu.memory_space<vmem>> -> memref<1x128x64xf32, #tpu.memory_space<vmem>>
    %dma_start3A_87 = tpu.memref_squeeze %dma_start3A_86 : memref<1x128x64xf32, #tpu.memory_space<vmem>> -> memref<128x64xf32, #tpu.memory_space<vmem>>
    tpu.enqueue_dma source(%dma_start3A_87 : memref<128x64xf32, #tpu.memory_space<vmem>>) target(%dma_start3A_83 : memref<128x64xf32, #tpu.memory_space<vmem_shared>>) target_semaphore(%arg15 : memref<!tpu.dma_semaphore, #tpu.memory_space<semaphore_mem>>)
    %add3A_88 = arith.constant 512 : i32
    %add3A_89 = arith.addi %mul3A_2, %add3A_88 : i32
    %dma_start3A_90 = arith.constant 0 : i32
    %dma_start3A_91 = arith.constant 0 : i32
    %dma_start3A_92 = arith.constant 0 : i32
    %dma_start3A_93 = tpu.memref_slice %arg9[%dma_start3A_90, %dma_start3A_91, %dma_start3A_92] : memref<2x128x64xf32, #tpu.memory_space<vmem>> -> memref<1x128x64xf32, #tpu.memory_space<vmem>>
    %dma_start3A_94 = tpu.memref_squeeze %dma_start3A_93 : memref<1x128x64xf32, #tpu.memory_space<vmem>> -> memref<128x64xf32, #tpu.memory_space<vmem>>
    %dma_start3A_95 = arith.constant 0 : i32
    %dma_start3A_96 = tpu.memref_slice %arg11[%add3A_89, %dma_start3A_95] : memref<10240x64xf32, #tpu.memory_space<vmem_shared>> -> memref<128x64xf32, #tpu.memory_space<vmem_shared>>
    %dma_start3A_97 = arith.constant 0 : i32
    %dma_start3A_98 = tpu.memref_slice %arg11[%add3A_89, %dma_start3A_97] : memref<10240x64xf32, #tpu.memory_space<vmem_shared>> -> memref<128x64xf32, #tpu.memory_space<vmem_shared>>
    %dma_start3A_99 = arith.constant 0 : i32
    %dma_start3A_100 = arith.constant 0 : i32
    %dma_start3A_101 = tpu.memref_slice %arg9[%dma_start3A_90, %dma_start3A_99, %dma_start3A_100] : memref<2x128x64xf32, #tpu.memory_space<vmem>> -> memref<1x128x64xf32, #tpu.memory_space<vmem>>
    %dma_start3A_102 = tpu.memref_squeeze %dma_start3A_101 : memref<1x128x64xf32, #tpu.memory_space<vmem>> -> memref<128x64xf32, #tpu.memory_space<vmem>>
    tpu.enqueue_dma source(%dma_start3A_102 : memref<128x64xf32, #tpu.memory_space<vmem>>) target(%dma_start3A_98 : memref<128x64xf32, #tpu.memory_space<vmem_shared>>) target_semaphore(%arg15 : memref<!tpu.dma_semaphore, #tpu.memory_space<semaphore_mem>>)
    %dma_wait3A = arith.constant 0 : i32
    %dma_wait3A_103 = arith.constant 0 : i32
    %dma_wait3A_104 = tpu.memref_slice %arg3[%add3A, %dma_wait3A, %dma_wait3A_103] : memref<32x80x128xi32, #tpu.memory_space<hbm>> -> memref<1x80x128xi32, #tpu.memory_space<hbm>>
    %dma_wait3A_105 = tpu.memref_squeeze %dma_wait3A_104 : memref<1x80x128xi32, #tpu.memory_space<hbm>> -> memref<80x128xi32, #tpu.memory_space<hbm>>
    %dma_wait3A_106 = arith.constant 0 : i32
    %dma_wait3A_107 = arith.constant 0 : i32
    %dma_wait3A_108 = tpu.memref_slice %arg3[%add3A, %dma_wait3A_106, %dma_wait3A_107] : memref<32x80x128xi32, #tpu.memory_space<hbm>> -> memref<1x80x128xi32, #tpu.memory_space<hbm>>
    %dma_wait3A_109 = tpu.memref_squeeze %dma_wait3A_108 : memref<1x80x128xi32, #tpu.memory_space<hbm>> -> memref<80x128xi32, #tpu.memory_space<hbm>>
    tpu.wait_dma2 semaphore(%arg13 : memref<!tpu.dma_semaphore, #tpu.memory_space<semaphore_mem>>) src(%dma_wait3A_109 : memref<80x128xi32, #tpu.memory_space<hbm>>) dst(%arg7 : memref<80x128xi32, #tpu.memory_space<vmem>>)
    %dma_wait3A_110 = arith.constant 0 : i32
    %dma_wait3A_111 = arith.constant 0 : i32
    %dma_wait3A_112 = tpu.memref_slice %arg4[%add3A, %dma_wait3A_110, %dma_wait3A_111] : memref<32x80x128xi32, #tpu.memory_space<hbm>> -> memref<1x80x128xi32, #tpu.memory_space<hbm>>
    %dma_wait3A_113 = tpu.memref_squeeze %dma_wait3A_112 : memref<1x80x128xi32, #tpu.memory_space<hbm>> -> memref<80x128xi32, #tpu.memory_space<hbm>>
    %dma_wait3A_114 = arith.constant 0 : i32
    %dma_wait3A_115 = arith.constant 0 : i32
    %dma_wait3A_116 = tpu.memref_slice %arg4[%add3A, %dma_wait3A_114, %dma_wait3A_115] : memref<32x80x128xi32, #tpu.memory_space<hbm>> -> memref<1x80x128xi32, #tpu.memory_space<hbm>>
    %dma_wait3A_117 = tpu.memref_squeeze %dma_wait3A_116 : memref<1x80x128xi32, #tpu.memory_space<hbm>> -> memref<80x128xi32, #tpu.memory_space<hbm>>
    tpu.wait_dma2 semaphore(%arg14 : memref<!tpu.dma_semaphore, #tpu.memory_space<semaphore_mem>>) src(%dma_wait3A_117 : memref<80x128xi32, #tpu.memory_space<hbm>>) dst(%arg8 : memref<80x128xi32, #tpu.memory_space<vmem>>)
    %dma_wait3A_118 = arith.constant 0 : i32
    %dma_wait3A_119 = tpu.memref_slice %arg10[%mul3A_2, %dma_wait3A_118] : memref<10240x64xf32, #tpu.memory_space<vmem_shared>> -> memref<640x64xf32, #tpu.memory_space<vmem_shared>>
    %dma_wait3A_120 = arith.constant 0 : i32
    %dma_wait3A_121 = tpu.memref_slice %arg2[%mul3A_2, %dma_wait3A_120] : memref<10240x64xf32, #tpu.memory_space<hbm>> -> memref<640x64xf32, #tpu.memory_space<hbm>>
    tpu.wait_dma2 semaphore(%arg12 : memref<!tpu.dma_semaphore, #tpu.memory_space<semaphore_mem>>) src(%dma_wait3A_121 : memref<640x64xf32, #tpu.memory_space<hbm>>) dst(%dma_wait3A_119 : memref<640x64xf32, #tpu.memory_space<vmem_shared>>)
    %dma_wait3A_122 = arith.constant 0 : i32
    %dma_wait3A_123 = arith.constant 0 : i32
    %dma_wait3A_124 = arith.constant 0 : i32
    %dma_wait3A_125 = tpu.memref_slice %arg9[%dma_wait3A_122, %dma_wait3A_123, %dma_wait3A_124] : memref<2x128x64xf32, #tpu.memory_space<vmem>> -> memref<1x128x64xf32, #tpu.memory_space<vmem>>
    %dma_wait3A_126 = tpu.memref_squeeze %dma_wait3A_125 : memref<1x128x64xf32, #tpu.memory_space<vmem>> -> memref<128x64xf32, #tpu.memory_space<vmem>>
    %dma_wait3A_127 = arith.constant 0 : i32
    %dma_wait3A_128 = tpu.memref_slice %arg11[%add3A_29, %dma_wait3A_127] : memref<10240x64xf32, #tpu.memory_space<vmem_shared>> -> memref<128x64xf32, #tpu.memory_space<vmem_shared>>
    %dma_wait3A_129 = arith.constant 0 : i32
    %dma_wait3A_130 = tpu.memref_slice %arg11[%add3A_29, %dma_wait3A_129] : memref<10240x64xf32, #tpu.memory_space<vmem_shared>> -> memref<128x64xf32, #tpu.memory_space<vmem_shared>>
    %dma_wait3A_131 = arith.constant 0 : i32
    %dma_wait3A_132 = arith.constant 0 : i32
    %dma_wait3A_133 = tpu.memref_slice %arg9[%dma_wait3A_122, %dma_wait3A_131, %dma_wait3A_132] : memref<2x128x64xf32, #tpu.memory_space<vmem>> -> memref<1x128x64xf32, #tpu.memory_space<vmem>>
    %dma_wait3A_134 = tpu.memref_squeeze %dma_wait3A_133 : memref<1x128x64xf32, #tpu.memory_space<vmem>> -> memref<128x64xf32, #tpu.memory_space<vmem>>
    tpu.wait_dma2 semaphore(%arg15 : memref<!tpu.dma_semaphore, #tpu.memory_space<semaphore_mem>>) src(%dma_wait3A_134 : memref<128x64xf32, #tpu.memory_space<vmem>>) dst(%dma_wait3A_130 : memref<128x64xf32, #tpu.memory_space<vmem_shared>>)
    %dma_wait3A_135 = arith.constant 0 : i32
    %dma_wait3A_136 = arith.constant 0 : i32
    %dma_wait3A_137 = arith.constant 0 : i32
    %dma_wait3A_138 = tpu.memref_slice %arg9[%dma_wait3A_135, %dma_wait3A_136, %dma_wait3A_137] : memref<2x128x64xf32, #tpu.memory_space<vmem>> -> memref<1x128x64xf32, #tpu.memory_space<vmem>>
    %dma_wait3A_139 = tpu.memref_squeeze %dma_wait3A_138 : memref<1x128x64xf32, #tpu.memory_space<vmem>> -> memref<128x64xf32, #tpu.memory_space<vmem>>
    %dma_wait3A_140 = arith.constant 0 : i32
    %dma_wait3A_141 = tpu.memref_slice %arg11[%add3A_44, %dma_wait3A_140] : memref<10240x64xf32, #tpu.memory_space<vmem_shared>> -> memref<128x64xf32, #tpu.memory_space<vmem_shared>>
    %dma_wait3A_142 = arith.constant 0 : i32
    %dma_wait3A_143 = tpu.memref_slice %arg11[%add3A_44, %dma_wait3A_142] : memref<10240x64xf32, #tpu.memory_space<vmem_shared>> -> memref<128x64xf32, #tpu.memory_space<vmem_shared>>
    %dma_wait3A_144 = arith.constant 0 : i32
    %dma_wait3A_145 = arith.constant 0 : i32
    %dma_wait3A_146 = tpu.memref_slice %arg9[%dma_wait3A_135, %dma_wait3A_144, %dma_wait3A_145] : memref<2x128x64xf32, #tpu.memory_space<vmem>> -> memref<1x128x64xf32, #tpu.memory_space<vmem>>
    %dma_wait3A_147 = tpu.memref_squeeze %dma_wait3A_146 : memref<1x128x64xf32, #tpu.memory_space<vmem>> -> memref<128x64xf32, #tpu.memory_space<vmem>>
    tpu.wait_dma2 semaphore(%arg15 : memref<!tpu.dma_semaphore, #tpu.memory_space<semaphore_mem>>) src(%dma_wait3A_147 : memref<128x64xf32, #tpu.memory_space<vmem>>) dst(%dma_wait3A_143 : memref<128x64xf32, #tpu.memory_space<vmem_shared>>)
    %dma_wait3A_148 = arith.constant 0 : i32
    %dma_wait3A_149 = arith.constant 0 : i32
    %dma_wait3A_150 = arith.constant 0 : i32
    %dma_wait3A_151 = tpu.memref_slice %arg9[%dma_wait3A_148, %dma_wait3A_149, %dma_wait3A_150] : memref<2x128x64xf32, #tpu.memory_space<vmem>> -> memref<1x128x64xf32, #tpu.memory_space<vmem>>
    %dma_wait3A_152 = tpu.memref_squeeze %dma_wait3A_151 : memref<1x128x64xf32, #tpu.memory_space<vmem>> -> memref<128x64xf32, #tpu.memory_space<vmem>>
    %dma_wait3A_153 = arith.constant 0 : i32
    %dma_wait3A_154 = tpu.memref_slice %arg11[%add3A_59, %dma_wait3A_153] : memref<10240x64xf32, #tpu.memory_space<vmem_shared>> -> memref<128x64xf32, #tpu.memory_space<vmem_shared>>
    %dma_wait3A_155 = arith.constant 0 : i32
    %dma_wait3A_156 = tpu.memref_slice %arg11[%add3A_59, %dma_wait3A_155] : memref<10240x64xf32, #tpu.memory_space<vmem_shared>> -> memref<128x64xf32, #tpu.memory_space<vmem_shared>>
    %dma_wait3A_157 = arith.constant 0 : i32
    %dma_wait3A_158 = arith.constant 0 : i32
    %dma_wait3A_159 = tpu.memref_slice %arg9[%dma_wait3A_148, %dma_wait3A_157, %dma_wait3A_158] : memref<2x128x64xf32, #tpu.memory_space<vmem>> -> memref<1x128x64xf32, #tpu.memory_space<vmem>>
    %dma_wait3A_160 = tpu.memref_squeeze %dma_wait3A_159 : memref<1x128x64xf32, #tpu.memory_space<vmem>> -> memref<128x64xf32, #tpu.memory_space<vmem>>
    tpu.wait_dma2 semaphore(%arg15 : memref<!tpu.dma_semaphore, #tpu.memory_space<semaphore_mem>>) src(%dma_wait3A_160 : memref<128x64xf32, #tpu.memory_space<vmem>>) dst(%dma_wait3A_156 : memref<128x64xf32, #tpu.memory_space<vmem_shared>>)
    %dma_wait3A_161 = arith.constant 0 : i32
    %dma_wait3A_162 = arith.constant 0 : i32
    %dma_wait3A_163 = arith.constant 0 : i32
    %dma_wait3A_164 = tpu.memref_slice %arg9[%dma_wait3A_161, %dma_wait3A_162, %dma_wait3A_163] : memref<2x128x64xf32, #tpu.memory_space<vmem>> -> memref<1x128x64xf32, #tpu.memory_space<vmem>>
    %dma_wait3A_165 = tpu.memref_squeeze %dma_wait3A_164 : memref<1x128x64xf32, #tpu.memory_space<vmem>> -> memref<128x64xf32, #tpu.memory_space<vmem>>
    %dma_wait3A_166 = arith.constant 0 : i32
    %dma_wait3A_167 = tpu.memref_slice %arg11[%add3A_74, %dma_wait3A_166] : memref<10240x64xf32, #tpu.memory_space<vmem_shared>> -> memref<128x64xf32, #tpu.memory_space<vmem_shared>>
    %dma_wait3A_168 = arith.constant 0 : i32
    %dma_wait3A_169 = tpu.memref_slice %arg11[%add3A_74, %dma_wait3A_168] : memref<10240x64xf32, #tpu.memory_space<vmem_shared>> -> memref<128x64xf32, #tpu.memory_space<vmem_shared>>
    %dma_wait3A_170 = arith.constant 0 : i32
    %dma_wait3A_171 = arith.constant 0 : i32
    %dma_wait3A_172 = tpu.memref_slice %arg9[%dma_wait3A_161, %dma_wait3A_170, %dma_wait3A_171] : memref<2x128x64xf32, #tpu.memory_space<vmem>> -> memref<1x128x64xf32, #tpu.memory_space<vmem>>
    %dma_wait3A_173 = tpu.memref_squeeze %dma_wait3A_172 : memref<1x128x64xf32, #tpu.memory_space<vmem>> -> memref<128x64xf32, #tpu.memory_space<vmem>>
    tpu.wait_dma2 semaphore(%arg15 : memref<!tpu.dma_semaphore, #tpu.memory_space<semaphore_mem>>) src(%dma_wait3A_173 : memref<128x64xf32, #tpu.memory_space<vmem>>) dst(%dma_wait3A_169 : memref<128x64xf32, #tpu.memory_space<vmem_shared>>)
    %dma_wait3A_174 = arith.constant 0 : i32
    %dma_wait3A_175 = arith.constant 0 : i32
    %dma_wait3A_176 = arith.constant 0 : i32
    %dma_wait3A_177 = tpu.memref_slice %arg9[%dma_wait3A_174, %dma_wait3A_175, %dma_wait3A_176] : memref<2x128x64xf32, #tpu.memory_space<vmem>> -> memref<1x128x64xf32, #tpu.memory_space<vmem>>
    %dma_wait3A_178 = tpu.memref_squeeze %dma_wait3A_177 : memref<1x128x64xf32, #tpu.memory_space<vmem>> -> memref<128x64xf32, #tpu.memory_space<vmem>>
    %dma_wait3A_179 = arith.constant 0 : i32
    %dma_wait3A_180 = tpu.memref_slice %arg11[%add3A_89, %dma_wait3A_179] : memref<10240x64xf32, #tpu.memory_space<vmem_shared>> -> memref<128x64xf32, #tpu.memory_space<vmem_shared>>
    %dma_wait3A_181 = arith.constant 0 : i32
    %dma_wait3A_182 = tpu.memref_slice %arg11[%add3A_89, %dma_wait3A_181] : memref<10240x64xf32, #tpu.memory_space<vmem_shared>> -> memref<128x64xf32, #tpu.memory_space<vmem_shared>>
    %dma_wait3A_183 = arith.constant 0 : i32
    %dma_wait3A_184 = arith.constant 0 : i32
    %dma_wait3A_185 = tpu.memref_slice %arg9[%dma_wait3A_174, %dma_wait3A_183, %dma_wait3A_184] : memref<2x128x64xf32, #tpu.memory_space<vmem>> -> memref<1x128x64xf32, #tpu.memory_space<vmem>>
    %dma_wait3A_186 = tpu.memref_squeeze %dma_wait3A_185 : memref<1x128x64xf32, #tpu.memory_space<vmem>> -> memref<128x64xf32, #tpu.memory_space<vmem>>
    tpu.wait_dma2 semaphore(%arg15 : memref<!tpu.dma_semaphore, #tpu.memory_space<semaphore_mem>>) src(%dma_wait3A_186 : memref<128x64xf32, #tpu.memory_space<vmem>>) dst(%dma_wait3A_182 : memref<128x64xf32, #tpu.memory_space<vmem_shared>>)
    %barrier3A = arith.constant 0 : index
    tpu.barrier barrier_id(%barrier3A)
    %dma_start3A_187 = arith.constant 0 : i32
    %dma_start3A_188 = arith.constant 0 : i32
    %dma_start3A_189 = arith.constant 0 : i32
    %dma_start3A_190 = arith.constant 0 : i32
    %dma_start3A_191 = tpu.memref_slice %arg9[%dma_start3A_188, %dma_start3A_189, %dma_start3A_190] : memref<2x128x64xf32, #tpu.memory_space<vmem>> -> memref<1x128x64xf32, #tpu.memory_space<vmem>>
    %dma_start3A_192 = tpu.memref_squeeze %dma_start3A_191 : memref<1x128x64xf32, #tpu.memory_space<vmem>> -> memref<128x64xf32, #tpu.memory_space<vmem>>
    %dma_start3A_193 = arith.constant 0 : i32
    %dma_start3A_194 = tpu.memref_slice %arg7[%dma_start3A_187, %dma_start3A_193] : memref<80x128xi32, #tpu.memory_space<vmem>> -> memref<1x128xi32, #tpu.memory_space<vmem>>
    %dma_start3A_195 = tpu.memref_squeeze %dma_start3A_194 : memref<1x128xi32, #tpu.memory_space<vmem>> -> memref<128xi32, #tpu.memory_space<vmem>>
    %dma_start3A_196 = arith.constant 0 : i32
    %dma_start3A_197 = arith.constant 0 : i32
    %dma_start3A_198 = tpu.memref_slice %arg10[%dma_start3A_196, %dma_start3A_197] : memref<10240x64xf32, #tpu.memory_space<vmem_shared>> -> memref<10240x64xf32, #tpu.memory_space<vmem_shared>>
    tpu.enqueue_indirect_dma source(%dma_start3A_198 : memref<10240x64xf32, #tpu.memory_space<vmem_shared>>) target(%dma_start3A_192 : memref<128x64xf32, #tpu.memory_space<vmem>>) offsets(%dma_start3A_195 : memref<128xi32, #tpu.memory_space<vmem>>) semaphore(%arg12 : memref<!tpu.dma_semaphore, #tpu.memory_space<semaphore_mem>>)
    %scan3A_199 = arith.constant 0 : i32
    %scan3A_200 = arith.constant 0 : i32
    %scan3A_201 = arith.constant 80 : i32
    %scan3A_202 = arith.addi %scan3A_200, %scan3A_201 : i32
    %scan3A_203 = arith.constant 1 : i32
    scf.for %scan3A_225 = %scan3A_200 to %scan3A_202 step %scan3A_203  : i32 {
      %rem3A = arith.constant 2 : i32
      %rem3A_226 = arith.remsi %scan3A_225, %rem3A : i32
      %add3A_227 = arith.constant 1 : i32
      %add3A_228 = arith.addi %scan3A_225, %add3A_227 : i32
      %min3A = arith.constant 79 : i32
      %min3A_229 = arith.minsi %add3A_228, %min3A : i32
      %dma_wait3A_230 = arith.constant 0 : i32
      %dma_wait3A_231 = arith.constant 0 : i32
      %dma_wait3A_232 = tpu.memref_slice %arg9[%rem3A_226, %dma_wait3A_230, %dma_wait3A_231] : memref<2x128x64xf32, #tpu.memory_space<vmem>> -> memref<1x128x64xf32, #tpu.memory_space<vmem>>
      %dma_wait3A_233 = tpu.memref_squeeze %dma_wait3A_232 : memref<1x128x64xf32, #tpu.memory_space<vmem>> -> memref<128x64xf32, #tpu.memory_space<vmem>>
      %dma_wait3A_234 = arith.constant 0 : i32
      %dma_wait3A_235 = tpu.memref_slice %arg7[%scan3A_225, %dma_wait3A_234] : memref<80x128xi32, #tpu.memory_space<vmem>> -> memref<1x128xi32, #tpu.memory_space<vmem>>
      %dma_wait3A_236 = tpu.memref_squeeze %dma_wait3A_235 : memref<1x128xi32, #tpu.memory_space<vmem>> -> memref<128xi32, #tpu.memory_space<vmem>>
      %dma_wait3A_237 = arith.constant 0 : i32
      %dma_wait3A_238 = arith.constant 0 : i32
      %dma_wait3A_239 = tpu.memref_slice %arg10[%dma_wait3A_237, %dma_wait3A_238] : memref<10240x64xf32, #tpu.memory_space<vmem_shared>> -> memref<10240x64xf32, #tpu.memory_space<vmem_shared>>
      tpu.wait_indirect_dma semaphore(%arg12 : memref<!tpu.dma_semaphore, #tpu.memory_space<semaphore_mem>>) src(%dma_wait3A_239 : memref<10240x64xf32, #tpu.memory_space<vmem_shared>>) dst(%dma_wait3A_233 : memref<128x64xf32, #tpu.memory_space<vmem>>)
      %sub3A = arith.constant 1 : i32
      %sub3A_240 = arith.subi %sub3A, %rem3A_226 : i32
      %dma_start3A_241 = arith.constant 0 : i32
      %dma_start3A_242 = arith.constant 0 : i32
      %dma_start3A_243 = tpu.memref_slice %arg9[%sub3A_240, %dma_start3A_241, %dma_start3A_242] : memref<2x128x64xf32, #tpu.memory_space<vmem>> -> memref<1x128x64xf32, #tpu.memory_space<vmem>>
      %dma_start3A_244 = tpu.memref_squeeze %dma_start3A_243 : memref<1x128x64xf32, #tpu.memory_space<vmem>> -> memref<128x64xf32, #tpu.memory_space<vmem>>
      %dma_start3A_245 = arith.constant 0 : i32
      %dma_start3A_246 = tpu.memref_slice %arg7[%min3A_229, %dma_start3A_245] : memref<80x128xi32, #tpu.memory_space<vmem>> -> memref<1x128xi32, #tpu.memory_space<vmem>>
      %dma_start3A_247 = tpu.memref_squeeze %dma_start3A_246 : memref<1x128xi32, #tpu.memory_space<vmem>> -> memref<128xi32, #tpu.memory_space<vmem>>
      %dma_start3A_248 = arith.constant 0 : i32
      %dma_start3A_249 = arith.constant 0 : i32
      %dma_start3A_250 = tpu.memref_slice %arg10[%dma_start3A_248, %dma_start3A_249] : memref<10240x64xf32, #tpu.memory_space<vmem_shared>> -> memref<10240x64xf32, #tpu.memory_space<vmem_shared>>
      tpu.enqueue_indirect_dma source(%dma_start3A_250 : memref<10240x64xf32, #tpu.memory_space<vmem_shared>>) target(%dma_start3A_244 : memref<128x64xf32, #tpu.memory_space<vmem>>) offsets(%dma_start3A_247 : memref<128xi32, #tpu.memory_space<vmem>>) semaphore(%arg12 : memref<!tpu.dma_semaphore, #tpu.memory_space<semaphore_mem>>)
      "tpu.region"() ({
        %run_scoped3A = tpu.sem_alloc : memref<!tpu.dma_semaphore, #tpu.memory_space<semaphore_mem>>
        %dma_start3A_251 = arith.constant 0 : i32
        %dma_start3A_252 = arith.constant 0 : i32
        %dma_start3A_253 = tpu.memref_slice %arg9[%rem3A_226, %dma_start3A_251, %dma_start3A_252] : memref<2x128x64xf32, #tpu.memory_space<vmem>> -> memref<1x128x64xf32, #tpu.memory_space<vmem>>
        %dma_start3A_254 = tpu.memref_squeeze %dma_start3A_253 : memref<1x128x64xf32, #tpu.memory_space<vmem>> -> memref<128x64xf32, #tpu.memory_space<vmem>>
        %dma_start3A_255 = arith.constant 0 : i32
        %dma_start3A_256 = tpu.memref_slice %arg8[%scan3A_225, %dma_start3A_255] : memref<80x128xi32, #tpu.memory_space<vmem>> -> memref<1x128xi32, #tpu.memory_space<vmem>>
        %dma_start3A_257 = tpu.memref_squeeze %dma_start3A_256 : memref<1x128xi32, #tpu.memory_space<vmem>> -> memref<128xi32, #tpu.memory_space<vmem>>
        %dma_start3A_258 = arith.constant 0 : i32
        %dma_start3A_259 = arith.constant 0 : i32
        %dma_start3A_260 = tpu.memref_slice %arg11[%dma_start3A_258, %dma_start3A_259] : memref<10240x64xf32, #tpu.memory_space<vmem_shared>> -> memref<10240x64xf32, #tpu.memory_space<vmem_shared>>
        tpu.enqueue_indirect_dma source(%dma_start3A_254 : memref<128x64xf32, #tpu.memory_space<vmem>>) target(%dma_start3A_260 : memref<10240x64xf32, #tpu.memory_space<vmem_shared>>) offsets(%dma_start3A_257 : memref<128xi32, #tpu.memory_space<vmem>>) semaphore(%run_scoped3A : memref<!tpu.dma_semaphore, #tpu.memory_space<semaphore_mem>>) {add = true}
        %dma_wait3A_261 = arith.constant 0 : i32
        %dma_wait3A_262 = arith.constant 0 : i32
        %dma_wait3A_263 = tpu.memref_slice %arg9[%rem3A_226, %dma_wait3A_261, %dma_wait3A_262] : memref<2x128x64xf32, #tpu.memory_space<vmem>> -> memref<1x128x64xf32, #tpu.memory_space<vmem>>
        %dma_wait3A_264 = tpu.memref_squeeze %dma_wait3A_263 : memref<1x128x64xf32, #tpu.memory_space<vmem>> -> memref<128x64xf32, #tpu.memory_space<vmem>>
        %dma_wait3A_265 = arith.constant 0 : i32
        %dma_wait3A_266 = tpu.memref_slice %arg8[%scan3A_225, %dma_wait3A_265] : memref<80x128xi32, #tpu.memory_space<vmem>> -> memref<1x128xi32, #tpu.memory_space<vmem>>
        %dma_wait3A_267 = tpu.memref_squeeze %dma_wait3A_266 : memref<1x128xi32, #tpu.memory_space<vmem>> -> memref<128xi32, #tpu.memory_space<vmem>>
        %dma_wait3A_268 = arith.constant 0 : i32
        %dma_wait3A_269 = arith.constant 0 : i32
        %dma_wait3A_270 = tpu.memref_slice %arg11[%dma_wait3A_268, %dma_wait3A_269] : memref<10240x64xf32, #tpu.memory_space<vmem_shared>> -> memref<10240x64xf32, #tpu.memory_space<vmem_shared>>
        tpu.wait_indirect_dma semaphore(%run_scoped3A : memref<!tpu.dma_semaphore, #tpu.memory_space<semaphore_mem>>) src(%dma_wait3A_264 : memref<128x64xf32, #tpu.memory_space<vmem>>) dst(%dma_wait3A_270 : memref<10240x64xf32, #tpu.memory_space<vmem_shared>>)
        tpu.yield
      }) : () -> ()
    }
    %scan3A_204 = arith.constant 80 : i32
    %dma_wait3A_205 = arith.constant 0 : i32
    %dma_wait3A_206 = arith.constant 0 : i32
    %dma_wait3A_207 = arith.constant 0 : i32
    %dma_wait3A_208 = arith.constant 0 : i32
    %dma_wait3A_209 = tpu.memref_slice %arg9[%dma_wait3A_206, %dma_wait3A_207, %dma_wait3A_208] : memref<2x128x64xf32, #tpu.memory_space<vmem>> -> memref<1x128x64xf32, #tpu.memory_space<vmem>>
    %dma_wait3A_210 = tpu.memref_squeeze %dma_wait3A_209 : memref<1x128x64xf32, #tpu.memory_space<vmem>> -> memref<128x64xf32, #tpu.memory_space<vmem>>
    %dma_wait3A_211 = arith.constant 0 : i32
    %dma_wait3A_212 = tpu.memref_slice %arg7[%dma_wait3A_205, %dma_wait3A_211] : memref<80x128xi32, #tpu.memory_space<vmem>> -> memref<1x128xi32, #tpu.memory_space<vmem>>
    %dma_wait3A_213 = tpu.memref_squeeze %dma_wait3A_212 : memref<1x128xi32, #tpu.memory_space<vmem>> -> memref<128xi32, #tpu.memory_space<vmem>>
    %dma_wait3A_214 = arith.constant 0 : i32
    %dma_wait3A_215 = arith.constant 0 : i32
    %dma_wait3A_216 = tpu.memref_slice %arg10[%dma_wait3A_214, %dma_wait3A_215] : memref<10240x64xf32, #tpu.memory_space<vmem_shared>> -> memref<10240x64xf32, #tpu.memory_space<vmem_shared>>
    tpu.wait_indirect_dma semaphore(%arg12 : memref<!tpu.dma_semaphore, #tpu.memory_space<semaphore_mem>>) src(%dma_wait3A_216 : memref<10240x64xf32, #tpu.memory_space<vmem_shared>>) dst(%dma_wait3A_210 : memref<128x64xf32, #tpu.memory_space<vmem>>)
    %barrier3A_217 = arith.constant 0 : index
    tpu.barrier barrier_id(%barrier3A_217)
    %eq3A = arith.constant 0 : i32
    %eq3A_218 = arith.cmpi eq, %arg0, %eq3A : i32
    %convert_element_type3A = arith.extui %eq3A_218 : i1 to i32
    %cond3A = arith.constant 0 : i32
    %cond3A_219 = arith.cmpi ne, %convert_element_type3A, %cond3A : i32
    scf.if %cond3A_219 {
      "tpu.region"() ({
        %run_scoped3A = tpu.sem_alloc : memref<!tpu.dma_semaphore, #tpu.memory_space<semaphore_mem>>
        %dma_start3A_225 = arith.constant 0 : i32
        %dma_start3A_226 = tpu.memref_slice %arg5[%mul3A_2, %dma_start3A_225] : memref<10240x64xf32, #tpu.memory_space<hbm>> -> memref<640x64xf32, #tpu.memory_space<hbm>>
        %dma_start3A_227 = arith.constant 0 : i32
        %dma_start3A_228 = tpu.memref_slice %arg11[%mul3A_2, %dma_start3A_227] : memref<10240x64xf32, #tpu.memory_space<vmem_shared>> -> memref<640x64xf32, #tpu.memory_space<vmem_shared>>
        tpu.enqueue_dma source(%dma_start3A_228 : memref<640x64xf32, #tpu.memory_space<vmem_shared>>) target(%dma_start3A_226 : memref<640x64xf32, #tpu.memory_space<hbm>>) target_semaphore(%run_scoped3A : memref<!tpu.dma_semaphore, #tpu.memory_space<semaphore_mem>>)
        %dma_wait3A_229 = arith.constant 0 : i32
        %dma_wait3A_230 = tpu.memref_slice %arg5[%mul3A_2, %dma_wait3A_229] : memref<10240x64xf32, #tpu.memory_space<hbm>> -> memref<640x64xf32, #tpu.memory_space<hbm>>
        %dma_wait3A_231 = arith.constant 0 : i32
        %dma_wait3A_232 = tpu.memref_slice %arg11[%mul3A_2, %dma_wait3A_231] : memref<10240x64xf32, #tpu.memory_space<vmem_shared>> -> memref<640x64xf32, #tpu.memory_space<vmem_shared>>
        tpu.wait_dma2 semaphore(%run_scoped3A : memref<!tpu.dma_semaphore, #tpu.memory_space<semaphore_mem>>) src(%dma_wait3A_232 : memref<640x64xf32, #tpu.memory_space<vmem_shared>>) dst(%dma_wait3A_230 : memref<640x64xf32, #tpu.memory_space<hbm>>)
        tpu.yield
      }) : () -> ()
    } else {
    }
    %eq3A_220 = arith.constant 1 : i32
    %eq3A_221 = arith.cmpi eq, %arg0, %eq3A_220 : i32
    %convert_element_type3A_222 = arith.extui %eq3A_221 : i1 to i32
    %cond3A_223 = arith.constant 0 : i32
    %cond3A_224 = arith.cmpi ne, %convert_element_type3A_222, %cond3A_223 : i32
    scf.if %cond3A_224 {
      "tpu.region"() ({
        %run_scoped3A = tpu.sem_alloc : memref<!tpu.dma_semaphore, #tpu.memory_space<semaphore_mem>>
        %dma_start3A_225 = arith.constant 0 : i32
        %dma_start3A_226 = tpu.memref_slice %arg6[%mul3A_2, %dma_start3A_225] : memref<10240x64xf32, #tpu.memory_space<hbm>> -> memref<640x64xf32, #tpu.memory_space<hbm>>
        %dma_start3A_227 = arith.constant 0 : i32
        %dma_start3A_228 = tpu.memref_slice %arg11[%mul3A_2, %dma_start3A_227] : memref<10240x64xf32, #tpu.memory_space<vmem_shared>> -> memref<640x64xf32, #tpu.memory_space<vmem_shared>>
        tpu.enqueue_dma source(%dma_start3A_228 : memref<640x64xf32, #tpu.memory_space<vmem_shared>>) target(%dma_start3A_226 : memref<640x64xf32, #tpu.memory_space<hbm>>) target_semaphore(%run_scoped3A : memref<!tpu.dma_semaphore, #tpu.memory_space<semaphore_mem>>)
        %dma_wait3A_229 = arith.constant 0 : i32
        %dma_wait3A_230 = tpu.memref_slice %arg6[%mul3A_2, %dma_wait3A_229] : memref<10240x64xf32, #tpu.memory_space<hbm>> -> memref<640x64xf32, #tpu.memory_space<hbm>>
        %dma_wait3A_231 = arith.constant 0 : i32
        %dma_wait3A_232 = tpu.memref_slice %arg11[%mul3A_2, %dma_wait3A_231] : memref<10240x64xf32, #tpu.memory_space<vmem_shared>> -> memref<640x64xf32, #tpu.memory_space<vmem_shared>>
        tpu.wait_dma2 semaphore(%run_scoped3A : memref<!tpu.dma_semaphore, #tpu.memory_space<semaphore_mem>>) src(%dma_wait3A_232 : memref<640x64xf32, #tpu.memory_space<vmem_shared>>) dst(%dma_wait3A_230 : memref<640x64xf32, #tpu.memory_space<hbm>>)
        tpu.yield
      }) : () -> ()
    } else {
    }
    return
  }
}

#map = affine_map<(d0, d1) -> (0, 0)>
#map1 = affine_map<(d0, d1) -> (0, 0, 0)>
module attributes {stable_mosaic.version = 14 : i64} {
  func.func @_sc_body(%arg0: i32, %arg1: i32, %arg2: memref<10240x64xf32, #tpu.memory_space<hbm>>, %arg3: memref<32x80x128xi32, #tpu.memory_space<hbm>>, %arg4: memref<32x80x128xi32, #tpu.memory_space<hbm>>, %arg5: memref<10240x64xf32, #tpu.memory_space<hbm>>, %arg6: memref<10240x64xf32, #tpu.memory_space<hbm>>, %arg7: memref<80x128xi32, #tpu.memory_space<vmem>>, %arg8: memref<80x128xi32, #tpu.memory_space<vmem>>, %arg9: memref<2x128x64xf32, #tpu.memory_space<vmem>>, %arg10: memref<10240x64xf32, #tpu.memory_space<vmem_shared>>, %arg11: memref<10240x64xf32, #tpu.memory_space<vmem_shared>>, %arg12: memref<!tpu.dma_semaphore, #tpu.memory_space<semaphore_mem>>, %arg13: memref<!tpu.dma_semaphore, #tpu.memory_space<semaphore_mem>>, %arg14: memref<!tpu.dma_semaphore, #tpu.memory_space<semaphore_mem>>, %arg15: memref<!tpu.dma_semaphore, #tpu.memory_space<semaphore_mem>>) attributes {dimension_semantics = [#tpu.dimension_semantics<core_parallel>, #tpu.dimension_semantics<subcore_parallel>], iteration_bounds = array<i64: 2, 16>, scalar_prefetch = 0 : i64, scratch_operands = 9 : i64, tpu.core_type = #tpu.core_type<sc_vector_subcore>, window_params = [{transform_indices = #map}, {transform_indices = #map1}, {transform_indices = #map1}, {transform_indices = #map}, {transform_indices = #map}]} {
    %mul3A = arith.constant 16 : i32
    %mul3A_0 = arith.muli %arg0, %mul3A : i32
    %add3A = arith.addi %mul3A_0, %arg1 : i32
    %mul3A_1 = arith.constant 640 : i32
    %mul3A_2 = arith.muli %arg1, %mul3A_1 : i32
    %dma_start3A = arith.constant 0 : i32
    %dma_start3A_3 = arith.constant 0 : i32
    %dma_start3A_4 = tpu.memref_slice %arg3[%add3A, %dma_start3A, %dma_start3A_3] : memref<32x80x128xi32, #tpu.memory_space<hbm>> -> memref<1x80x128xi32, #tpu.memory_space<hbm>>
    %dma_start3A_5 = tpu.memref_squeeze %dma_start3A_4 : memref<1x80x128xi32, #tpu.memory_space<hbm>> -> memref<80x128xi32, #tpu.memory_space<hbm>>
    %dma_start3A_6 = arith.constant 0 : i32
    %dma_start3A_7 = arith.constant 0 : i32
    %dma_start3A_8 = tpu.memref_slice %arg3[%add3A, %dma_start3A_6, %dma_start3A_7] : memref<32x80x128xi32, #tpu.memory_space<hbm>> -> memref<1x80x128xi32, #tpu.memory_space<hbm>>
    %dma_start3A_9 = tpu.memref_squeeze %dma_start3A_8 : memref<1x80x128xi32, #tpu.memory_space<hbm>> -> memref<80x128xi32, #tpu.memory_space<hbm>>
    tpu.enqueue_dma source(%dma_start3A_9 : memref<80x128xi32, #tpu.memory_space<hbm>>) target(%arg7 : memref<80x128xi32, #tpu.memory_space<vmem>>) target_semaphore(%arg13 : memref<!tpu.dma_semaphore, #tpu.memory_space<semaphore_mem>>)
    %dma_start3A_10 = arith.constant 0 : i32
    %dma_start3A_11 = arith.constant 0 : i32
    %dma_start3A_12 = tpu.memref_slice %arg4[%add3A, %dma_start3A_10, %dma_start3A_11] : memref<32x80x128xi32, #tpu.memory_space<hbm>> -> memref<1x80x128xi32, #tpu.memory_space<hbm>>
    %dma_start3A_13 = tpu.memref_squeeze %dma_start3A_12 : memref<1x80x128xi32, #tpu.memory_space<hbm>> -> memref<80x128xi32, #tpu.memory_space<hbm>>
    %dma_start3A_14 = arith.constant 0 : i32
    %dma_start3A_15 = arith.constant 0 : i32
    %dma_start3A_16 = tpu.memref_slice %arg4[%add3A, %dma_start3A_14, %dma_start3A_15] : memref<32x80x128xi32, #tpu.memory_space<hbm>> -> memref<1x80x128xi32, #tpu.memory_space<hbm>>
    %dma_start3A_17 = tpu.memref_squeeze %dma_start3A_16 : memref<1x80x128xi32, #tpu.memory_space<hbm>> -> memref<80x128xi32, #tpu.memory_space<hbm>>
    tpu.enqueue_dma source(%dma_start3A_17 : memref<80x128xi32, #tpu.memory_space<hbm>>) target(%arg8 : memref<80x128xi32, #tpu.memory_space<vmem>>) target_semaphore(%arg14 : memref<!tpu.dma_semaphore, #tpu.memory_space<semaphore_mem>>)
    %dma_start3A_18 = arith.constant 0 : i32
    %dma_start3A_19 = tpu.memref_slice %arg10[%mul3A_2, %dma_start3A_18] : memref<10240x64xf32, #tpu.memory_space<vmem_shared>> -> memref<640x64xf32, #tpu.memory_space<vmem_shared>>
    %dma_start3A_20 = arith.constant 0 : i32
    %dma_start3A_21 = tpu.memref_slice %arg2[%mul3A_2, %dma_start3A_20] : memref<10240x64xf32, #tpu.memory_space<hbm>> -> memref<640x64xf32, #tpu.memory_space<hbm>>
    tpu.enqueue_dma source(%dma_start3A_21 : memref<640x64xf32, #tpu.memory_space<hbm>>) target(%dma_start3A_19 : memref<640x64xf32, #tpu.memory_space<vmem_shared>>) target_semaphore(%arg12 : memref<!tpu.dma_semaphore, #tpu.memory_space<semaphore_mem>>)
    %broadcast_in_dim3A = arith.constant 0.000000e+00 : f32
    %broadcast_in_dim3A_22 = vector.broadcast %broadcast_in_dim3A : f32 to vector<16xf32>
    %scan3A = arith.constant 0 : i32
    %scan3A_23 = arith.constant 0 : i32
    %scan3A_24 = arith.constant 128 : i32
    %scan3A_25 = arith.addi %scan3A_23, %scan3A_24 : i32
    %scan3A_26 = arith.constant 1 : i32
    scf.for %scan3A_225 = %scan3A_23 to %scan3A_25 step %scan3A_26  : i32 {
      %swap3A = arith.constant 0 : i32
      %swap3A_226 = arith.index_cast %swap3A : i32 to index
      %swap3A_227 = arith.index_cast %scan3A_225 : i32 to index
      %swap3A_228 = arith.constant 0 : index
      %swap3A_229 = tpu.vector_load %arg9[%swap3A_226, %swap3A_227, %swap3A_228] {strides = array<i32>} : memref<2x128x64xf32, #tpu.memory_space<vmem>>, vector<1x1x16xf32>,
      %swap3A_230 = vector.shape_cast %swap3A_229 : vector<1x1x16xf32> to vector<16xf32>
      %swap3A_231 = vector.shape_cast %broadcast_in_dim3A_22 : vector<16xf32> to vector<1x1x16xf32>
      tpu.vector_store %arg9[%swap3A_226, %swap3A_227, %swap3A_228], %swap3A_231 {strides = array<i32>} : memref<2x128x64xf32, #tpu.memory_space<vmem>>, vector<1x1x16xf32>,
      %swap3A_232 = arith.constant 0 : i32
      %swap3A_233 = arith.index_cast %swap3A_232 : i32 to index
      %swap3A_234 = arith.index_cast %scan3A_225 : i32 to index
      %swap3A_235 = arith.constant 16 : index
      %swap3A_236 = tpu.vector_load %arg9[%swap3A_233, %swap3A_234, %swap3A_235] {strides = array<i32>} : memref<2x128x64xf32, #tpu.memory_space<vmem>>, vector<1x1x16xf32>,
      %swap3A_237 = vector.shape_cast %swap3A_236 : vector<1x1x16xf32> to vector<16xf32>
      %swap3A_238 = vector.shape_cast %broadcast_in_dim3A_22 : vector<16xf32> to vector<1x1x16xf32>
      tpu.vector_store %arg9[%swap3A_233, %swap3A_234, %swap3A_235], %swap3A_238 {strides = array<i32>} : memref<2x128x64xf32, #tpu.memory_space<vmem>>, vector<1x1x16xf32>,
      %swap3A_239 = arith.constant 0 : i32
      %swap3A_240 = arith.index_cast %swap3A_239 : i32 to index
      %swap3A_241 = arith.index_cast %scan3A_225 : i32 to index
      %swap3A_242 = arith.constant 32 : index
      %swap3A_243 = tpu.vector_load %arg9[%swap3A_240, %swap3A_241, %swap3A_242] {strides = array<i32>} : memref<2x128x64xf32, #tpu.memory_space<vmem>>, vector<1x1x16xf32>,
      %swap3A_244 = vector.shape_cast %swap3A_243 : vector<1x1x16xf32> to vector<16xf32>
      %swap3A_245 = vector.shape_cast %broadcast_in_dim3A_22 : vector<16xf32> to vector<1x1x16xf32>
      tpu.vector_store %arg9[%swap3A_240, %swap3A_241, %swap3A_242], %swap3A_245 {strides = array<i32>} : memref<2x128x64xf32, #tpu.memory_space<vmem>>, vector<1x1x16xf32>,
      %swap3A_246 = arith.constant 0 : i32
      %swap3A_247 = arith.index_cast %swap3A_246 : i32 to index
      %swap3A_248 = arith.index_cast %scan3A_225 : i32 to index
      %swap3A_249 = arith.constant 48 : index
      %swap3A_250 = tpu.vector_load %arg9[%swap3A_247, %swap3A_248, %swap3A_249] {strides = array<i32>} : memref<2x128x64xf32, #tpu.memory_space<vmem>>, vector<1x1x16xf32>,
      %swap3A_251 = vector.shape_cast %swap3A_250 : vector<1x1x16xf32> to vector<16xf32>
      %swap3A_252 = vector.shape_cast %broadcast_in_dim3A_22 : vector<16xf32> to vector<1x1x16xf32>
      tpu.vector_store %arg9[%swap3A_247, %swap3A_248, %swap3A_249], %swap3A_252 {strides = array<i32>} : memref<2x128x64xf32, #tpu.memory_space<vmem>>, vector<1x1x16xf32>,
    }
    %scan3A_27 = arith.constant 128 : i32
    %add3A_28 = arith.constant 0 : i32
    %add3A_29 = arith.addi %mul3A_2, %add3A_28 : i32
    %dma_start3A_30 = arith.constant 0 : i32
    %dma_start3A_31 = arith.constant 0 : i32
    %dma_start3A_32 = arith.constant 0 : i32
    %dma_start3A_33 = tpu.memref_slice %arg9[%dma_start3A_30, %dma_start3A_31, %dma_start3A_32] : memref<2x128x64xf32, #tpu.memory_space<vmem>> -> memref<1x128x64xf32, #tpu.memory_space<vmem>>
    %dma_start3A_34 = tpu.memref_squeeze %dma_start3A_33 : memref<1x128x64xf32, #tpu.memory_space<vmem>> -> memref<128x64xf32, #tpu.memory_space<vmem>>
    %dma_start3A_35 = arith.constant 0 : i32
    %dma_start3A_36 = tpu.memref_slice %arg11[%add3A_29, %dma_start3A_35] : memref<10240x64xf32, #tpu.memory_space<vmem_shared>> -> memref<128x64xf32, #tpu.memory_space<vmem_shared>>
    %dma_start3A_37 = arith.constant 0 : i32
    %dma_start3A_38 = tpu.memref_slice %arg11[%add3A_29, %dma_start3A_37] : memref<10240x64xf32, #tpu.memory_space<vmem_shared>> -> memref<128x64xf32, #tpu.memory_space<vmem_shared>>
    %dma_start3A_39 = arith.constant 0 : i32
    %dma_start3A_40 = arith.constant 0 : i32
    %dma_start3A_41 = tpu.memref_slice %arg9[%dma_start3A_30, %dma_start3A_39, %dma_start3A_40] : memref<2x128x64xf32, #tpu.memory_space<vmem>> -> memref<1x128x64xf32, #tpu.memory_space<vmem>>
    %dma_start3A_42 = tpu.memref_squeeze %dma_start3A_41 : memref<1x128x64xf32, #tpu.memory_space<vmem>> -> memref<128x64xf32, #tpu.memory_space<vmem>>
    tpu.enqueue_dma source(%dma_start3A_42 : memref<128x64xf32, #tpu.memory_space<vmem>>) target(%dma_start3A_38 : memref<128x64xf32, #tpu.memory_space<vmem_shared>>) target_semaphore(%arg15 : memref<!tpu.dma_semaphore, #tpu.memory_space<semaphore_mem>>)
    %add3A_43 = arith.constant 128 : i32
    %add3A_44 = arith.addi %mul3A_2, %add3A_43 : i32
    %dma_start3A_45 = arith.constant 0 : i32
    %dma_start3A_46 = arith.constant 0 : i32
    %dma_start3A_47 = arith.constant 0 : i32
    %dma_start3A_48 = tpu.memref_slice %arg9[%dma_start3A_45, %dma_start3A_46, %dma_start3A_47] : memref<2x128x64xf32, #tpu.memory_space<vmem>> -> memref<1x128x64xf32, #tpu.memory_space<vmem>>
    %dma_start3A_49 = tpu.memref_squeeze %dma_start3A_48 : memref<1x128x64xf32, #tpu.memory_space<vmem>> -> memref<128x64xf32, #tpu.memory_space<vmem>>
    %dma_start3A_50 = arith.constant 0 : i32
    %dma_start3A_51 = tpu.memref_slice %arg11[%add3A_44, %dma_start3A_50] : memref<10240x64xf32, #tpu.memory_space<vmem_shared>> -> memref<128x64xf32, #tpu.memory_space<vmem_shared>>
    %dma_start3A_52 = arith.constant 0 : i32
    %dma_start3A_53 = tpu.memref_slice %arg11[%add3A_44, %dma_start3A_52] : memref<10240x64xf32, #tpu.memory_space<vmem_shared>> -> memref<128x64xf32, #tpu.memory_space<vmem_shared>>
    %dma_start3A_54 = arith.constant 0 : i32
    %dma_start3A_55 = arith.constant 0 : i32
    %dma_start3A_56 = tpu.memref_slice %arg9[%dma_start3A_45, %dma_start3A_54, %dma_start3A_55] : memref<2x128x64xf32, #tpu.memory_space<vmem>> -> memref<1x128x64xf32, #tpu.memory_space<vmem>>
    %dma_start3A_57 = tpu.memref_squeeze %dma_start3A_56 : memref<1x128x64xf32, #tpu.memory_space<vmem>> -> memref<128x64xf32, #tpu.memory_space<vmem>>
    tpu.enqueue_dma source(%dma_start3A_57 : memref<128x64xf32, #tpu.memory_space<vmem>>) target(%dma_start3A_53 : memref<128x64xf32, #tpu.memory_space<vmem_shared>>) target_semaphore(%arg15 : memref<!tpu.dma_semaphore, #tpu.memory_space<semaphore_mem>>)
    %add3A_58 = arith.constant 256 : i32
    %add3A_59 = arith.addi %mul3A_2, %add3A_58 : i32
    %dma_start3A_60 = arith.constant 0 : i32
    %dma_start3A_61 = arith.constant 0 : i32
    %dma_start3A_62 = arith.constant 0 : i32
    %dma_start3A_63 = tpu.memref_slice %arg9[%dma_start3A_60, %dma_start3A_61, %dma_start3A_62] : memref<2x128x64xf32, #tpu.memory_space<vmem>> -> memref<1x128x64xf32, #tpu.memory_space<vmem>>
    %dma_start3A_64 = tpu.memref_squeeze %dma_start3A_63 : memref<1x128x64xf32, #tpu.memory_space<vmem>> -> memref<128x64xf32, #tpu.memory_space<vmem>>
    %dma_start3A_65 = arith.constant 0 : i32
    %dma_start3A_66 = tpu.memref_slice %arg11[%add3A_59, %dma_start3A_65] : memref<10240x64xf32, #tpu.memory_space<vmem_shared>> -> memref<128x64xf32, #tpu.memory_space<vmem_shared>>
    %dma_start3A_67 = arith.constant 0 : i32
    %dma_start3A_68 = tpu.memref_slice %arg11[%add3A_59, %dma_start3A_67] : memref<10240x64xf32, #tpu.memory_space<vmem_shared>> -> memref<128x64xf32, #tpu.memory_space<vmem_shared>>
    %dma_start3A_69 = arith.constant 0 : i32
    %dma_start3A_70 = arith.constant 0 : i32
    %dma_start3A_71 = tpu.memref_slice %arg9[%dma_start3A_60, %dma_start3A_69, %dma_start3A_70] : memref<2x128x64xf32, #tpu.memory_space<vmem>> -> memref<1x128x64xf32, #tpu.memory_space<vmem>>
    %dma_start3A_72 = tpu.memref_squeeze %dma_start3A_71 : memref<1x128x64xf32, #tpu.memory_space<vmem>> -> memref<128x64xf32, #tpu.memory_space<vmem>>
    tpu.enqueue_dma source(%dma_start3A_72 : memref<128x64xf32, #tpu.memory_space<vmem>>) target(%dma_start3A_68 : memref<128x64xf32, #tpu.memory_space<vmem_shared>>) target_semaphore(%arg15 : memref<!tpu.dma_semaphore, #tpu.memory_space<semaphore_mem>>)
    %add3A_73 = arith.constant 384 : i32
    %add3A_74 = arith.addi %mul3A_2, %add3A_73 : i32
    %dma_start3A_75 = arith.constant 0 : i32
    %dma_start3A_76 = arith.constant 0 : i32
    %dma_start3A_77 = arith.constant 0 : i32
    %dma_start3A_78 = tpu.memref_slice %arg9[%dma_start3A_75, %dma_start3A_76, %dma_start3A_77] : memref<2x128x64xf32, #tpu.memory_space<vmem>> -> memref<1x128x64xf32, #tpu.memory_space<vmem>>
    %dma_start3A_79 = tpu.memref_squeeze %dma_start3A_78 : memref<1x128x64xf32, #tpu.memory_space<vmem>> -> memref<128x64xf32, #tpu.memory_space<vmem>>
    %dma_start3A_80 = arith.constant 0 : i32
    %dma_start3A_81 = tpu.memref_slice %arg11[%add3A_74, %dma_start3A_80] : memref<10240x64xf32, #tpu.memory_space<vmem_shared>> -> memref<128x64xf32, #tpu.memory_space<vmem_shared>>
    %dma_start3A_82 = arith.constant 0 : i32
    %dma_start3A_83 = tpu.memref_slice %arg11[%add3A_74, %dma_start3A_82] : memref<10240x64xf32, #tpu.memory_space<vmem_shared>> -> memref<128x64xf32, #tpu.memory_space<vmem_shared>>
    %dma_start3A_84 = arith.constant 0 : i32
    %dma_start3A_85 = arith.constant 0 : i32
    %dma_start3A_86 = tpu.memref_slice %arg9[%dma_start3A_75, %dma_start3A_84, %dma_start3A_85] : memref<2x128x64xf32, #tpu.memory_space<vmem>> -> memref<1x128x64xf32, #tpu.memory_space<vmem>>
    %dma_start3A_87 = tpu.memref_squeeze %dma_start3A_86 : memref<1x128x64xf32, #tpu.memory_space<vmem>> -> memref<128x64xf32, #tpu.memory_space<vmem>>
    tpu.enqueue_dma source(%dma_start3A_87 : memref<128x64xf32, #tpu.memory_space<vmem>>) target(%dma_start3A_83 : memref<128x64xf32, #tpu.memory_space<vmem_shared>>) target_semaphore(%arg15 : memref<!tpu.dma_semaphore, #tpu.memory_space<semaphore_mem>>)
    %add3A_88 = arith.constant 512 : i32
    %add3A_89 = arith.addi %mul3A_2, %add3A_88 : i32
    %dma_start3A_90 = arith.constant 0 : i32
    %dma_start3A_91 = arith.constant 0 : i32
    %dma_start3A_92 = arith.constant 0 : i32
    %dma_start3A_93 = tpu.memref_slice %arg9[%dma_start3A_90, %dma_start3A_91, %dma_start3A_92] : memref<2x128x64xf32, #tpu.memory_space<vmem>> -> memref<1x128x64xf32, #tpu.memory_space<vmem>>
    %dma_start3A_94 = tpu.memref_squeeze %dma_start3A_93 : memref<1x128x64xf32, #tpu.memory_space<vmem>> -> memref<128x64xf32, #tpu.memory_space<vmem>>
    %dma_start3A_95 = arith.constant 0 : i32
    %dma_start3A_96 = tpu.memref_slice %arg11[%add3A_89, %dma_start3A_95] : memref<10240x64xf32, #tpu.memory_space<vmem_shared>> -> memref<128x64xf32, #tpu.memory_space<vmem_shared>>
    %dma_start3A_97 = arith.constant 0 : i32
    %dma_start3A_98 = tpu.memref_slice %arg11[%add3A_89, %dma_start3A_97] : memref<10240x64xf32, #tpu.memory_space<vmem_shared>> -> memref<128x64xf32, #tpu.memory_space<vmem_shared>>
    %dma_start3A_99 = arith.constant 0 : i32
    %dma_start3A_100 = arith.constant 0 : i32
    %dma_start3A_101 = tpu.memref_slice %arg9[%dma_start3A_90, %dma_start3A_99, %dma_start3A_100] : memref<2x128x64xf32, #tpu.memory_space<vmem>> -> memref<1x128x64xf32, #tpu.memory_space<vmem>>
    %dma_start3A_102 = tpu.memref_squeeze %dma_start3A_101 : memref<1x128x64xf32, #tpu.memory_space<vmem>> -> memref<128x64xf32, #tpu.memory_space<vmem>>
    tpu.enqueue_dma source(%dma_start3A_102 : memref<128x64xf32, #tpu.memory_space<vmem>>) target(%dma_start3A_98 : memref<128x64xf32, #tpu.memory_space<vmem_shared>>) target_semaphore(%arg15 : memref<!tpu.dma_semaphore, #tpu.memory_space<semaphore_mem>>)
    %dma_wait3A = arith.constant 0 : i32
    %dma_wait3A_103 = arith.constant 0 : i32
    %dma_wait3A_104 = tpu.memref_slice %arg3[%add3A, %dma_wait3A, %dma_wait3A_103] : memref<32x80x128xi32, #tpu.memory_space<hbm>> -> memref<1x80x128xi32, #tpu.memory_space<hbm>>
    %dma_wait3A_105 = tpu.memref_squeeze %dma_wait3A_104 : memref<1x80x128xi32, #tpu.memory_space<hbm>> -> memref<80x128xi32, #tpu.memory_space<hbm>>
    %dma_wait3A_106 = arith.constant 0 : i32
    %dma_wait3A_107 = arith.constant 0 : i32
    %dma_wait3A_108 = tpu.memref_slice %arg3[%add3A, %dma_wait3A_106, %dma_wait3A_107] : memref<32x80x128xi32, #tpu.memory_space<hbm>> -> memref<1x80x128xi32, #tpu.memory_space<hbm>>
    %dma_wait3A_109 = tpu.memref_squeeze %dma_wait3A_108 : memref<1x80x128xi32, #tpu.memory_space<hbm>> -> memref<80x128xi32, #tpu.memory_space<hbm>>
    tpu.wait_dma2 semaphore(%arg13 : memref<!tpu.dma_semaphore, #tpu.memory_space<semaphore_mem>>) src(%dma_wait3A_109 : memref<80x128xi32, #tpu.memory_space<hbm>>) dst(%arg7 : memref<80x128xi32, #tpu.memory_space<vmem>>)
    %dma_wait3A_110 = arith.constant 0 : i32
    %dma_wait3A_111 = arith.constant 0 : i32
    %dma_wait3A_112 = tpu.memref_slice %arg4[%add3A, %dma_wait3A_110, %dma_wait3A_111] : memref<32x80x128xi32, #tpu.memory_space<hbm>> -> memref<1x80x128xi32, #tpu.memory_space<hbm>>
    %dma_wait3A_113 = tpu.memref_squeeze %dma_wait3A_112 : memref<1x80x128xi32, #tpu.memory_space<hbm>> -> memref<80x128xi32, #tpu.memory_space<hbm>>
    %dma_wait3A_114 = arith.constant 0 : i32
    %dma_wait3A_115 = arith.constant 0 : i32
    %dma_wait3A_116 = tpu.memref_slice %arg4[%add3A, %dma_wait3A_114, %dma_wait3A_115] : memref<32x80x128xi32, #tpu.memory_space<hbm>> -> memref<1x80x128xi32, #tpu.memory_space<hbm>>
    %dma_wait3A_117 = tpu.memref_squeeze %dma_wait3A_116 : memref<1x80x128xi32, #tpu.memory_space<hbm>> -> memref<80x128xi32, #tpu.memory_space<hbm>>
    tpu.wait_dma2 semaphore(%arg14 : memref<!tpu.dma_semaphore, #tpu.memory_space<semaphore_mem>>) src(%dma_wait3A_117 : memref<80x128xi32, #tpu.memory_space<hbm>>) dst(%arg8 : memref<80x128xi32, #tpu.memory_space<vmem>>)
    %dma_wait3A_118 = arith.constant 0 : i32
    %dma_wait3A_119 = tpu.memref_slice %arg10[%mul3A_2, %dma_wait3A_118] : memref<10240x64xf32, #tpu.memory_space<vmem_shared>> -> memref<640x64xf32, #tpu.memory_space<vmem_shared>>
    %dma_wait3A_120 = arith.constant 0 : i32
    %dma_wait3A_121 = tpu.memref_slice %arg2[%mul3A_2, %dma_wait3A_120] : memref<10240x64xf32, #tpu.memory_space<hbm>> -> memref<640x64xf32, #tpu.memory_space<hbm>>
    tpu.wait_dma2 semaphore(%arg12 : memref<!tpu.dma_semaphore, #tpu.memory_space<semaphore_mem>>) src(%dma_wait3A_121 : memref<640x64xf32, #tpu.memory_space<hbm>>) dst(%dma_wait3A_119 : memref<640x64xf32, #tpu.memory_space<vmem_shared>>)
    %dma_wait3A_122 = arith.constant 0 : i32
    %dma_wait3A_123 = arith.constant 0 : i32
    %dma_wait3A_124 = arith.constant 0 : i32
    %dma_wait3A_125 = tpu.memref_slice %arg9[%dma_wait3A_122, %dma_wait3A_123, %dma_wait3A_124] : memref<2x128x64xf32, #tpu.memory_space<vmem>> -> memref<1x128x64xf32, #tpu.memory_space<vmem>>
    %dma_wait3A_126 = tpu.memref_squeeze %dma_wait3A_125 : memref<1x128x64xf32, #tpu.memory_space<vmem>> -> memref<128x64xf32, #tpu.memory_space<vmem>>
    %dma_wait3A_127 = arith.constant 0 : i32
    %dma_wait3A_128 = tpu.memref_slice %arg11[%add3A_29, %dma_wait3A_127] : memref<10240x64xf32, #tpu.memory_space<vmem_shared>> -> memref<128x64xf32, #tpu.memory_space<vmem_shared>>
    %dma_wait3A_129 = arith.constant 0 : i32
    %dma_wait3A_130 = tpu.memref_slice %arg11[%add3A_29, %dma_wait3A_129] : memref<10240x64xf32, #tpu.memory_space<vmem_shared>> -> memref<128x64xf32, #tpu.memory_space<vmem_shared>>
    %dma_wait3A_131 = arith.constant 0 : i32
    %dma_wait3A_132 = arith.constant 0 : i32
    %dma_wait3A_133 = tpu.memref_slice %arg9[%dma_wait3A_122, %dma_wait3A_131, %dma_wait3A_132] : memref<2x128x64xf32, #tpu.memory_space<vmem>> -> memref<1x128x64xf32, #tpu.memory_space<vmem>>
    %dma_wait3A_134 = tpu.memref_squeeze %dma_wait3A_133 : memref<1x128x64xf32, #tpu.memory_space<vmem>> -> memref<128x64xf32, #tpu.memory_space<vmem>>
    tpu.wait_dma2 semaphore(%arg15 : memref<!tpu.dma_semaphore, #tpu.memory_space<semaphore_mem>>) src(%dma_wait3A_134 : memref<128x64xf32, #tpu.memory_space<vmem>>) dst(%dma_wait3A_130 : memref<128x64xf32, #tpu.memory_space<vmem_shared>>)
    %dma_wait3A_135 = arith.constant 0 : i32
    %dma_wait3A_136 = arith.constant 0 : i32
    %dma_wait3A_137 = arith.constant 0 : i32
    %dma_wait3A_138 = tpu.memref_slice %arg9[%dma_wait3A_135, %dma_wait3A_136, %dma_wait3A_137] : memref<2x128x64xf32, #tpu.memory_space<vmem>> -> memref<1x128x64xf32, #tpu.memory_space<vmem>>
    %dma_wait3A_139 = tpu.memref_squeeze %dma_wait3A_138 : memref<1x128x64xf32, #tpu.memory_space<vmem>> -> memref<128x64xf32, #tpu.memory_space<vmem>>
    %dma_wait3A_140 = arith.constant 0 : i32
    %dma_wait3A_141 = tpu.memref_slice %arg11[%add3A_44, %dma_wait3A_140] : memref<10240x64xf32, #tpu.memory_space<vmem_shared>> -> memref<128x64xf32, #tpu.memory_space<vmem_shared>>
    %dma_wait3A_142 = arith.constant 0 : i32
    %dma_wait3A_143 = tpu.memref_slice %arg11[%add3A_44, %dma_wait3A_142] : memref<10240x64xf32, #tpu.memory_space<vmem_shared>> -> memref<128x64xf32, #tpu.memory_space<vmem_shared>>
    %dma_wait3A_144 = arith.constant 0 : i32
    %dma_wait3A_145 = arith.constant 0 : i32
    %dma_wait3A_146 = tpu.memref_slice %arg9[%dma_wait3A_135, %dma_wait3A_144, %dma_wait3A_145] : memref<2x128x64xf32, #tpu.memory_space<vmem>> -> memref<1x128x64xf32, #tpu.memory_space<vmem>>
    %dma_wait3A_147 = tpu.memref_squeeze %dma_wait3A_146 : memref<1x128x64xf32, #tpu.memory_space<vmem>> -> memref<128x64xf32, #tpu.memory_space<vmem>>
    tpu.wait_dma2 semaphore(%arg15 : memref<!tpu.dma_semaphore, #tpu.memory_space<semaphore_mem>>) src(%dma_wait3A_147 : memref<128x64xf32, #tpu.memory_space<vmem>>) dst(%dma_wait3A_143 : memref<128x64xf32, #tpu.memory_space<vmem_shared>>)
    %dma_wait3A_148 = arith.constant 0 : i32
    %dma_wait3A_149 = arith.constant 0 : i32
    %dma_wait3A_150 = arith.constant 0 : i32
    %dma_wait3A_151 = tpu.memref_slice %arg9[%dma_wait3A_148, %dma_wait3A_149, %dma_wait3A_150] : memref<2x128x64xf32, #tpu.memory_space<vmem>> -> memref<1x128x64xf32, #tpu.memory_space<vmem>>
    %dma_wait3A_152 = tpu.memref_squeeze %dma_wait3A_151 : memref<1x128x64xf32, #tpu.memory_space<vmem>> -> memref<128x64xf32, #tpu.memory_space<vmem>>
    %dma_wait3A_153 = arith.constant 0 : i32
    %dma_wait3A_154 = tpu.memref_slice %arg11[%add3A_59, %dma_wait3A_153] : memref<10240x64xf32, #tpu.memory_space<vmem_shared>> -> memref<128x64xf32, #tpu.memory_space<vmem_shared>>
    %dma_wait3A_155 = arith.constant 0 : i32
    %dma_wait3A_156 = tpu.memref_slice %arg11[%add3A_59, %dma_wait3A_155] : memref<10240x64xf32, #tpu.memory_space<vmem_shared>> -> memref<128x64xf32, #tpu.memory_space<vmem_shared>>
    %dma_wait3A_157 = arith.constant 0 : i32
    %dma_wait3A_158 = arith.constant 0 : i32
    %dma_wait3A_159 = tpu.memref_slice %arg9[%dma_wait3A_148, %dma_wait3A_157, %dma_wait3A_158] : memref<2x128x64xf32, #tpu.memory_space<vmem>> -> memref<1x128x64xf32, #tpu.memory_space<vmem>>
    %dma_wait3A_160 = tpu.memref_squeeze %dma_wait3A_159 : memref<1x128x64xf32, #tpu.memory_space<vmem>> -> memref<128x64xf32, #tpu.memory_space<vmem>>
    tpu.wait_dma2 semaphore(%arg15 : memref<!tpu.dma_semaphore, #tpu.memory_space<semaphore_mem>>) src(%dma_wait3A_160 : memref<128x64xf32, #tpu.memory_space<vmem>>) dst(%dma_wait3A_156 : memref<128x64xf32, #tpu.memory_space<vmem_shared>>)
    %dma_wait3A_161 = arith.constant 0 : i32
    %dma_wait3A_162 = arith.constant 0 : i32
    %dma_wait3A_163 = arith.constant 0 : i32
    %dma_wait3A_164 = tpu.memref_slice %arg9[%dma_wait3A_161, %dma_wait3A_162, %dma_wait3A_163] : memref<2x128x64xf32, #tpu.memory_space<vmem>> -> memref<1x128x64xf32, #tpu.memory_space<vmem>>
    %dma_wait3A_165 = tpu.memref_squeeze %dma_wait3A_164 : memref<1x128x64xf32, #tpu.memory_space<vmem>> -> memref<128x64xf32, #tpu.memory_space<vmem>>
    %dma_wait3A_166 = arith.constant 0 : i32
    %dma_wait3A_167 = tpu.memref_slice %arg11[%add3A_74, %dma_wait3A_166] : memref<10240x64xf32, #tpu.memory_space<vmem_shared>> -> memref<128x64xf32, #tpu.memory_space<vmem_shared>>
    %dma_wait3A_168 = arith.constant 0 : i32
    %dma_wait3A_169 = tpu.memref_slice %arg11[%add3A_74, %dma_wait3A_168] : memref<10240x64xf32, #tpu.memory_space<vmem_shared>> -> memref<128x64xf32, #tpu.memory_space<vmem_shared>>
    %dma_wait3A_170 = arith.constant 0 : i32
    %dma_wait3A_171 = arith.constant 0 : i32
    %dma_wait3A_172 = tpu.memref_slice %arg9[%dma_wait3A_161, %dma_wait3A_170, %dma_wait3A_171] : memref<2x128x64xf32, #tpu.memory_space<vmem>> -> memref<1x128x64xf32, #tpu.memory_space<vmem>>
    %dma_wait3A_173 = tpu.memref_squeeze %dma_wait3A_172 : memref<1x128x64xf32, #tpu.memory_space<vmem>> -> memref<128x64xf32, #tpu.memory_space<vmem>>
    tpu.wait_dma2 semaphore(%arg15 : memref<!tpu.dma_semaphore, #tpu.memory_space<semaphore_mem>>) src(%dma_wait3A_173 : memref<128x64xf32, #tpu.memory_space<vmem>>) dst(%dma_wait3A_169 : memref<128x64xf32, #tpu.memory_space<vmem_shared>>)
    %dma_wait3A_174 = arith.constant 0 : i32
    %dma_wait3A_175 = arith.constant 0 : i32
    %dma_wait3A_176 = arith.constant 0 : i32
    %dma_wait3A_177 = tpu.memref_slice %arg9[%dma_wait3A_174, %dma_wait3A_175, %dma_wait3A_176] : memref<2x128x64xf32, #tpu.memory_space<vmem>> -> memref<1x128x64xf32, #tpu.memory_space<vmem>>
    %dma_wait3A_178 = tpu.memref_squeeze %dma_wait3A_177 : memref<1x128x64xf32, #tpu.memory_space<vmem>> -> memref<128x64xf32, #tpu.memory_space<vmem>>
    %dma_wait3A_179 = arith.constant 0 : i32
    %dma_wait3A_180 = tpu.memref_slice %arg11[%add3A_89, %dma_wait3A_179] : memref<10240x64xf32, #tpu.memory_space<vmem_shared>> -> memref<128x64xf32, #tpu.memory_space<vmem_shared>>
    %dma_wait3A_181 = arith.constant 0 : i32
    %dma_wait3A_182 = tpu.memref_slice %arg11[%add3A_89, %dma_wait3A_181] : memref<10240x64xf32, #tpu.memory_space<vmem_shared>> -> memref<128x64xf32, #tpu.memory_space<vmem_shared>>
    %dma_wait3A_183 = arith.constant 0 : i32
    %dma_wait3A_184 = arith.constant 0 : i32
    %dma_wait3A_185 = tpu.memref_slice %arg9[%dma_wait3A_174, %dma_wait3A_183, %dma_wait3A_184] : memref<2x128x64xf32, #tpu.memory_space<vmem>> -> memref<1x128x64xf32, #tpu.memory_space<vmem>>
    %dma_wait3A_186 = tpu.memref_squeeze %dma_wait3A_185 : memref<1x128x64xf32, #tpu.memory_space<vmem>> -> memref<128x64xf32, #tpu.memory_space<vmem>>
    tpu.wait_dma2 semaphore(%arg15 : memref<!tpu.dma_semaphore, #tpu.memory_space<semaphore_mem>>) src(%dma_wait3A_186 : memref<128x64xf32, #tpu.memory_space<vmem>>) dst(%dma_wait3A_182 : memref<128x64xf32, #tpu.memory_space<vmem_shared>>)
    %barrier3A = arith.constant 0 : index
    tpu.barrier barrier_id(%barrier3A)
    %dma_start3A_187 = arith.constant 0 : i32
    %dma_start3A_188 = arith.constant 0 : i32
    %dma_start3A_189 = arith.constant 0 : i32
    %dma_start3A_190 = arith.constant 0 : i32
    %dma_start3A_191 = tpu.memref_slice %arg9[%dma_start3A_188, %dma_start3A_189, %dma_start3A_190] : memref<2x128x64xf32, #tpu.memory_space<vmem>> -> memref<1x128x64xf32, #tpu.memory_space<vmem>>
    %dma_start3A_192 = tpu.memref_squeeze %dma_start3A_191 : memref<1x128x64xf32, #tpu.memory_space<vmem>> -> memref<128x64xf32, #tpu.memory_space<vmem>>
    %dma_start3A_193 = arith.constant 0 : i32
    %dma_start3A_194 = tpu.memref_slice %arg7[%dma_start3A_187, %dma_start3A_193] : memref<80x128xi32, #tpu.memory_space<vmem>> -> memref<1x128xi32, #tpu.memory_space<vmem>>
    %dma_start3A_195 = tpu.memref_squeeze %dma_start3A_194 : memref<1x128xi32, #tpu.memory_space<vmem>> -> memref<128xi32, #tpu.memory_space<vmem>>
    %dma_start3A_196 = arith.constant 0 : i32
    %dma_start3A_197 = arith.constant 0 : i32
    %dma_start3A_198 = tpu.memref_slice %arg10[%dma_start3A_196, %dma_start3A_197] : memref<10240x64xf32, #tpu.memory_space<vmem_shared>> -> memref<10240x64xf32, #tpu.memory_space<vmem_shared>>
    tpu.enqueue_indirect_dma source(%dma_start3A_198 : memref<10240x64xf32, #tpu.memory_space<vmem_shared>>) target(%dma_start3A_192 : memref<128x64xf32, #tpu.memory_space<vmem>>) offsets(%dma_start3A_195 : memref<128xi32, #tpu.memory_space<vmem>>) semaphore(%arg12 : memref<!tpu.dma_semaphore, #tpu.memory_space<semaphore_mem>>)
    %scan3A_199 = arith.constant 0 : i32
    %scan3A_200 = arith.constant 0 : i32
    %scan3A_201 = arith.constant 80 : i32
    %scan3A_202 = arith.addi %scan3A_200, %scan3A_201 : i32
    %scan3A_203 = arith.constant 1 : i32
    scf.for %scan3A_225 = %scan3A_200 to %scan3A_202 step %scan3A_203  : i32 {
      %rem3A = arith.constant 2 : i32
      %rem3A_226 = arith.remsi %scan3A_225, %rem3A : i32
      %add3A_227 = arith.constant 1 : i32
      %add3A_228 = arith.addi %scan3A_225, %add3A_227 : i32
      %min3A = arith.constant 79 : i32
      %min3A_229 = arith.minsi %add3A_228, %min3A : i32
      %dma_wait3A_230 = arith.constant 0 : i32
      %dma_wait3A_231 = arith.constant 0 : i32
      %dma_wait3A_232 = tpu.memref_slice %arg9[%rem3A_226, %dma_wait3A_230, %dma_wait3A_231] : memref<2x128x64xf32, #tpu.memory_space<vmem>> -> memref<1x128x64xf32, #tpu.memory_space<vmem>>
      %dma_wait3A_233 = tpu.memref_squeeze %dma_wait3A_232 : memref<1x128x64xf32, #tpu.memory_space<vmem>> -> memref<128x64xf32, #tpu.memory_space<vmem>>
      %dma_wait3A_234 = arith.constant 0 : i32
      %dma_wait3A_235 = tpu.memref_slice %arg7[%scan3A_225, %dma_wait3A_234] : memref<80x128xi32, #tpu.memory_space<vmem>> -> memref<1x128xi32, #tpu.memory_space<vmem>>
      %dma_wait3A_236 = tpu.memref_squeeze %dma_wait3A_235 : memref<1x128xi32, #tpu.memory_space<vmem>> -> memref<128xi32, #tpu.memory_space<vmem>>
      %dma_wait3A_237 = arith.constant 0 : i32
      %dma_wait3A_238 = arith.constant 0 : i32
      %dma_wait3A_239 = tpu.memref_slice %arg10[%dma_wait3A_237, %dma_wait3A_238] : memref<10240x64xf32, #tpu.memory_space<vmem_shared>> -> memref<10240x64xf32, #tpu.memory_space<vmem_shared>>
      tpu.wait_indirect_dma semaphore(%arg12 : memref<!tpu.dma_semaphore, #tpu.memory_space<semaphore_mem>>) src(%dma_wait3A_239 : memref<10240x64xf32, #tpu.memory_space<vmem_shared>>) dst(%dma_wait3A_233 : memref<128x64xf32, #tpu.memory_space<vmem>>)
      %sub3A = arith.constant 1 : i32
      %sub3A_240 = arith.subi %sub3A, %rem3A_226 : i32
      %dma_start3A_241 = arith.constant 0 : i32
      %dma_start3A_242 = arith.constant 0 : i32
      %dma_start3A_243 = tpu.memref_slice %arg9[%sub3A_240, %dma_start3A_241, %dma_start3A_242] : memref<2x128x64xf32, #tpu.memory_space<vmem>> -> memref<1x128x64xf32, #tpu.memory_space<vmem>>
      %dma_start3A_244 = tpu.memref_squeeze %dma_start3A_243 : memref<1x128x64xf32, #tpu.memory_space<vmem>> -> memref<128x64xf32, #tpu.memory_space<vmem>>
      %dma_start3A_245 = arith.constant 0 : i32
      %dma_start3A_246 = tpu.memref_slice %arg7[%min3A_229, %dma_start3A_245] : memref<80x128xi32, #tpu.memory_space<vmem>> -> memref<1x128xi32, #tpu.memory_space<vmem>>
      %dma_start3A_247 = tpu.memref_squeeze %dma_start3A_246 : memref<1x128xi32, #tpu.memory_space<vmem>> -> memref<128xi32, #tpu.memory_space<vmem>>
      %dma_start3A_248 = arith.constant 0 : i32
      %dma_start3A_249 = arith.constant 0 : i32
      %dma_start3A_250 = tpu.memref_slice %arg10[%dma_start3A_248, %dma_start3A_249] : memref<10240x64xf32, #tpu.memory_space<vmem_shared>> -> memref<10240x64xf32, #tpu.memory_space<vmem_shared>>
      tpu.enqueue_indirect_dma source(%dma_start3A_250 : memref<10240x64xf32, #tpu.memory_space<vmem_shared>>) target(%dma_start3A_244 : memref<128x64xf32, #tpu.memory_space<vmem>>) offsets(%dma_start3A_247 : memref<128xi32, #tpu.memory_space<vmem>>) semaphore(%arg12 : memref<!tpu.dma_semaphore, #tpu.memory_space<semaphore_mem>>)
      "tpu.region"() ({
        %run_scoped3A = tpu.sem_alloc : memref<!tpu.dma_semaphore, #tpu.memory_space<semaphore_mem>>
        %dma_start3A_251 = arith.constant 0 : i32
        %dma_start3A_252 = arith.constant 0 : i32
        %dma_start3A_253 = tpu.memref_slice %arg9[%rem3A_226, %dma_start3A_251, %dma_start3A_252] : memref<2x128x64xf32, #tpu.memory_space<vmem>> -> memref<1x128x64xf32, #tpu.memory_space<vmem>>
        %dma_start3A_254 = tpu.memref_squeeze %dma_start3A_253 : memref<1x128x64xf32, #tpu.memory_space<vmem>> -> memref<128x64xf32, #tpu.memory_space<vmem>>
        %dma_start3A_255 = arith.constant 0 : i32
        %dma_start3A_256 = tpu.memref_slice %arg8[%scan3A_225, %dma_start3A_255] : memref<80x128xi32, #tpu.memory_space<vmem>> -> memref<1x128xi32, #tpu.memory_space<vmem>>
        %dma_start3A_257 = tpu.memref_squeeze %dma_start3A_256 : memref<1x128xi32, #tpu.memory_space<vmem>> -> memref<128xi32, #tpu.memory_space<vmem>>
        %dma_start3A_258 = arith.constant 0 : i32
        %dma_start3A_259 = arith.constant 0 : i32
        %dma_start3A_260 = tpu.memref_slice %arg11[%dma_start3A_258, %dma_start3A_259] : memref<10240x64xf32, #tpu.memory_space<vmem_shared>> -> memref<10240x64xf32, #tpu.memory_space<vmem_shared>>
        tpu.enqueue_indirect_dma source(%dma_start3A_254 : memref<128x64xf32, #tpu.memory_space<vmem>>) target(%dma_start3A_260 : memref<10240x64xf32, #tpu.memory_space<vmem_shared>>) offsets(%dma_start3A_257 : memref<128xi32, #tpu.memory_space<vmem>>) semaphore(%run_scoped3A : memref<!tpu.dma_semaphore, #tpu.memory_space<semaphore_mem>>) {add = true}
        %dma_wait3A_261 = arith.constant 0 : i32
        %dma_wait3A_262 = arith.constant 0 : i32
        %dma_wait3A_263 = tpu.memref_slice %arg9[%rem3A_226, %dma_wait3A_261, %dma_wait3A_262] : memref<2x128x64xf32, #tpu.memory_space<vmem>> -> memref<1x128x64xf32, #tpu.memory_space<vmem>>
        %dma_wait3A_264 = tpu.memref_squeeze %dma_wait3A_263 : memref<1x128x64xf32, #tpu.memory_space<vmem>> -> memref<128x64xf32, #tpu.memory_space<vmem>>
        %dma_wait3A_265 = arith.constant 0 : i32
        %dma_wait3A_266 = tpu.memref_slice %arg8[%scan3A_225, %dma_wait3A_265] : memref<80x128xi32, #tpu.memory_space<vmem>> -> memref<1x128xi32, #tpu.memory_space<vmem>>
        %dma_wait3A_267 = tpu.memref_squeeze %dma_wait3A_266 : memref<1x128xi32, #tpu.memory_space<vmem>> -> memref<128xi32, #tpu.memory_space<vmem>>
        %dma_wait3A_268 = arith.constant 0 : i32
        %dma_wait3A_269 = arith.constant 0 : i32
        %dma_wait3A_270 = tpu.memref_slice %arg11[%dma_wait3A_268, %dma_wait3A_269] : memref<10240x64xf32, #tpu.memory_space<vmem_shared>> -> memref<10240x64xf32, #tpu.memory_space<vmem_shared>>
        tpu.wait_indirect_dma semaphore(%run_scoped3A : memref<!tpu.dma_semaphore, #tpu.memory_space<semaphore_mem>>) src(%dma_wait3A_264 : memref<128x64xf32, #tpu.memory_space<vmem>>) dst(%dma_wait3A_270 : memref<10240x64xf32, #tpu.memory_space<vmem_shared>>)
        tpu.yield
      }) : () -> ()
    }
    %scan3A_204 = arith.constant 80 : i32
    %dma_wait3A_205 = arith.constant 0 : i32
    %dma_wait3A_206 = arith.constant 0 : i32
    %dma_wait3A_207 = arith.constant 0 : i32
    %dma_wait3A_208 = arith.constant 0 : i32
    %dma_wait3A_209 = tpu.memref_slice %arg9[%dma_wait3A_206, %dma_wait3A_207, %dma_wait3A_208] : memref<2x128x64xf32, #tpu.memory_space<vmem>> -> memref<1x128x64xf32, #tpu.memory_space<vmem>>
    %dma_wait3A_210 = tpu.memref_squeeze %dma_wait3A_209 : memref<1x128x64xf32, #tpu.memory_space<vmem>> -> memref<128x64xf32, #tpu.memory_space<vmem>>
    %dma_wait3A_211 = arith.constant 0 : i32
    %dma_wait3A_212 = tpu.memref_slice %arg7[%dma_wait3A_205, %dma_wait3A_211] : memref<80x128xi32, #tpu.memory_space<vmem>> -> memref<1x128xi32, #tpu.memory_space<vmem>>
    %dma_wait3A_213 = tpu.memref_squeeze %dma_wait3A_212 : memref<1x128xi32, #tpu.memory_space<vmem>> -> memref<128xi32, #tpu.memory_space<vmem>>
    %dma_wait3A_214 = arith.constant 0 : i32
    %dma_wait3A_215 = arith.constant 0 : i32
    %dma_wait3A_216 = tpu.memref_slice %arg10[%dma_wait3A_214, %dma_wait3A_215] : memref<10240x64xf32, #tpu.memory_space<vmem_shared>> -> memref<10240x64xf32, #tpu.memory_space<vmem_shared>>
    tpu.wait_indirect_dma semaphore(%arg12 : memref<!tpu.dma_semaphore, #tpu.memory_space<semaphore_mem>>) src(%dma_wait3A_216 : memref<10240x64xf32, #tpu.memory_space<vmem_shared>>) dst(%dma_wait3A_210 : memref<128x64xf32, #tpu.memory_space<vmem>>)
    %barrier3A_217 = arith.constant 0 : index
    tpu.barrier barrier_id(%barrier3A_217)
    %eq3A = arith.constant 0 : i32
    %eq3A_218 = arith.cmpi eq, %arg0, %eq3A : i32
    %convert_element_type3A = arith.extui %eq3A_218 : i1 to i32
    %cond3A = arith.constant 0 : i32
    %cond3A_219 = arith.cmpi ne, %convert_element_type3A, %cond3A : i32
    scf.if %cond3A_219 {
      "tpu.region"() ({
        %run_scoped3A = tpu.sem_alloc : memref<!tpu.dma_semaphore, #tpu.memory_space<semaphore_mem>>
        %dma_start3A_225 = arith.constant 0 : i32
        %dma_start3A_226 = tpu.memref_slice %arg5[%mul3A_2, %dma_start3A_225] : memref<10240x64xf32, #tpu.memory_space<hbm>> -> memref<640x64xf32, #tpu.memory_space<hbm>>
        %dma_start3A_227 = arith.constant 0 : i32
        %dma_start3A_228 = tpu.memref_slice %arg11[%mul3A_2, %dma_start3A_227] : memref<10240x64xf32, #tpu.memory_space<vmem_shared>> -> memref<640x64xf32, #tpu.memory_space<vmem_shared>>
        tpu.enqueue_dma source(%dma_start3A_228 : memref<640x64xf32, #tpu.memory_space<vmem_shared>>) target(%dma_start3A_226 : memref<640x64xf32, #tpu.memory_space<hbm>>) target_semaphore(%run_scoped3A : memref<!tpu.dma_semaphore, #tpu.memory_space<semaphore_mem>>)
        %dma_wait3A_229 = arith.constant 0 : i32
        %dma_wait3A_230 = tpu.memref_slice %arg5[%mul3A_2, %dma_wait3A_229] : memref<10240x64xf32, #tpu.memory_space<hbm>> -> memref<640x64xf32, #tpu.memory_space<hbm>>
        %dma_wait3A_231 = arith.constant 0 : i32
        %dma_wait3A_232 = tpu.memref_slice %arg11[%mul3A_2, %dma_wait3A_231] : memref<10240x64xf32, #tpu.memory_space<vmem_shared>> -> memref<640x64xf32, #tpu.memory_space<vmem_shared>>
        tpu.wait_dma2 semaphore(%run_scoped3A : memref<!tpu.dma_semaphore, #tpu.memory_space<semaphore_mem>>) src(%dma_wait3A_232 : memref<640x64xf32, #tpu.memory_space<vmem_shared>>) dst(%dma_wait3A_230 : memref<640x64xf32, #tpu.memory_space<hbm>>)
        tpu.yield
      }) : () -> ()
    } else {
    }
    %eq3A_220 = arith.constant 1 : i32
    %eq3A_221 = arith.cmpi eq, %arg0, %eq3A_220 : i32
    %convert_element_type3A_222 = arith.extui %eq3A_221 : i1 to i32
    %cond3A_223 = arith.constant 0 : i32
    %cond3A_224 = arith.cmpi ne, %convert_element_type3A_222, %cond3A_223 : i32
    scf.if %cond3A_224 {
      "tpu.region"() ({
        %run_scoped3A = tpu.sem_alloc : memref<!tpu.dma_semaphore, #tpu.memory_space<semaphore_mem>>
        %dma_start3A_225 = arith.constant 0 : i32
        %dma_start3A_226 = tpu.memref_slice %arg6[%mul3A_2, %dma_start3A_225] : memref<10240x64xf32, #tpu.memory_space<hbm>> -> memref<640x64xf32, #tpu.memory_space<hbm>>
        %dma_start3A_227 = arith.constant 0 : i32
        %dma_start3A_228 = tpu.memref_slice %arg11[%mul3A_2, %dma_start3A_227] : memref<10240x64xf32, #tpu.memory_space<vmem_shared>> -> memref<640x64xf32, #tpu.memory_space<vmem_shared>>
        tpu.enqueue_dma source(%dma_start3A_228 : memref<640x64xf32, #tpu.memory_space<vmem_shared>>) target(%dma_start3A_226 : memref<640x64xf32, #tpu.memory_space<hbm>>) target_semaphore(%run_scoped3A : memref<!tpu.dma_semaphore, #tpu.memory_space<semaphore_mem>>)
        %dma_wait3A_229 = arith.constant 0 : i32
        %dma_wait3A_230 = tpu.memref_slice %arg6[%mul3A_2, %dma_wait3A_229] : memref<10240x64xf32, #tpu.memory_space<hbm>> -> memref<640x64xf32, #tpu.memory_space<hbm>>
        %dma_wait3A_231 = arith.constant 0 : i32
        %dma_wait3A_232 = tpu.memref_slice %arg11[%mul3A_2, %dma_wait3A_231] : memref<10240x64xf32, #tpu.memory_space<vmem_shared>> -> memref<640x64xf32, #tpu.memory_space<vmem_shared>>
        tpu.wait_dma2 semaphore(%run_scoped3A : memref<!tpu.dma_semaphore, #tpu.memory_space<semaphore_mem>>) src(%dma_wait3A_232 : memref<640x64xf32, #tpu.memory_space<vmem_shared>>) dst(%dma_wait3A_230 : memref<640x64xf32, #tpu.memory_space<hbm>>)
        tpu.yield
      }) : () -> ()
    } else {
    }
    return
  }
}

#map = affine_map<(d0, d1) -> (0, 0)>
#map1 = affine_map<(d0, d1) -> (0, 0, 0)>
module attributes {stable_mosaic.version = 14 : i64} {
  func.func @_sc_body(%arg0: i32, %arg1: i32, %arg2: memref<10240x64xf32, #tpu.memory_space<hbm>>, %arg3: memref<32x80x128xi32, #tpu.memory_space<hbm>>, %arg4: memref<32x80x128xi32, #tpu.memory_space<hbm>>, %arg5: memref<10240x64xf32, #tpu.memory_space<hbm>>, %arg6: memref<10240x64xf32, #tpu.memory_space<hbm>>, %arg7: memref<80x128xi32, #tpu.memory_space<vmem>>, %arg8: memref<80x128xi32, #tpu.memory_space<vmem>>, %arg9: memref<2x128x64xf32, #tpu.memory_space<vmem>>, %arg10: memref<10240x64xf32, #tpu.memory_space<vmem_shared>>, %arg11: memref<10240x64xf32, #tpu.memory_space<vmem_shared>>, %arg12: memref<!tpu.dma_semaphore, #tpu.memory_space<semaphore_mem>>, %arg13: memref<!tpu.dma_semaphore, #tpu.memory_space<semaphore_mem>>, %arg14: memref<!tpu.dma_semaphore, #tpu.memory_space<semaphore_mem>>, %arg15: memref<!tpu.dma_semaphore, #tpu.memory_space<semaphore_mem>>) attributes {dimension_semantics = [#tpu.dimension_semantics<core_parallel>, #tpu.dimension_semantics<subcore_parallel>], iteration_bounds = array<i64: 2, 16>, scalar_prefetch = 0 : i64, scratch_operands = 9 : i64, tpu.core_type = #tpu.core_type<sc_vector_subcore>, window_params = [{transform_indices = #map}, {transform_indices = #map1}, {transform_indices = #map1}, {transform_indices = #map}, {transform_indices = #map}]} {
    %mul3A = arith.constant 16 : i32
    %mul3A_0 = arith.muli %arg0, %mul3A : i32
    %add3A = arith.addi %mul3A_0, %arg1 : i32
    %mul3A_1 = arith.constant 640 : i32
    %mul3A_2 = arith.muli %arg1, %mul3A_1 : i32
    %dma_start3A = arith.constant 0 : i32
    %dma_start3A_3 = arith.constant 0 : i32
    %dma_start3A_4 = tpu.memref_slice %arg3[%add3A, %dma_start3A, %dma_start3A_3] : memref<32x80x128xi32, #tpu.memory_space<hbm>> -> memref<1x80x128xi32, #tpu.memory_space<hbm>>
    %dma_start3A_5 = tpu.memref_squeeze %dma_start3A_4 : memref<1x80x128xi32, #tpu.memory_space<hbm>> -> memref<80x128xi32, #tpu.memory_space<hbm>>
    %dma_start3A_6 = arith.constant 0 : i32
    %dma_start3A_7 = arith.constant 0 : i32
    %dma_start3A_8 = tpu.memref_slice %arg3[%add3A, %dma_start3A_6, %dma_start3A_7] : memref<32x80x128xi32, #tpu.memory_space<hbm>> -> memref<1x80x128xi32, #tpu.memory_space<hbm>>
    %dma_start3A_9 = tpu.memref_squeeze %dma_start3A_8 : memref<1x80x128xi32, #tpu.memory_space<hbm>> -> memref<80x128xi32, #tpu.memory_space<hbm>>
    tpu.enqueue_dma source(%dma_start3A_9 : memref<80x128xi32, #tpu.memory_space<hbm>>) target(%arg7 : memref<80x128xi32, #tpu.memory_space<vmem>>) target_semaphore(%arg13 : memref<!tpu.dma_semaphore, #tpu.memory_space<semaphore_mem>>)
    %dma_start3A_10 = arith.constant 0 : i32
    %dma_start3A_11 = arith.constant 0 : i32
    %dma_start3A_12 = tpu.memref_slice %arg4[%add3A, %dma_start3A_10, %dma_start3A_11] : memref<32x80x128xi32, #tpu.memory_space<hbm>> -> memref<1x80x128xi32, #tpu.memory_space<hbm>>
    %dma_start3A_13 = tpu.memref_squeeze %dma_start3A_12 : memref<1x80x128xi32, #tpu.memory_space<hbm>> -> memref<80x128xi32, #tpu.memory_space<hbm>>
    %dma_start3A_14 = arith.constant 0 : i32
    %dma_start3A_15 = arith.constant 0 : i32
    %dma_start3A_16 = tpu.memref_slice %arg4[%add3A, %dma_start3A_14, %dma_start3A_15] : memref<32x80x128xi32, #tpu.memory_space<hbm>> -> memref<1x80x128xi32, #tpu.memory_space<hbm>>
    %dma_start3A_17 = tpu.memref_squeeze %dma_start3A_16 : memref<1x80x128xi32, #tpu.memory_space<hbm>> -> memref<80x128xi32, #tpu.memory_space<hbm>>
    tpu.enqueue_dma source(%dma_start3A_17 : memref<80x128xi32, #tpu.memory_space<hbm>>) target(%arg8 : memref<80x128xi32, #tpu.memory_space<vmem>>) target_semaphore(%arg14 : memref<!tpu.dma_semaphore, #tpu.memory_space<semaphore_mem>>)
    %dma_start3A_18 = arith.constant 0 : i32
    %dma_start3A_19 = tpu.memref_slice %arg10[%mul3A_2, %dma_start3A_18] : memref<10240x64xf32, #tpu.memory_space<vmem_shared>> -> memref<640x64xf32, #tpu.memory_space<vmem_shared>>
    %dma_start3A_20 = arith.constant 0 : i32
    %dma_start3A_21 = tpu.memref_slice %arg2[%mul3A_2, %dma_start3A_20] : memref<10240x64xf32, #tpu.memory_space<hbm>> -> memref<640x64xf32, #tpu.memory_space<hbm>>
    tpu.enqueue_dma source(%dma_start3A_21 : memref<640x64xf32, #tpu.memory_space<hbm>>) target(%dma_start3A_19 : memref<640x64xf32, #tpu.memory_space<vmem_shared>>) target_semaphore(%arg12 : memref<!tpu.dma_semaphore, #tpu.memory_space<semaphore_mem>>)
    %broadcast_in_dim3A = arith.constant 0.000000e+00 : f32
    %broadcast_in_dim3A_22 = vector.broadcast %broadcast_in_dim3A : f32 to vector<16xf32>
    %scan3A = arith.constant 0 : i32
    %scan3A_23 = arith.constant 0 : i32
    %scan3A_24 = arith.constant 128 : i32
    %scan3A_25 = arith.addi %scan3A_23, %scan3A_24 : i32
    %scan3A_26 = arith.constant 1 : i32
    scf.for %scan3A_225 = %scan3A_23 to %scan3A_25 step %scan3A_26  : i32 {
      %swap3A = arith.constant 0 : i32
      %swap3A_226 = arith.index_cast %swap3A : i32 to index
      %swap3A_227 = arith.index_cast %scan3A_225 : i32 to index
      %swap3A_228 = arith.constant 0 : index
      %swap3A_229 = tpu.vector_load %arg9[%swap3A_226, %swap3A_227, %swap3A_228] {strides = array<i32>} : memref<2x128x64xf32, #tpu.memory_space<vmem>>, vector<1x1x16xf32>,
      %swap3A_230 = vector.shape_cast %swap3A_229 : vector<1x1x16xf32> to vector<16xf32>
      %swap3A_231 = vector.shape_cast %broadcast_in_dim3A_22 : vector<16xf32> to vector<1x1x16xf32>
      tpu.vector_store %arg9[%swap3A_226, %swap3A_227, %swap3A_228], %swap3A_231 {strides = array<i32>} : memref<2x128x64xf32, #tpu.memory_space<vmem>>, vector<1x1x16xf32>,
      %swap3A_232 = arith.constant 0 : i32
      %swap3A_233 = arith.index_cast %swap3A_232 : i32 to index
      %swap3A_234 = arith.index_cast %scan3A_225 : i32 to index
      %swap3A_235 = arith.constant 16 : index
      %swap3A_236 = tpu.vector_load %arg9[%swap3A_233, %swap3A_234, %swap3A_235] {strides = array<i32>} : memref<2x128x64xf32, #tpu.memory_space<vmem>>, vector<1x1x16xf32>,
      %swap3A_237 = vector.shape_cast %swap3A_236 : vector<1x1x16xf32> to vector<16xf32>
      %swap3A_238 = vector.shape_cast %broadcast_in_dim3A_22 : vector<16xf32> to vector<1x1x16xf32>
      tpu.vector_store %arg9[%swap3A_233, %swap3A_234, %swap3A_235], %swap3A_238 {strides = array<i32>} : memref<2x128x64xf32, #tpu.memory_space<vmem>>, vector<1x1x16xf32>,
      %swap3A_239 = arith.constant 0 : i32
      %swap3A_240 = arith.index_cast %swap3A_239 : i32 to index
      %swap3A_241 = arith.index_cast %scan3A_225 : i32 to index
      %swap3A_242 = arith.constant 32 : index
      %swap3A_243 = tpu.vector_load %arg9[%swap3A_240, %swap3A_241, %swap3A_242] {strides = array<i32>} : memref<2x128x64xf32, #tpu.memory_space<vmem>>, vector<1x1x16xf32>,
      %swap3A_244 = vector.shape_cast %swap3A_243 : vector<1x1x16xf32> to vector<16xf32>
      %swap3A_245 = vector.shape_cast %broadcast_in_dim3A_22 : vector<16xf32> to vector<1x1x16xf32>
      tpu.vector_store %arg9[%swap3A_240, %swap3A_241, %swap3A_242], %swap3A_245 {strides = array<i32>} : memref<2x128x64xf32, #tpu.memory_space<vmem>>, vector<1x1x16xf32>,
      %swap3A_246 = arith.constant 0 : i32
      %swap3A_247 = arith.index_cast %swap3A_246 : i32 to index
      %swap3A_248 = arith.index_cast %scan3A_225 : i32 to index
      %swap3A_249 = arith.constant 48 : index
      %swap3A_250 = tpu.vector_load %arg9[%swap3A_247, %swap3A_248, %swap3A_249] {strides = array<i32>} : memref<2x128x64xf32, #tpu.memory_space<vmem>>, vector<1x1x16xf32>,
      %swap3A_251 = vector.shape_cast %swap3A_250 : vector<1x1x16xf32> to vector<16xf32>
      %swap3A_252 = vector.shape_cast %broadcast_in_dim3A_22 : vector<16xf32> to vector<1x1x16xf32>
      tpu.vector_store %arg9[%swap3A_247, %swap3A_248, %swap3A_249], %swap3A_252 {strides = array<i32>} : memref<2x128x64xf32, #tpu.memory_space<vmem>>, vector<1x1x16xf32>,
    }
    %scan3A_27 = arith.constant 128 : i32
    %add3A_28 = arith.constant 0 : i32
    %add3A_29 = arith.addi %mul3A_2, %add3A_28 : i32
    %dma_start3A_30 = arith.constant 0 : i32
    %dma_start3A_31 = arith.constant 0 : i32
    %dma_start3A_32 = arith.constant 0 : i32
    %dma_start3A_33 = tpu.memref_slice %arg9[%dma_start3A_30, %dma_start3A_31, %dma_start3A_32] : memref<2x128x64xf32, #tpu.memory_space<vmem>> -> memref<1x128x64xf32, #tpu.memory_space<vmem>>
    %dma_start3A_34 = tpu.memref_squeeze %dma_start3A_33 : memref<1x128x64xf32, #tpu.memory_space<vmem>> -> memref<128x64xf32, #tpu.memory_space<vmem>>
    %dma_start3A_35 = arith.constant 0 : i32
    %dma_start3A_36 = tpu.memref_slice %arg11[%add3A_29, %dma_start3A_35] : memref<10240x64xf32, #tpu.memory_space<vmem_shared>> -> memref<128x64xf32, #tpu.memory_space<vmem_shared>>
    %dma_start3A_37 = arith.constant 0 : i32
    %dma_start3A_38 = tpu.memref_slice %arg11[%add3A_29, %dma_start3A_37] : memref<10240x64xf32, #tpu.memory_space<vmem_shared>> -> memref<128x64xf32, #tpu.memory_space<vmem_shared>>
    %dma_start3A_39 = arith.constant 0 : i32
    %dma_start3A_40 = arith.constant 0 : i32
    %dma_start3A_41 = tpu.memref_slice %arg9[%dma_start3A_30, %dma_start3A_39, %dma_start3A_40] : memref<2x128x64xf32, #tpu.memory_space<vmem>> -> memref<1x128x64xf32, #tpu.memory_space<vmem>>
    %dma_start3A_42 = tpu.memref_squeeze %dma_start3A_41 : memref<1x128x64xf32, #tpu.memory_space<vmem>> -> memref<128x64xf32, #tpu.memory_space<vmem>>
    tpu.enqueue_dma source(%dma_start3A_42 : memref<128x64xf32, #tpu.memory_space<vmem>>) target(%dma_start3A_38 : memref<128x64xf32, #tpu.memory_space<vmem_shared>>) target_semaphore(%arg15 : memref<!tpu.dma_semaphore, #tpu.memory_space<semaphore_mem>>)
    %add3A_43 = arith.constant 128 : i32
    %add3A_44 = arith.addi %mul3A_2, %add3A_43 : i32
    %dma_start3A_45 = arith.constant 0 : i32
    %dma_start3A_46 = arith.constant 0 : i32
    %dma_start3A_47 = arith.constant 0 : i32
    %dma_start3A_48 = tpu.memref_slice %arg9[%dma_start3A_45, %dma_start3A_46, %dma_start3A_47] : memref<2x128x64xf32, #tpu.memory_space<vmem>> -> memref<1x128x64xf32, #tpu.memory_space<vmem>>
    %dma_start3A_49 = tpu.memref_squeeze %dma_start3A_48 : memref<1x128x64xf32, #tpu.memory_space<vmem>> -> memref<128x64xf32, #tpu.memory_space<vmem>>
    %dma_start3A_50 = arith.constant 0 : i32
    %dma_start3A_51 = tpu.memref_slice %arg11[%add3A_44, %dma_start3A_50] : memref<10240x64xf32, #tpu.memory_space<vmem_shared>> -> memref<128x64xf32, #tpu.memory_space<vmem_shared>>
    %dma_start3A_52 = arith.constant 0 : i32
    %dma_start3A_53 = tpu.memref_slice %arg11[%add3A_44, %dma_start3A_52] : memref<10240x64xf32, #tpu.memory_space<vmem_shared>> -> memref<128x64xf32, #tpu.memory_space<vmem_shared>>
    %dma_start3A_54 = arith.constant 0 : i32
    %dma_start3A_55 = arith.constant 0 : i32
    %dma_start3A_56 = tpu.memref_slice %arg9[%dma_start3A_45, %dma_start3A_54, %dma_start3A_55] : memref<2x128x64xf32, #tpu.memory_space<vmem>> -> memref<1x128x64xf32, #tpu.memory_space<vmem>>
    %dma_start3A_57 = tpu.memref_squeeze %dma_start3A_56 : memref<1x128x64xf32, #tpu.memory_space<vmem>> -> memref<128x64xf32, #tpu.memory_space<vmem>>
    tpu.enqueue_dma source(%dma_start3A_57 : memref<128x64xf32, #tpu.memory_space<vmem>>) target(%dma_start3A_53 : memref<128x64xf32, #tpu.memory_space<vmem_shared>>) target_semaphore(%arg15 : memref<!tpu.dma_semaphore, #tpu.memory_space<semaphore_mem>>)
    %add3A_58 = arith.constant 256 : i32
    %add3A_59 = arith.addi %mul3A_2, %add3A_58 : i32
    %dma_start3A_60 = arith.constant 0 : i32
    %dma_start3A_61 = arith.constant 0 : i32
    %dma_start3A_62 = arith.constant 0 : i32
    %dma_start3A_63 = tpu.memref_slice %arg9[%dma_start3A_60, %dma_start3A_61, %dma_start3A_62] : memref<2x128x64xf32, #tpu.memory_space<vmem>> -> memref<1x128x64xf32, #tpu.memory_space<vmem>>
    %dma_start3A_64 = tpu.memref_squeeze %dma_start3A_63 : memref<1x128x64xf32, #tpu.memory_space<vmem>> -> memref<128x64xf32, #tpu.memory_space<vmem>>
    %dma_start3A_65 = arith.constant 0 : i32
    %dma_start3A_66 = tpu.memref_slice %arg11[%add3A_59, %dma_start3A_65] : memref<10240x64xf32, #tpu.memory_space<vmem_shared>> -> memref<128x64xf32, #tpu.memory_space<vmem_shared>>
    %dma_start3A_67 = arith.constant 0 : i32
    %dma_start3A_68 = tpu.memref_slice %arg11[%add3A_59, %dma_start3A_67] : memref<10240x64xf32, #tpu.memory_space<vmem_shared>> -> memref<128x64xf32, #tpu.memory_space<vmem_shared>>
    %dma_start3A_69 = arith.constant 0 : i32
    %dma_start3A_70 = arith.constant 0 : i32
    %dma_start3A_71 = tpu.memref_slice %arg9[%dma_start3A_60, %dma_start3A_69, %dma_start3A_70] : memref<2x128x64xf32, #tpu.memory_space<vmem>> -> memref<1x128x64xf32, #tpu.memory_space<vmem>>
    %dma_start3A_72 = tpu.memref_squeeze %dma_start3A_71 : memref<1x128x64xf32, #tpu.memory_space<vmem>> -> memref<128x64xf32, #tpu.memory_space<vmem>>
    tpu.enqueue_dma source(%dma_start3A_72 : memref<128x64xf32, #tpu.memory_space<vmem>>) target(%dma_start3A_68 : memref<128x64xf32, #tpu.memory_space<vmem_shared>>) target_semaphore(%arg15 : memref<!tpu.dma_semaphore, #tpu.memory_space<semaphore_mem>>)
    %add3A_73 = arith.constant 384 : i32
    %add3A_74 = arith.addi %mul3A_2, %add3A_73 : i32
    %dma_start3A_75 = arith.constant 0 : i32
    %dma_start3A_76 = arith.constant 0 : i32
    %dma_start3A_77 = arith.constant 0 : i32
    %dma_start3A_78 = tpu.memref_slice %arg9[%dma_start3A_75, %dma_start3A_76, %dma_start3A_77] : memref<2x128x64xf32, #tpu.memory_space<vmem>> -> memref<1x128x64xf32, #tpu.memory_space<vmem>>
    %dma_start3A_79 = tpu.memref_squeeze %dma_start3A_78 : memref<1x128x64xf32, #tpu.memory_space<vmem>> -> memref<128x64xf32, #tpu.memory_space<vmem>>
    %dma_start3A_80 = arith.constant 0 : i32
    %dma_start3A_81 = tpu.memref_slice %arg11[%add3A_74, %dma_start3A_80] : memref<10240x64xf32, #tpu.memory_space<vmem_shared>> -> memref<128x64xf32, #tpu.memory_space<vmem_shared>>
    %dma_start3A_82 = arith.constant 0 : i32
    %dma_start3A_83 = tpu.memref_slice %arg11[%add3A_74, %dma_start3A_82] : memref<10240x64xf32, #tpu.memory_space<vmem_shared>> -> memref<128x64xf32, #tpu.memory_space<vmem_shared>>
    %dma_start3A_84 = arith.constant 0 : i32
    %dma_start3A_85 = arith.constant 0 : i32
    %dma_start3A_86 = tpu.memref_slice %arg9[%dma_start3A_75, %dma_start3A_84, %dma_start3A_85] : memref<2x128x64xf32, #tpu.memory_space<vmem>> -> memref<1x128x64xf32, #tpu.memory_space<vmem>>
    %dma_start3A_87 = tpu.memref_squeeze %dma_start3A_86 : memref<1x128x64xf32, #tpu.memory_space<vmem>> -> memref<128x64xf32, #tpu.memory_space<vmem>>
    tpu.enqueue_dma source(%dma_start3A_87 : memref<128x64xf32, #tpu.memory_space<vmem>>) target(%dma_start3A_83 : memref<128x64xf32, #tpu.memory_space<vmem_shared>>) target_semaphore(%arg15 : memref<!tpu.dma_semaphore, #tpu.memory_space<semaphore_mem>>)
    %add3A_88 = arith.constant 512 : i32
    %add3A_89 = arith.addi %mul3A_2, %add3A_88 : i32
    %dma_start3A_90 = arith.constant 0 : i32
    %dma_start3A_91 = arith.constant 0 : i32
    %dma_start3A_92 = arith.constant 0 : i32
    %dma_start3A_93 = tpu.memref_slice %arg9[%dma_start3A_90, %dma_start3A_91, %dma_start3A_92] : memref<2x128x64xf32, #tpu.memory_space<vmem>> -> memref<1x128x64xf32, #tpu.memory_space<vmem>>
    %dma_start3A_94 = tpu.memref_squeeze %dma_start3A_93 : memref<1x128x64xf32, #tpu.memory_space<vmem>> -> memref<128x64xf32, #tpu.memory_space<vmem>>
    %dma_start3A_95 = arith.constant 0 : i32
    %dma_start3A_96 = tpu.memref_slice %arg11[%add3A_89, %dma_start3A_95] : memref<10240x64xf32, #tpu.memory_space<vmem_shared>> -> memref<128x64xf32, #tpu.memory_space<vmem_shared>>
    %dma_start3A_97 = arith.constant 0 : i32
    %dma_start3A_98 = tpu.memref_slice %arg11[%add3A_89, %dma_start3A_97] : memref<10240x64xf32, #tpu.memory_space<vmem_shared>> -> memref<128x64xf32, #tpu.memory_space<vmem_shared>>
    %dma_start3A_99 = arith.constant 0 : i32
    %dma_start3A_100 = arith.constant 0 : i32
    %dma_start3A_101 = tpu.memref_slice %arg9[%dma_start3A_90, %dma_start3A_99, %dma_start3A_100] : memref<2x128x64xf32, #tpu.memory_space<vmem>> -> memref<1x128x64xf32, #tpu.memory_space<vmem>>
    %dma_start3A_102 = tpu.memref_squeeze %dma_start3A_101 : memref<1x128x64xf32, #tpu.memory_space<vmem>> -> memref<128x64xf32, #tpu.memory_space<vmem>>
    tpu.enqueue_dma source(%dma_start3A_102 : memref<128x64xf32, #tpu.memory_space<vmem>>) target(%dma_start3A_98 : memref<128x64xf32, #tpu.memory_space<vmem_shared>>) target_semaphore(%arg15 : memref<!tpu.dma_semaphore, #tpu.memory_space<semaphore_mem>>)
    %dma_wait3A = arith.constant 0 : i32
    %dma_wait3A_103 = arith.constant 0 : i32
    %dma_wait3A_104 = tpu.memref_slice %arg3[%add3A, %dma_wait3A, %dma_wait3A_103] : memref<32x80x128xi32, #tpu.memory_space<hbm>> -> memref<1x80x128xi32, #tpu.memory_space<hbm>>
    %dma_wait3A_105 = tpu.memref_squeeze %dma_wait3A_104 : memref<1x80x128xi32, #tpu.memory_space<hbm>> -> memref<80x128xi32, #tpu.memory_space<hbm>>
    %dma_wait3A_106 = arith.constant 0 : i32
    %dma_wait3A_107 = arith.constant 0 : i32
    %dma_wait3A_108 = tpu.memref_slice %arg3[%add3A, %dma_wait3A_106, %dma_wait3A_107] : memref<32x80x128xi32, #tpu.memory_space<hbm>> -> memref<1x80x128xi32, #tpu.memory_space<hbm>>
    %dma_wait3A_109 = tpu.memref_squeeze %dma_wait3A_108 : memref<1x80x128xi32, #tpu.memory_space<hbm>> -> memref<80x128xi32, #tpu.memory_space<hbm>>
    tpu.wait_dma2 semaphore(%arg13 : memref<!tpu.dma_semaphore, #tpu.memory_space<semaphore_mem>>) src(%dma_wait3A_109 : memref<80x128xi32, #tpu.memory_space<hbm>>) dst(%arg7 : memref<80x128xi32, #tpu.memory_space<vmem>>)
    %dma_wait3A_110 = arith.constant 0 : i32
    %dma_wait3A_111 = arith.constant 0 : i32
    %dma_wait3A_112 = tpu.memref_slice %arg4[%add3A, %dma_wait3A_110, %dma_wait3A_111] : memref<32x80x128xi32, #tpu.memory_space<hbm>> -> memref<1x80x128xi32, #tpu.memory_space<hbm>>
    %dma_wait3A_113 = tpu.memref_squeeze %dma_wait3A_112 : memref<1x80x128xi32, #tpu.memory_space<hbm>> -> memref<80x128xi32, #tpu.memory_space<hbm>>
    %dma_wait3A_114 = arith.constant 0 : i32
    %dma_wait3A_115 = arith.constant 0 : i32
    %dma_wait3A_116 = tpu.memref_slice %arg4[%add3A, %dma_wait3A_114, %dma_wait3A_115] : memref<32x80x128xi32, #tpu.memory_space<hbm>> -> memref<1x80x128xi32, #tpu.memory_space<hbm>>
    %dma_wait3A_117 = tpu.memref_squeeze %dma_wait3A_116 : memref<1x80x128xi32, #tpu.memory_space<hbm>> -> memref<80x128xi32, #tpu.memory_space<hbm>>
    tpu.wait_dma2 semaphore(%arg14 : memref<!tpu.dma_semaphore, #tpu.memory_space<semaphore_mem>>) src(%dma_wait3A_117 : memref<80x128xi32, #tpu.memory_space<hbm>>) dst(%arg8 : memref<80x128xi32, #tpu.memory_space<vmem>>)
    %dma_wait3A_118 = arith.constant 0 : i32
    %dma_wait3A_119 = tpu.memref_slice %arg10[%mul3A_2, %dma_wait3A_118] : memref<10240x64xf32, #tpu.memory_space<vmem_shared>> -> memref<640x64xf32, #tpu.memory_space<vmem_shared>>
    %dma_wait3A_120 = arith.constant 0 : i32
    %dma_wait3A_121 = tpu.memref_slice %arg2[%mul3A_2, %dma_wait3A_120] : memref<10240x64xf32, #tpu.memory_space<hbm>> -> memref<640x64xf32, #tpu.memory_space<hbm>>
    tpu.wait_dma2 semaphore(%arg12 : memref<!tpu.dma_semaphore, #tpu.memory_space<semaphore_mem>>) src(%dma_wait3A_121 : memref<640x64xf32, #tpu.memory_space<hbm>>) dst(%dma_wait3A_119 : memref<640x64xf32, #tpu.memory_space<vmem_shared>>)
    %dma_wait3A_122 = arith.constant 0 : i32
    %dma_wait3A_123 = arith.constant 0 : i32
    %dma_wait3A_124 = arith.constant 0 : i32
    %dma_wait3A_125 = tpu.memref_slice %arg9[%dma_wait3A_122, %dma_wait3A_123, %dma_wait3A_124] : memref<2x128x64xf32, #tpu.memory_space<vmem>> -> memref<1x128x64xf32, #tpu.memory_space<vmem>>
    %dma_wait3A_126 = tpu.memref_squeeze %dma_wait3A_125 : memref<1x128x64xf32, #tpu.memory_space<vmem>> -> memref<128x64xf32, #tpu.memory_space<vmem>>
    %dma_wait3A_127 = arith.constant 0 : i32
    %dma_wait3A_128 = tpu.memref_slice %arg11[%add3A_29, %dma_wait3A_127] : memref<10240x64xf32, #tpu.memory_space<vmem_shared>> -> memref<128x64xf32, #tpu.memory_space<vmem_shared>>
    %dma_wait3A_129 = arith.constant 0 : i32
    %dma_wait3A_130 = tpu.memref_slice %arg11[%add3A_29, %dma_wait3A_129] : memref<10240x64xf32, #tpu.memory_space<vmem_shared>> -> memref<128x64xf32, #tpu.memory_space<vmem_shared>>
    %dma_wait3A_131 = arith.constant 0 : i32
    %dma_wait3A_132 = arith.constant 0 : i32
    %dma_wait3A_133 = tpu.memref_slice %arg9[%dma_wait3A_122, %dma_wait3A_131, %dma_wait3A_132] : memref<2x128x64xf32, #tpu.memory_space<vmem>> -> memref<1x128x64xf32, #tpu.memory_space<vmem>>
    %dma_wait3A_134 = tpu.memref_squeeze %dma_wait3A_133 : memref<1x128x64xf32, #tpu.memory_space<vmem>> -> memref<128x64xf32, #tpu.memory_space<vmem>>
    tpu.wait_dma2 semaphore(%arg15 : memref<!tpu.dma_semaphore, #tpu.memory_space<semaphore_mem>>) src(%dma_wait3A_134 : memref<128x64xf32, #tpu.memory_space<vmem>>) dst(%dma_wait3A_130 : memref<128x64xf32, #tpu.memory_space<vmem_shared>>)
    %dma_wait3A_135 = arith.constant 0 : i32
    %dma_wait3A_136 = arith.constant 0 : i32
    %dma_wait3A_137 = arith.constant 0 : i32
    %dma_wait3A_138 = tpu.memref_slice %arg9[%dma_wait3A_135, %dma_wait3A_136, %dma_wait3A_137] : memref<2x128x64xf32, #tpu.memory_space<vmem>> -> memref<1x128x64xf32, #tpu.memory_space<vmem>>
    %dma_wait3A_139 = tpu.memref_squeeze %dma_wait3A_138 : memref<1x128x64xf32, #tpu.memory_space<vmem>> -> memref<128x64xf32, #tpu.memory_space<vmem>>
    %dma_wait3A_140 = arith.constant 0 : i32
    %dma_wait3A_141 = tpu.memref_slice %arg11[%add3A_44, %dma_wait3A_140] : memref<10240x64xf32, #tpu.memory_space<vmem_shared>> -> memref<128x64xf32, #tpu.memory_space<vmem_shared>>
    %dma_wait3A_142 = arith.constant 0 : i32
    %dma_wait3A_143 = tpu.memref_slice %arg11[%add3A_44, %dma_wait3A_142] : memref<10240x64xf32, #tpu.memory_space<vmem_shared>> -> memref<128x64xf32, #tpu.memory_space<vmem_shared>>
    %dma_wait3A_144 = arith.constant 0 : i32
    %dma_wait3A_145 = arith.constant 0 : i32
    %dma_wait3A_146 = tpu.memref_slice %arg9[%dma_wait3A_135, %dma_wait3A_144, %dma_wait3A_145] : memref<2x128x64xf32, #tpu.memory_space<vmem>> -> memref<1x128x64xf32, #tpu.memory_space<vmem>>
    %dma_wait3A_147 = tpu.memref_squeeze %dma_wait3A_146 : memref<1x128x64xf32, #tpu.memory_space<vmem>> -> memref<128x64xf32, #tpu.memory_space<vmem>>
    tpu.wait_dma2 semaphore(%arg15 : memref<!tpu.dma_semaphore, #tpu.memory_space<semaphore_mem>>) src(%dma_wait3A_147 : memref<128x64xf32, #tpu.memory_space<vmem>>) dst(%dma_wait3A_143 : memref<128x64xf32, #tpu.memory_space<vmem_shared>>)
    %dma_wait3A_148 = arith.constant 0 : i32
    %dma_wait3A_149 = arith.constant 0 : i32
    %dma_wait3A_150 = arith.constant 0 : i32
    %dma_wait3A_151 = tpu.memref_slice %arg9[%dma_wait3A_148, %dma_wait3A_149, %dma_wait3A_150] : memref<2x128x64xf32, #tpu.memory_space<vmem>> -> memref<1x128x64xf32, #tpu.memory_space<vmem>>
    %dma_wait3A_152 = tpu.memref_squeeze %dma_wait3A_151 : memref<1x128x64xf32, #tpu.memory_space<vmem>> -> memref<128x64xf32, #tpu.memory_space<vmem>>
    %dma_wait3A_153 = arith.constant 0 : i32
    %dma_wait3A_154 = tpu.memref_slice %arg11[%add3A_59, %dma_wait3A_153] : memref<10240x64xf32, #tpu.memory_space<vmem_shared>> -> memref<128x64xf32, #tpu.memory_space<vmem_shared>>
    %dma_wait3A_155 = arith.constant 0 : i32
    %dma_wait3A_156 = tpu.memref_slice %arg11[%add3A_59, %dma_wait3A_155] : memref<10240x64xf32, #tpu.memory_space<vmem_shared>> -> memref<128x64xf32, #tpu.memory_space<vmem_shared>>
    %dma_wait3A_157 = arith.constant 0 : i32
    %dma_wait3A_158 = arith.constant 0 : i32
    %dma_wait3A_159 = tpu.memref_slice %arg9[%dma_wait3A_148, %dma_wait3A_157, %dma_wait3A_158] : memref<2x128x64xf32, #tpu.memory_space<vmem>> -> memref<1x128x64xf32, #tpu.memory_space<vmem>>
    %dma_wait3A_160 = tpu.memref_squeeze %dma_wait3A_159 : memref<1x128x64xf32, #tpu.memory_space<vmem>> -> memref<128x64xf32, #tpu.memory_space<vmem>>
    tpu.wait_dma2 semaphore(%arg15 : memref<!tpu.dma_semaphore, #tpu.memory_space<semaphore_mem>>) src(%dma_wait3A_160 : memref<128x64xf32, #tpu.memory_space<vmem>>) dst(%dma_wait3A_156 : memref<128x64xf32, #tpu.memory_space<vmem_shared>>)
    %dma_wait3A_161 = arith.constant 0 : i32
    %dma_wait3A_162 = arith.constant 0 : i32
    %dma_wait3A_163 = arith.constant 0 : i32
    %dma_wait3A_164 = tpu.memref_slice %arg9[%dma_wait3A_161, %dma_wait3A_162, %dma_wait3A_163] : memref<2x128x64xf32, #tpu.memory_space<vmem>> -> memref<1x128x64xf32, #tpu.memory_space<vmem>>
    %dma_wait3A_165 = tpu.memref_squeeze %dma_wait3A_164 : memref<1x128x64xf32, #tpu.memory_space<vmem>> -> memref<128x64xf32, #tpu.memory_space<vmem>>
    %dma_wait3A_166 = arith.constant 0 : i32
    %dma_wait3A_167 = tpu.memref_slice %arg11[%add3A_74, %dma_wait3A_166] : memref<10240x64xf32, #tpu.memory_space<vmem_shared>> -> memref<128x64xf32, #tpu.memory_space<vmem_shared>>
    %dma_wait3A_168 = arith.constant 0 : i32
    %dma_wait3A_169 = tpu.memref_slice %arg11[%add3A_74, %dma_wait3A_168] : memref<10240x64xf32, #tpu.memory_space<vmem_shared>> -> memref<128x64xf32, #tpu.memory_space<vmem_shared>>
    %dma_wait3A_170 = arith.constant 0 : i32
    %dma_wait3A_171 = arith.constant 0 : i32
    %dma_wait3A_172 = tpu.memref_slice %arg9[%dma_wait3A_161, %dma_wait3A_170, %dma_wait3A_171] : memref<2x128x64xf32, #tpu.memory_space<vmem>> -> memref<1x128x64xf32, #tpu.memory_space<vmem>>
    %dma_wait3A_173 = tpu.memref_squeeze %dma_wait3A_172 : memref<1x128x64xf32, #tpu.memory_space<vmem>> -> memref<128x64xf32, #tpu.memory_space<vmem>>
    tpu.wait_dma2 semaphore(%arg15 : memref<!tpu.dma_semaphore, #tpu.memory_space<semaphore_mem>>) src(%dma_wait3A_173 : memref<128x64xf32, #tpu.memory_space<vmem>>) dst(%dma_wait3A_169 : memref<128x64xf32, #tpu.memory_space<vmem_shared>>)
    %dma_wait3A_174 = arith.constant 0 : i32
    %dma_wait3A_175 = arith.constant 0 : i32
    %dma_wait3A_176 = arith.constant 0 : i32
    %dma_wait3A_177 = tpu.memref_slice %arg9[%dma_wait3A_174, %dma_wait3A_175, %dma_wait3A_176] : memref<2x128x64xf32, #tpu.memory_space<vmem>> -> memref<1x128x64xf32, #tpu.memory_space<vmem>>
    %dma_wait3A_178 = tpu.memref_squeeze %dma_wait3A_177 : memref<1x128x64xf32, #tpu.memory_space<vmem>> -> memref<128x64xf32, #tpu.memory_space<vmem>>
    %dma_wait3A_179 = arith.constant 0 : i32
    %dma_wait3A_180 = tpu.memref_slice %arg11[%add3A_89, %dma_wait3A_179] : memref<10240x64xf32, #tpu.memory_space<vmem_shared>> -> memref<128x64xf32, #tpu.memory_space<vmem_shared>>
    %dma_wait3A_181 = arith.constant 0 : i32
    %dma_wait3A_182 = tpu.memref_slice %arg11[%add3A_89, %dma_wait3A_181] : memref<10240x64xf32, #tpu.memory_space<vmem_shared>> -> memref<128x64xf32, #tpu.memory_space<vmem_shared>>
    %dma_wait3A_183 = arith.constant 0 : i32
    %dma_wait3A_184 = arith.constant 0 : i32
    %dma_wait3A_185 = tpu.memref_slice %arg9[%dma_wait3A_174, %dma_wait3A_183, %dma_wait3A_184] : memref<2x128x64xf32, #tpu.memory_space<vmem>> -> memref<1x128x64xf32, #tpu.memory_space<vmem>>
    %dma_wait3A_186 = tpu.memref_squeeze %dma_wait3A_185 : memref<1x128x64xf32, #tpu.memory_space<vmem>> -> memref<128x64xf32, #tpu.memory_space<vmem>>
    tpu.wait_dma2 semaphore(%arg15 : memref<!tpu.dma_semaphore, #tpu.memory_space<semaphore_mem>>) src(%dma_wait3A_186 : memref<128x64xf32, #tpu.memory_space<vmem>>) dst(%dma_wait3A_182 : memref<128x64xf32, #tpu.memory_space<vmem_shared>>)
    %barrier3A = arith.constant 0 : index
    tpu.barrier barrier_id(%barrier3A)
    %dma_start3A_187 = arith.constant 0 : i32
    %dma_start3A_188 = arith.constant 0 : i32
    %dma_start3A_189 = arith.constant 0 : i32
    %dma_start3A_190 = arith.constant 0 : i32
    %dma_start3A_191 = tpu.memref_slice %arg9[%dma_start3A_188, %dma_start3A_189, %dma_start3A_190] : memref<2x128x64xf32, #tpu.memory_space<vmem>> -> memref<1x128x64xf32, #tpu.memory_space<vmem>>
    %dma_start3A_192 = tpu.memref_squeeze %dma_start3A_191 : memref<1x128x64xf32, #tpu.memory_space<vmem>> -> memref<128x64xf32, #tpu.memory_space<vmem>>
    %dma_start3A_193 = arith.constant 0 : i32
    %dma_start3A_194 = tpu.memref_slice %arg7[%dma_start3A_187, %dma_start3A_193] : memref<80x128xi32, #tpu.memory_space<vmem>> -> memref<1x128xi32, #tpu.memory_space<vmem>>
    %dma_start3A_195 = tpu.memref_squeeze %dma_start3A_194 : memref<1x128xi32, #tpu.memory_space<vmem>> -> memref<128xi32, #tpu.memory_space<vmem>>
    %dma_start3A_196 = arith.constant 0 : i32
    %dma_start3A_197 = arith.constant 0 : i32
    %dma_start3A_198 = tpu.memref_slice %arg10[%dma_start3A_196, %dma_start3A_197] : memref<10240x64xf32, #tpu.memory_space<vmem_shared>> -> memref<10240x64xf32, #tpu.memory_space<vmem_shared>>
    tpu.enqueue_indirect_dma source(%dma_start3A_198 : memref<10240x64xf32, #tpu.memory_space<vmem_shared>>) target(%dma_start3A_192 : memref<128x64xf32, #tpu.memory_space<vmem>>) offsets(%dma_start3A_195 : memref<128xi32, #tpu.memory_space<vmem>>) semaphore(%arg12 : memref<!tpu.dma_semaphore, #tpu.memory_space<semaphore_mem>>)
    %scan3A_199 = arith.constant 0 : i32
    %scan3A_200 = arith.constant 0 : i32
    %scan3A_201 = arith.constant 80 : i32
    %scan3A_202 = arith.addi %scan3A_200, %scan3A_201 : i32
    %scan3A_203 = arith.constant 1 : i32
    scf.for %scan3A_225 = %scan3A_200 to %scan3A_202 step %scan3A_203  : i32 {
      %rem3A = arith.constant 2 : i32
      %rem3A_226 = arith.remsi %scan3A_225, %rem3A : i32
      %add3A_227 = arith.constant 1 : i32
      %add3A_228 = arith.addi %scan3A_225, %add3A_227 : i32
      %min3A = arith.constant 79 : i32
      %min3A_229 = arith.minsi %add3A_228, %min3A : i32
      %dma_wait3A_230 = arith.constant 0 : i32
      %dma_wait3A_231 = arith.constant 0 : i32
      %dma_wait3A_232 = tpu.memref_slice %arg9[%rem3A_226, %dma_wait3A_230, %dma_wait3A_231] : memref<2x128x64xf32, #tpu.memory_space<vmem>> -> memref<1x128x64xf32, #tpu.memory_space<vmem>>
      %dma_wait3A_233 = tpu.memref_squeeze %dma_wait3A_232 : memref<1x128x64xf32, #tpu.memory_space<vmem>> -> memref<128x64xf32, #tpu.memory_space<vmem>>
      %dma_wait3A_234 = arith.constant 0 : i32
      %dma_wait3A_235 = tpu.memref_slice %arg7[%scan3A_225, %dma_wait3A_234] : memref<80x128xi32, #tpu.memory_space<vmem>> -> memref<1x128xi32, #tpu.memory_space<vmem>>
      %dma_wait3A_236 = tpu.memref_squeeze %dma_wait3A_235 : memref<1x128xi32, #tpu.memory_space<vmem>> -> memref<128xi32, #tpu.memory_space<vmem>>
      %dma_wait3A_237 = arith.constant 0 : i32
      %dma_wait3A_238 = arith.constant 0 : i32
      %dma_wait3A_239 = tpu.memref_slice %arg10[%dma_wait3A_237, %dma_wait3A_238] : memref<10240x64xf32, #tpu.memory_space<vmem_shared>> -> memref<10240x64xf32, #tpu.memory_space<vmem_shared>>
      tpu.wait_indirect_dma semaphore(%arg12 : memref<!tpu.dma_semaphore, #tpu.memory_space<semaphore_mem>>) src(%dma_wait3A_239 : memref<10240x64xf32, #tpu.memory_space<vmem_shared>>) dst(%dma_wait3A_233 : memref<128x64xf32, #tpu.memory_space<vmem>>)
      %sub3A = arith.constant 1 : i32
      %sub3A_240 = arith.subi %sub3A, %rem3A_226 : i32
      %dma_start3A_241 = arith.constant 0 : i32
      %dma_start3A_242 = arith.constant 0 : i32
      %dma_start3A_243 = tpu.memref_slice %arg9[%sub3A_240, %dma_start3A_241, %dma_start3A_242] : memref<2x128x64xf32, #tpu.memory_space<vmem>> -> memref<1x128x64xf32, #tpu.memory_space<vmem>>
      %dma_start3A_244 = tpu.memref_squeeze %dma_start3A_243 : memref<1x128x64xf32, #tpu.memory_space<vmem>> -> memref<128x64xf32, #tpu.memory_space<vmem>>
      %dma_start3A_245 = arith.constant 0 : i32
      %dma_start3A_246 = tpu.memref_slice %arg7[%min3A_229, %dma_start3A_245] : memref<80x128xi32, #tpu.memory_space<vmem>> -> memref<1x128xi32, #tpu.memory_space<vmem>>
      %dma_start3A_247 = tpu.memref_squeeze %dma_start3A_246 : memref<1x128xi32, #tpu.memory_space<vmem>> -> memref<128xi32, #tpu.memory_space<vmem>>
      %dma_start3A_248 = arith.constant 0 : i32
      %dma_start3A_249 = arith.constant 0 : i32
      %dma_start3A_250 = tpu.memref_slice %arg10[%dma_start3A_248, %dma_start3A_249] : memref<10240x64xf32, #tpu.memory_space<vmem_shared>> -> memref<10240x64xf32, #tpu.memory_space<vmem_shared>>
      tpu.enqueue_indirect_dma source(%dma_start3A_250 : memref<10240x64xf32, #tpu.memory_space<vmem_shared>>) target(%dma_start3A_244 : memref<128x64xf32, #tpu.memory_space<vmem>>) offsets(%dma_start3A_247 : memref<128xi32, #tpu.memory_space<vmem>>) semaphore(%arg12 : memref<!tpu.dma_semaphore, #tpu.memory_space<semaphore_mem>>)
      "tpu.region"() ({
        %run_scoped3A = tpu.sem_alloc : memref<!tpu.dma_semaphore, #tpu.memory_space<semaphore_mem>>
        %dma_start3A_251 = arith.constant 0 : i32
        %dma_start3A_252 = arith.constant 0 : i32
        %dma_start3A_253 = tpu.memref_slice %arg9[%rem3A_226, %dma_start3A_251, %dma_start3A_252] : memref<2x128x64xf32, #tpu.memory_space<vmem>> -> memref<1x128x64xf32, #tpu.memory_space<vmem>>
        %dma_start3A_254 = tpu.memref_squeeze %dma_start3A_253 : memref<1x128x64xf32, #tpu.memory_space<vmem>> -> memref<128x64xf32, #tpu.memory_space<vmem>>
        %dma_start3A_255 = arith.constant 0 : i32
        %dma_start3A_256 = tpu.memref_slice %arg8[%scan3A_225, %dma_start3A_255] : memref<80x128xi32, #tpu.memory_space<vmem>> -> memref<1x128xi32, #tpu.memory_space<vmem>>
        %dma_start3A_257 = tpu.memref_squeeze %dma_start3A_256 : memref<1x128xi32, #tpu.memory_space<vmem>> -> memref<128xi32, #tpu.memory_space<vmem>>
        %dma_start3A_258 = arith.constant 0 : i32
        %dma_start3A_259 = arith.constant 0 : i32
        %dma_start3A_260 = tpu.memref_slice %arg11[%dma_start3A_258, %dma_start3A_259] : memref<10240x64xf32, #tpu.memory_space<vmem_shared>> -> memref<10240x64xf32, #tpu.memory_space<vmem_shared>>
        tpu.enqueue_indirect_dma source(%dma_start3A_254 : memref<128x64xf32, #tpu.memory_space<vmem>>) target(%dma_start3A_260 : memref<10240x64xf32, #tpu.memory_space<vmem_shared>>) offsets(%dma_start3A_257 : memref<128xi32, #tpu.memory_space<vmem>>) semaphore(%run_scoped3A : memref<!tpu.dma_semaphore, #tpu.memory_space<semaphore_mem>>) {add = true}
        %dma_wait3A_261 = arith.constant 0 : i32
        %dma_wait3A_262 = arith.constant 0 : i32
        %dma_wait3A_263 = tpu.memref_slice %arg9[%rem3A_226, %dma_wait3A_261, %dma_wait3A_262] : memref<2x128x64xf32, #tpu.memory_space<vmem>> -> memref<1x128x64xf32, #tpu.memory_space<vmem>>
        %dma_wait3A_264 = tpu.memref_squeeze %dma_wait3A_263 : memref<1x128x64xf32, #tpu.memory_space<vmem>> -> memref<128x64xf32, #tpu.memory_space<vmem>>
        %dma_wait3A_265 = arith.constant 0 : i32
        %dma_wait3A_266 = tpu.memref_slice %arg8[%scan3A_225, %dma_wait3A_265] : memref<80x128xi32, #tpu.memory_space<vmem>> -> memref<1x128xi32, #tpu.memory_space<vmem>>
        %dma_wait3A_267 = tpu.memref_squeeze %dma_wait3A_266 : memref<1x128xi32, #tpu.memory_space<vmem>> -> memref<128xi32, #tpu.memory_space<vmem>>
        %dma_wait3A_268 = arith.constant 0 : i32
        %dma_wait3A_269 = arith.constant 0 : i32
        %dma_wait3A_270 = tpu.memref_slice %arg11[%dma_wait3A_268, %dma_wait3A_269] : memref<10240x64xf32, #tpu.memory_space<vmem_shared>> -> memref<10240x64xf32, #tpu.memory_space<vmem_shared>>
        tpu.wait_indirect_dma semaphore(%run_scoped3A : memref<!tpu.dma_semaphore, #tpu.memory_space<semaphore_mem>>) src(%dma_wait3A_264 : memref<128x64xf32, #tpu.memory_space<vmem>>) dst(%dma_wait3A_270 : memref<10240x64xf32, #tpu.memory_space<vmem_shared>>)
        tpu.yield
      }) : () -> ()
    }
    %scan3A_204 = arith.constant 80 : i32
    %dma_wait3A_205 = arith.constant 0 : i32
    %dma_wait3A_206 = arith.constant 0 : i32
    %dma_wait3A_207 = arith.constant 0 : i32
    %dma_wait3A_208 = arith.constant 0 : i32
    %dma_wait3A_209 = tpu.memref_slice %arg9[%dma_wait3A_206, %dma_wait3A_207, %dma_wait3A_208] : memref<2x128x64xf32, #tpu.memory_space<vmem>> -> memref<1x128x64xf32, #tpu.memory_space<vmem>>
    %dma_wait3A_210 = tpu.memref_squeeze %dma_wait3A_209 : memref<1x128x64xf32, #tpu.memory_space<vmem>> -> memref<128x64xf32, #tpu.memory_space<vmem>>
    %dma_wait3A_211 = arith.constant 0 : i32
    %dma_wait3A_212 = tpu.memref_slice %arg7[%dma_wait3A_205, %dma_wait3A_211] : memref<80x128xi32, #tpu.memory_space<vmem>> -> memref<1x128xi32, #tpu.memory_space<vmem>>
    %dma_wait3A_213 = tpu.memref_squeeze %dma_wait3A_212 : memref<1x128xi32, #tpu.memory_space<vmem>> -> memref<128xi32, #tpu.memory_space<vmem>>
    %dma_wait3A_214 = arith.constant 0 : i32
    %dma_wait3A_215 = arith.constant 0 : i32
    %dma_wait3A_216 = tpu.memref_slice %arg10[%dma_wait3A_214, %dma_wait3A_215] : memref<10240x64xf32, #tpu.memory_space<vmem_shared>> -> memref<10240x64xf32, #tpu.memory_space<vmem_shared>>
    tpu.wait_indirect_dma semaphore(%arg12 : memref<!tpu.dma_semaphore, #tpu.memory_space<semaphore_mem>>) src(%dma_wait3A_216 : memref<10240x64xf32, #tpu.memory_space<vmem_shared>>) dst(%dma_wait3A_210 : memref<128x64xf32, #tpu.memory_space<vmem>>)
    %barrier3A_217 = arith.constant 0 : index
    tpu.barrier barrier_id(%barrier3A_217)
    %eq3A = arith.constant 0 : i32
    %eq3A_218 = arith.cmpi eq, %arg0, %eq3A : i32
    %convert_element_type3A = arith.extui %eq3A_218 : i1 to i32
    %cond3A = arith.constant 0 : i32
    %cond3A_219 = arith.cmpi ne, %convert_element_type3A, %cond3A : i32
    scf.if %cond3A_219 {
      "tpu.region"() ({
        %run_scoped3A = tpu.sem_alloc : memref<!tpu.dma_semaphore, #tpu.memory_space<semaphore_mem>>
        %dma_start3A_225 = arith.constant 0 : i32
        %dma_start3A_226 = tpu.memref_slice %arg5[%mul3A_2, %dma_start3A_225] : memref<10240x64xf32, #tpu.memory_space<hbm>> -> memref<640x64xf32, #tpu.memory_space<hbm>>
        %dma_start3A_227 = arith.constant 0 : i32
        %dma_start3A_228 = tpu.memref_slice %arg11[%mul3A_2, %dma_start3A_227] : memref<10240x64xf32, #tpu.memory_space<vmem_shared>> -> memref<640x64xf32, #tpu.memory_space<vmem_shared>>
        tpu.enqueue_dma source(%dma_start3A_228 : memref<640x64xf32, #tpu.memory_space<vmem_shared>>) target(%dma_start3A_226 : memref<640x64xf32, #tpu.memory_space<hbm>>) target_semaphore(%run_scoped3A : memref<!tpu.dma_semaphore, #tpu.memory_space<semaphore_mem>>)
        %dma_wait3A_229 = arith.constant 0 : i32
        %dma_wait3A_230 = tpu.memref_slice %arg5[%mul3A_2, %dma_wait3A_229] : memref<10240x64xf32, #tpu.memory_space<hbm>> -> memref<640x64xf32, #tpu.memory_space<hbm>>
        %dma_wait3A_231 = arith.constant 0 : i32
        %dma_wait3A_232 = tpu.memref_slice %arg11[%mul3A_2, %dma_wait3A_231] : memref<10240x64xf32, #tpu.memory_space<vmem_shared>> -> memref<640x64xf32, #tpu.memory_space<vmem_shared>>
        tpu.wait_dma2 semaphore(%run_scoped3A : memref<!tpu.dma_semaphore, #tpu.memory_space<semaphore_mem>>) src(%dma_wait3A_232 : memref<640x64xf32, #tpu.memory_space<vmem_shared>>) dst(%dma_wait3A_230 : memref<640x64xf32, #tpu.memory_space<hbm>>)
        tpu.yield
      }) : () -> ()
    } else {
    }
    %eq3A_220 = arith.constant 1 : i32
    %eq3A_221 = arith.cmpi eq, %arg0, %eq3A_220 : i32
    %convert_element_type3A_222 = arith.extui %eq3A_221 : i1 to i32
    %cond3A_223 = arith.constant 0 : i32
    %cond3A_224 = arith.cmpi ne, %convert_element_type3A_222, %cond3A_223 : i32
    scf.if %cond3A_224 {
      "tpu.region"() ({
        %run_scoped3A = tpu.sem_alloc : memref<!tpu.dma_semaphore, #tpu.memory_space<semaphore_mem>>
        %dma_start3A_225 = arith.constant 0 : i32
        %dma_start3A_226 = tpu.memref_slice %arg6[%mul3A_2, %dma_start3A_225] : memref<10240x64xf32, #tpu.memory_space<hbm>> -> memref<640x64xf32, #tpu.memory_space<hbm>>
        %dma_start3A_227 = arith.constant 0 : i32
        %dma_start3A_228 = tpu.memref_slice %arg11[%mul3A_2, %dma_start3A_227] : memref<10240x64xf32, #tpu.memory_space<vmem_shared>> -> memref<640x64xf32, #tpu.memory_space<vmem_shared>>
        tpu.enqueue_dma source(%dma_start3A_228 : memref<640x64xf32, #tpu.memory_space<vmem_shared>>) target(%dma_start3A_226 : memref<640x64xf32, #tpu.memory_space<hbm>>) target_semaphore(%run_scoped3A : memref<!tpu.dma_semaphore, #tpu.memory_space<semaphore_mem>>)
        %dma_wait3A_229 = arith.constant 0 : i32
        %dma_wait3A_230 = tpu.memref_slice %arg6[%mul3A_2, %dma_wait3A_229] : memref<10240x64xf32, #tpu.memory_space<hbm>> -> memref<640x64xf32, #tpu.memory_space<hbm>>
        %dma_wait3A_231 = arith.constant 0 : i32
        %dma_wait3A_232 = tpu.memref_slice %arg11[%mul3A_2, %dma_wait3A_231] : memref<10240x64xf32, #tpu.memory_space<vmem_shared>> -> memref<640x64xf32, #tpu.memory_space<vmem_shared>>
        tpu.wait_dma2 semaphore(%run_scoped3A : memref<!tpu.dma_semaphore, #tpu.memory_space<semaphore_mem>>) src(%dma_wait3A_232 : memref<640x64xf32, #tpu.memory_space<vmem_shared>>) dst(%dma_wait3A_230 : memref<640x64xf32, #tpu.memory_space<hbm>>)
        tpu.yield
      }) : () -> ()
    } else {
    }
    return
  }
}

module attributes {stable_mosaic.version = 14 : i64} {
  func.func @_t0_body(%arg0: i32, %arg1: memref<1000x128xf32, #tpu.memory_space<vmem>>, %arg2: memref<64x128xf32, #tpu.memory_space<vmem>>, %arg3: memref<64x128xf32, #tpu.memory_space<vmem>>, %arg4: memref<1x64xf32, #tpu.memory_space<vmem>>, %arg5: memref<1000x64xf32, #tpu.memory_space<vmem>>, %arg6: memref<1000x64xf32, #tpu.memory_space<vmem>>) attributes {dimension_semantics = [#tpu.dimension_semantics<arbitrary>], iteration_bounds = array<i64: 10>, scalar_prefetch = 0 : i64, scratch_operands = 0 : i64, tpu.core_type = #tpu.core_type<tc>, window_params = [{transform_indices = @transform_0, window_bounds = array<i64: 1000, 128>}, {pipeline_mode = #tpu.pipeline_mode<synchronous>, transform_indices = @transform_1, window_bounds = array<i64: 64, 128>}, {pipeline_mode = #tpu.pipeline_mode<synchronous>, transform_indices = @transform_2, window_bounds = array<i64: 64, 128>}, {pipeline_mode = #tpu.pipeline_mode<synchronous>, transform_indices = @transform_3, window_bounds = array<i64: 1, 64>}, {transform_indices = @transform_4, window_bounds = array<i64: 1000, 64>}, {transform_indices = @transform_5, window_bounds = array<i64: 1000, 64>}]} {
    %get3A = arith.constant 0 : index
    %get3A_0 = arith.constant 0 : index
    %get3A_1 = vector.load %arg1[%get3A, %get3A_0] : memref<1000x128xf32, #tpu.memory_space<vmem>>, vector<1000x128xf32>
    %get3A_2 = arith.constant 0 : index
    %get3A_3 = arith.constant 0 : index
    %get3A_4 = vector.load %arg2[%get3A_2, %get3A_3] : memref<64x128xf32, #tpu.memory_space<vmem>>, vector<64x128xf32>
    %dot_general3A = arith.constant dense<0.000000e+00> : vector<1000x64xf32>
    %dot_general3A_5 = tpu.matmul %get3A_1, %get3A_4, %dot_general3A {dimension_numbers = #tpu.dot_dimension_numbers<[1], [1], [0], [0], [0, 0, 1, 0], [], []>, transpose_lhs_hint = false} : vector<1000x128xf32>, vector<64x128xf32>, vector<1000x64xf32> -> vector<1000x64xf32>
    %swap3A = arith.constant 0 : index
    %swap3A_6 = arith.constant 0 : index
    %swap3A_7 = vector.load %arg5[%swap3A, %swap3A_6] : memref<1000x64xf32, #tpu.memory_space<vmem>>, vector<1000x64xf32>
    tpu.vector_store %arg5[%swap3A, %swap3A_6], %dot_general3A_5 {strides = array<i32>} : memref<1000x64xf32, #tpu.memory_space<vmem>>, vector<1000x64xf32>,
    %get3A_8 = arith.constant 0 : index
    %get3A_9 = arith.constant 0 : index
    %get3A_10 = vector.load %arg4[%get3A_8, %get3A_9] : memref<1x64xf32, #tpu.memory_space<vmem>>, vector<1x64xf32>
    %get3A_11 = arith.constant 0 : index
    %get3A_12 = arith.constant 0 : index
    %get3A_13 = vector.load %arg1[%get3A_11, %get3A_12] : memref<1000x128xf32, #tpu.memory_space<vmem>>, vector<1000x128xf32>
    %get3A_14 = arith.constant 0 : index
    %get3A_15 = arith.constant 0 : index
    %get3A_16 = vector.load %arg3[%get3A_14, %get3A_15] : memref<64x128xf32, #tpu.memory_space<vmem>>, vector<64x128xf32>
    %dot_general3A_17 = arith.constant dense<0.000000e+00> : vector<1000x64xf32>
    %dot_general3A_18 = tpu.matmul %get3A_13, %get3A_16, %dot_general3A_17 {dimension_numbers = #tpu.dot_dimension_numbers<[1], [1], [0], [0], [0, 0, 1, 0], [], []>, transpose_lhs_hint = false} : vector<1000x128xf32>, vector<64x128xf32>, vector<1000x64xf32> -> vector<1000x64xf32>
    %add3A = vector.broadcast %get3A_10 : vector<1x64xf32> to vector<1000x64xf32>
    %add3A_19 = arith.addf %add3A, %dot_general3A_18 : vector<1000x64xf32>
    %swap3A_20 = arith.constant 0 : index
    %swap3A_21 = arith.constant 0 : index
    %swap3A_22 = vector.load %arg6[%swap3A_20, %swap3A_21] : memref<1000x64xf32, #tpu.memory_space<vmem>>, vector<1000x64xf32>
    tpu.vector_store %arg6[%swap3A_20, %swap3A_21], %add3A_19 {strides = array<i32>} : memref<1000x64xf32, #tpu.memory_space<vmem>>, vector<1000x64xf32>,
    return
  }
  func.func @transform_0(%arg0: i32) -> (i32, i32) {
    %c0_i32 = arith.constant 0 : i32
    %c0_i32_0 = arith.constant 0 : i32
    return %arg0, %c0_i32 : i32, i32
  }
  func.func @transform_1(%arg0: i32) -> (i32, i32) {
    %c0_i32 = arith.constant 0 : i32
    %c0_i32_0 = arith.constant 0 : i32
    %c0_i32_1 = arith.constant 0 : i32
    return %c0_i32, %c0_i32_0 : i32, i32
  }
  func.func @transform_2(%arg0: i32) -> (i32, i32) {
    %c0_i32 = arith.constant 0 : i32
    %c0_i32_0 = arith.constant 0 : i32
    %c0_i32_1 = arith.constant 0 : i32
    return %c0_i32, %c0_i32_0 : i32, i32
  }
  func.func @transform_3(%arg0: i32) -> (i32, i32) {
    %c0_i32 = arith.constant 0 : i32
    %c0_i32_0 = arith.constant 0 : i32
    %c0_i32_1 = arith.constant 0 : i32
    return %c0_i32, %c0_i32_0 : i32, i32
  }
  func.func @transform_4(%arg0: i32) -> (i32, i32) {
    %c0_i32 = arith.constant 0 : i32
    %c0_i32_0 = arith.constant 0 : i32
    return %arg0, %c0_i32 : i32, i32
  }
  func.func @transform_5(%arg0: i32) -> (i32, i32) {
    %c0_i32 = arith.constant 0 : i32
    %c0_i32_0 = arith.constant 0 : i32
    return %arg0, %c0_i32 : i32, i32
  }
}

module attributes {stable_mosaic.version = 14 : i64} {
  func.func @_comb1_body(%arg0: i32, %arg1: memref<1000x64xf32, #tpu.memory_space<vmem>>, %arg2: memref<1000x64xf32, #tpu.memory_space<vmem>>, %arg3: memref<1000x64xf32, #tpu.memory_space<vmem>>, %arg4: memref<64x64xf32, #tpu.memory_space<vmem>>, %arg5: memref<64x64xf32, #tpu.memory_space<vmem>>, %arg6: memref<1x64xf32, #tpu.memory_space<vmem>>, %arg7: memref<1000x64xf32, #tpu.memory_space<vmem>>, %arg8: memref<1000x64xf32, #tpu.memory_space<vmem>>) attributes {dimension_semantics = [#tpu.dimension_semantics<arbitrary>], iteration_bounds = array<i64: 10>, scalar_prefetch = 0 : i64, scratch_operands = 0 : i64, tpu.core_type = #tpu.core_type<tc>, window_params = [{transform_indices = @transform_0, window_bounds = array<i64: 1000, 64>}, {transform_indices = @transform_1, window_bounds = array<i64: 1000, 64>}, {transform_indices = @transform_2, window_bounds = array<i64: 1000, 64>}, {pipeline_mode = #tpu.pipeline_mode<synchronous>, transform_indices = @transform_3, window_bounds = array<i64: 64, 64>}, {pipeline_mode = #tpu.pipeline_mode<synchronous>, transform_indices = @transform_4, window_bounds = array<i64: 64, 64>}, {pipeline_mode = #tpu.pipeline_mode<synchronous>, transform_indices = @transform_5, window_bounds = array<i64: 1, 64>}, {transform_indices = @transform_6, window_bounds = array<i64: 1000, 64>}, {transform_indices = @transform_7, window_bounds = array<i64: 1000, 64>}]} {
    %get3A = arith.constant 0 : index
    %get3A_0 = arith.constant 0 : index
    %get3A_1 = vector.load %arg1[%get3A, %get3A_0] : memref<1000x64xf32, #tpu.memory_space<vmem>>, vector<1000x64xf32>
    %get3A_2 = arith.constant 0 : index
    %get3A_3 = arith.constant 0 : index
    %get3A_4 = vector.load %arg2[%get3A_2, %get3A_3] : memref<1000x64xf32, #tpu.memory_space<vmem>>, vector<1000x64xf32>
    %add3A = arith.addf %get3A_1, %get3A_4 : vector<1000x64xf32>
    %get3A_5 = arith.constant 0 : index
    %get3A_6 = arith.constant 0 : index
    %get3A_7 = vector.load %arg3[%get3A_5, %get3A_6] : memref<1000x64xf32, #tpu.memory_space<vmem>>, vector<1000x64xf32>
    %add3A_8 = arith.addf %add3A, %get3A_7 : vector<1000x64xf32>
    %ge3A = arith.constant 0.000000e+00 : f32
    %ge3A_9 = vector.broadcast %ge3A : f32 to vector<1000x64xf32>
    %ge3A_10 = arith.cmpf oge, %add3A_8, %ge3A_9 : vector<1000x64xf32>
    %mul3A = arith.constant 0.00999999977 : f32
    %mul3A_11 = vector.broadcast %mul3A : f32 to vector<1000x64xf32>
    %mul3A_12 = arith.mulf %mul3A_11, %add3A_8 : vector<1000x64xf32>
    %select_n3A = arith.select %ge3A_10, %add3A_8, %mul3A_12 : vector<1000x64xi1>, vector<1000x64xf32>
    %get3A_13 = arith.constant 0 : index
    %get3A_14 = arith.constant 0 : index
    %get3A_15 = vector.load %arg4[%get3A_13, %get3A_14] : memref<64x64xf32, #tpu.memory_space<vmem>>, vector<64x64xf32>
    %dot_general3A = arith.constant dense<0.000000e+00> : vector<1000x64xf32>
    %dot_general3A_16 = tpu.matmul %select_n3A, %get3A_15, %dot_general3A {dimension_numbers = #tpu.dot_dimension_numbers<[1], [1], [0], [0], [0, 0, 1, 0], [], []>, transpose_lhs_hint = false} : vector<1000x64xf32>, vector<64x64xf32>, vector<1000x64xf32> -> vector<1000x64xf32>
    %swap3A = arith.constant 0 : index
    %swap3A_17 = arith.constant 0 : index
    %swap3A_18 = vector.load %arg7[%swap3A, %swap3A_17] : memref<1000x64xf32, #tpu.memory_space<vmem>>, vector<1000x64xf32>
    tpu.vector_store %arg7[%swap3A, %swap3A_17], %dot_general3A_16 {strides = array<i32>} : memref<1000x64xf32, #tpu.memory_space<vmem>>, vector<1000x64xf32>,
    %get3A_19 = arith.constant 0 : index
    %get3A_20 = arith.constant 0 : index
    %get3A_21 = vector.load %arg6[%get3A_19, %get3A_20] : memref<1x64xf32, #tpu.memory_space<vmem>>, vector<1x64xf32>
    %get3A_22 = arith.constant 0 : index
    %get3A_23 = arith.constant 0 : index
    %get3A_24 = vector.load %arg5[%get3A_22, %get3A_23] : memref<64x64xf32, #tpu.memory_space<vmem>>, vector<64x64xf32>
    %dot_general3A_25 = arith.constant dense<0.000000e+00> : vector<1000x64xf32>
    %dot_general3A_26 = tpu.matmul %select_n3A, %get3A_24, %dot_general3A_25 {dimension_numbers = #tpu.dot_dimension_numbers<[1], [1], [0], [0], [0, 0, 1, 0], [], []>, transpose_lhs_hint = false} : vector<1000x64xf32>, vector<64x64xf32>, vector<1000x64xf32> -> vector<1000x64xf32>
    %add3A_27 = vector.broadcast %get3A_21 : vector<1x64xf32> to vector<1000x64xf32>
    %add3A_28 = arith.addf %add3A_27, %dot_general3A_26 : vector<1000x64xf32>
    %swap3A_29 = arith.constant 0 : index
    %swap3A_30 = arith.constant 0 : index
    %swap3A_31 = vector.load %arg8[%swap3A_29, %swap3A_30] : memref<1000x64xf32, #tpu.memory_space<vmem>>, vector<1000x64xf32>
    tpu.vector_store %arg8[%swap3A_29, %swap3A_30], %add3A_28 {strides = array<i32>} : memref<1000x64xf32, #tpu.memory_space<vmem>>, vector<1000x64xf32>,
    return
  }
  func.func @transform_0(%arg0: i32) -> (i32, i32) {
    %c0_i32 = arith.constant 0 : i32
    %c0_i32_0 = arith.constant 0 : i32
    return %arg0, %c0_i32 : i32, i32
  }
  func.func @transform_1(%arg0: i32) -> (i32, i32) {
    %c0_i32 = arith.constant 0 : i32
    %c0_i32_0 = arith.constant 0 : i32
    return %arg0, %c0_i32 : i32, i32
  }
  func.func @transform_2(%arg0: i32) -> (i32, i32) {
    %c0_i32 = arith.constant 0 : i32
    %c0_i32_0 = arith.constant 0 : i32
    return %arg0, %c0_i32 : i32, i32
  }
  func.func @transform_3(%arg0: i32) -> (i32, i32) {
    %c0_i32 = arith.constant 0 : i32
    %c0_i32_0 = arith.constant 0 : i32
    %c0_i32_1 = arith.constant 0 : i32
    return %c0_i32, %c0_i32_0 : i32, i32
  }
  func.func @transform_4(%arg0: i32) -> (i32, i32) {
    %c0_i32 = arith.constant 0 : i32
    %c0_i32_0 = arith.constant 0 : i32
    %c0_i32_1 = arith.constant 0 : i32
    return %c0_i32, %c0_i32_0 : i32, i32
  }
  func.func @transform_5(%arg0: i32) -> (i32, i32) {
    %c0_i32 = arith.constant 0 : i32
    %c0_i32_0 = arith.constant 0 : i32
    %c0_i32_1 = arith.constant 0 : i32
    return %c0_i32, %c0_i32_0 : i32, i32
  }
  func.func @transform_6(%arg0: i32) -> (i32, i32) {
    %c0_i32 = arith.constant 0 : i32
    %c0_i32_0 = arith.constant 0 : i32
    return %arg0, %c0_i32 : i32, i32
  }
  func.func @transform_7(%arg0: i32) -> (i32, i32) {
    %c0_i32 = arith.constant 0 : i32
    %c0_i32_0 = arith.constant 0 : i32
    return %arg0, %c0_i32 : i32, i32
  }
}

module attributes {stable_mosaic.version = 14 : i64} {
  func.func @_comb2_body(%arg0: i32, %arg1: memref<1000x64xf32, #tpu.memory_space<vmem>>, %arg2: memref<1000x64xf32, #tpu.memory_space<vmem>>, %arg3: memref<1000x64xf32, #tpu.memory_space<vmem>>, %arg4: memref<128x64xf32, #tpu.memory_space<vmem>>, %arg5: memref<1x128xf32, #tpu.memory_space<vmem>>, %arg6: memref<1000x64xf32, #tpu.memory_space<vmem>>, %arg7: memref<1000x128xf32, #tpu.memory_space<vmem>>) attributes {dimension_semantics = [#tpu.dimension_semantics<arbitrary>], iteration_bounds = array<i64: 10>, scalar_prefetch = 0 : i64, scratch_operands = 0 : i64, tpu.core_type = #tpu.core_type<tc>, window_params = [{transform_indices = @transform_0, window_bounds = array<i64: 1000, 64>}, {transform_indices = @transform_1, window_bounds = array<i64: 1000, 64>}, {transform_indices = @transform_2, window_bounds = array<i64: 1000, 64>}, {pipeline_mode = #tpu.pipeline_mode<synchronous>, transform_indices = @transform_3, window_bounds = array<i64: 128, 64>}, {pipeline_mode = #tpu.pipeline_mode<synchronous>, transform_indices = @transform_4, window_bounds = array<i64: 1, 128>}, {transform_indices = @transform_5, window_bounds = array<i64: 1000, 64>}, {transform_indices = @transform_6, window_bounds = array<i64: 1000, 128>}]} {
    %get3A = arith.constant 0 : index
    %get3A_0 = arith.constant 0 : index
    %get3A_1 = vector.load %arg1[%get3A, %get3A_0] : memref<1000x64xf32, #tpu.memory_space<vmem>>, vector<1000x64xf32>
    %get3A_2 = arith.constant 0 : index
    %get3A_3 = arith.constant 0 : index
    %get3A_4 = vector.load %arg2[%get3A_2, %get3A_3] : memref<1000x64xf32, #tpu.memory_space<vmem>>, vector<1000x64xf32>
    %add3A = arith.addf %get3A_1, %get3A_4 : vector<1000x64xf32>
    %get3A_5 = arith.constant 0 : index
    %get3A_6 = arith.constant 0 : index
    %get3A_7 = vector.load %arg3[%get3A_5, %get3A_6] : memref<1000x64xf32, #tpu.memory_space<vmem>>, vector<1000x64xf32>
    %add3A_8 = arith.addf %add3A, %get3A_7 : vector<1000x64xf32>
    %ge3A = arith.constant 0.000000e+00 : f32
    %ge3A_9 = vector.broadcast %ge3A : f32 to vector<1000x64xf32>
    %ge3A_10 = arith.cmpf oge, %add3A_8, %ge3A_9 : vector<1000x64xf32>
    %mul3A = arith.constant 0.00999999977 : f32
    %mul3A_11 = vector.broadcast %mul3A : f32 to vector<1000x64xf32>
    %mul3A_12 = arith.mulf %mul3A_11, %add3A_8 : vector<1000x64xf32>
    %select_n3A = arith.select %ge3A_10, %add3A_8, %mul3A_12 : vector<1000x64xi1>, vector<1000x64xf32>
    %swap3A = arith.constant 0 : index
    %swap3A_13 = arith.constant 0 : index
    %swap3A_14 = vector.load %arg6[%swap3A, %swap3A_13] : memref<1000x64xf32, #tpu.memory_space<vmem>>, vector<1000x64xf32>
    tpu.vector_store %arg6[%swap3A, %swap3A_13], %select_n3A {strides = array<i32>} : memref<1000x64xf32, #tpu.memory_space<vmem>>, vector<1000x64xf32>,
    %get3A_15 = arith.constant 0 : index
    %get3A_16 = arith.constant 0 : index
    %get3A_17 = vector.load %arg5[%get3A_15, %get3A_16] : memref<1x128xf32, #tpu.memory_space<vmem>>, vector<1x128xf32>
    %get3A_18 = arith.constant 0 : index
    %get3A_19 = arith.constant 0 : index
    %get3A_20 = vector.load %arg4[%get3A_18, %get3A_19] : memref<128x64xf32, #tpu.memory_space<vmem>>, vector<128x64xf32>
    %dot_general3A = arith.constant dense<0.000000e+00> : vector<1000x128xf32>
    %dot_general3A_21 = tpu.matmul %select_n3A, %get3A_20, %dot_general3A {dimension_numbers = #tpu.dot_dimension_numbers<[1], [1], [0], [0], [0, 0, 1, 0], [], []>, transpose_lhs_hint = false} : vector<1000x64xf32>, vector<128x64xf32>, vector<1000x128xf32> -> vector<1000x128xf32>
    %add3A_22 = vector.broadcast %get3A_17 : vector<1x128xf32> to vector<1000x128xf32>
    %add3A_23 = arith.addf %add3A_22, %dot_general3A_21 : vector<1000x128xf32>
    %swap3A_24 = arith.constant 0 : index
    %swap3A_25 = arith.constant 0 : index
    %swap3A_26 = vector.load %arg7[%swap3A_24, %swap3A_25] : memref<1000x128xf32, #tpu.memory_space<vmem>>, vector<1000x128xf32>
    tpu.vector_store %arg7[%swap3A_24, %swap3A_25], %add3A_23 {strides = array<i32>} : memref<1000x128xf32, #tpu.memory_space<vmem>>, vector<1000x128xf32>,
    return
  }
  func.func @transform_0(%arg0: i32) -> (i32, i32) {
    %c0_i32 = arith.constant 0 : i32
    %c0_i32_0 = arith.constant 0 : i32
    return %arg0, %c0_i32 : i32, i32
  }
  func.func @transform_1(%arg0: i32) -> (i32, i32) {
    %c0_i32 = arith.constant 0 : i32
    %c0_i32_0 = arith.constant 0 : i32
    return %arg0, %c0_i32 : i32, i32
  }
  func.func @transform_2(%arg0: i32) -> (i32, i32) {
    %c0_i32 = arith.constant 0 : i32
    %c0_i32_0 = arith.constant 0 : i32
    return %arg0, %c0_i32 : i32, i32
  }
  func.func @transform_3(%arg0: i32) -> (i32, i32) {
    %c0_i32 = arith.constant 0 : i32
    %c0_i32_0 = arith.constant 0 : i32
    %c0_i32_1 = arith.constant 0 : i32
    return %c0_i32, %c0_i32_0 : i32, i32
  }
  func.func @transform_4(%arg0: i32) -> (i32, i32) {
    %c0_i32 = arith.constant 0 : i32
    %c0_i32_0 = arith.constant 0 : i32
    %c0_i32_1 = arith.constant 0 : i32
    return %c0_i32, %c0_i32_0 : i32, i32
  }
  func.func @transform_5(%arg0: i32) -> (i32, i32) {
    %c0_i32 = arith.constant 0 : i32
    %c0_i32_0 = arith.constant 0 : i32
    return %arg0, %c0_i32 : i32, i32
  }
  func.func @transform_6(%arg0: i32) -> (i32, i32) {
    %c0_i32 = arith.constant 0 : i32
    %c0_i32_0 = arith.constant 0 : i32
    return %arg0, %c0_i32 : i32, i32
  }
}

module attributes {stable_mosaic.version = 14 : i64} {
  func.func @_comb3_body(%arg0: i32, %arg1: memref<1000x64xf32, #tpu.memory_space<vmem>>, %arg2: memref<1000x64xf32, #tpu.memory_space<vmem>>, %arg3: memref<128x64xf32, #tpu.memory_space<vmem>>, %arg4: memref<1000x128xf32, #tpu.memory_space<vmem>>, %arg5: memref<1000x128xf32, #tpu.memory_space<vmem>>) attributes {dimension_semantics = [#tpu.dimension_semantics<arbitrary>], iteration_bounds = array<i64: 10>, scalar_prefetch = 0 : i64, scratch_operands = 0 : i64, tpu.core_type = #tpu.core_type<tc>, window_params = [{transform_indices = @transform_0, window_bounds = array<i64: 1000, 64>}, {transform_indices = @transform_1, window_bounds = array<i64: 1000, 64>}, {pipeline_mode = #tpu.pipeline_mode<synchronous>, transform_indices = @transform_2, window_bounds = array<i64: 128, 64>}, {transform_indices = @transform_3, window_bounds = array<i64: 1000, 128>}, {transform_indices = @transform_4, window_bounds = array<i64: 1000, 128>}]} {
    %get3A = arith.constant 0 : index
    %get3A_0 = arith.constant 0 : index
    %get3A_1 = vector.load %arg1[%get3A, %get3A_0] : memref<1000x64xf32, #tpu.memory_space<vmem>>, vector<1000x64xf32>
    %get3A_2 = arith.constant 0 : index
    %get3A_3 = arith.constant 0 : index
    %get3A_4 = vector.load %arg2[%get3A_2, %get3A_3] : memref<1000x64xf32, #tpu.memory_space<vmem>>, vector<1000x64xf32>
    %add3A = arith.addf %get3A_1, %get3A_4 : vector<1000x64xf32>
    %get3A_5 = arith.constant 0 : index
    %get3A_6 = arith.constant 0 : index
    %get3A_7 = vector.load %arg3[%get3A_5, %get3A_6] : memref<128x64xf32, #tpu.memory_space<vmem>>, vector<128x64xf32>
    %dot_general3A = arith.constant dense<0.000000e+00> : vector<1000x128xf32>
    %dot_general3A_8 = tpu.matmul %add3A, %get3A_7, %dot_general3A {dimension_numbers = #tpu.dot_dimension_numbers<[1], [1], [0], [0], [0, 0, 1, 0], [], []>, transpose_lhs_hint = false} : vector<1000x64xf32>, vector<128x64xf32>, vector<1000x128xf32> -> vector<1000x128xf32>
    %get3A_9 = arith.constant 0 : index
    %get3A_10 = arith.constant 0 : index
    %get3A_11 = vector.load %arg4[%get3A_9, %get3A_10] : memref<1000x128xf32, #tpu.memory_space<vmem>>, vector<1000x128xf32>
    %add3A_12 = arith.addf %dot_general3A_8, %get3A_11 : vector<1000x128xf32>
    %ge3A = arith.constant 0.000000e+00 : f32
    %ge3A_13 = vector.broadcast %ge3A : f32 to vector<1000x128xf32>
    %ge3A_14 = arith.cmpf oge, %add3A_12, %ge3A_13 : vector<1000x128xf32>
    %mul3A = arith.constant 0.00999999977 : f32
    %mul3A_15 = vector.broadcast %mul3A : f32 to vector<1000x128xf32>
    %mul3A_16 = arith.mulf %mul3A_15, %add3A_12 : vector<1000x128xf32>
    %select_n3A = arith.select %ge3A_14, %add3A_12, %mul3A_16 : vector<1000x128xi1>, vector<1000x128xf32>
    %swap3A = arith.constant 0 : index
    %swap3A_17 = arith.constant 0 : index
    %swap3A_18 = vector.load %arg5[%swap3A, %swap3A_17] : memref<1000x128xf32, #tpu.memory_space<vmem>>, vector<1000x128xf32>
    tpu.vector_store %arg5[%swap3A, %swap3A_17], %select_n3A {strides = array<i32>} : memref<1000x128xf32, #tpu.memory_space<vmem>>, vector<1000x128xf32>,
    return
  }
  func.func @transform_0(%arg0: i32) -> (i32, i32) {
    %c0_i32 = arith.constant 0 : i32
    %c0_i32_0 = arith.constant 0 : i32
    return %arg0, %c0_i32 : i32, i32
  }
  func.func @transform_1(%arg0: i32) -> (i32, i32) {
    %c0_i32 = arith.constant 0 : i32
    %c0_i32_0 = arith.constant 0 : i32
    return %arg0, %c0_i32 : i32, i32
  }
  func.func @transform_2(%arg0: i32) -> (i32, i32) {
    %c0_i32 = arith.constant 0 : i32
    %c0_i32_0 = arith.constant 0 : i32
    %c0_i32_1 = arith.constant 0 : i32
    return %c0_i32, %c0_i32_0 : i32, i32
  }
  func.func @transform_3(%arg0: i32) -> (i32, i32) {
    %c0_i32 = arith.constant 0 : i32
    %c0_i32_0 = arith.constant 0 : i32
    return %arg0, %c0_i32 : i32, i32
  }
  func.func @transform_4(%arg0: i32) -> (i32, i32) {
    %c0_i32 = arith.constant 0 : i32
    %c0_i32_0 = arith.constant 0 : i32
    return %arg0, %c0_i32 : i32, i32
  }
}

</mosaic_0001>

<sc_bundles>
// kernel: kernel.12.cloned.1.call-start
scs
__scs_entry_jumppad:
0x0: {  	(pc) =	sbr.rel $0x88, $3  }
0x1: {  	(tag) =	ssettag $0x0;
	lr =	simm.s32 $0x1  }
0x2: {  	[smem:$0x3F96] =	sst lr;
	_ =	strace $0xD0000000  }
0x3: {  	_ = 	snop  }
0x4: {  	_ = 	snop  }
0x5: {  	_ = 	snop  }
0x6: {  	_ = 	snop  }
0x7: {  	_ = 	snop  }
__scs_overlays_trampoline_lowered:
0x8: {  	[smem:$0x3FA5] =	sst s0  }
0x9: {  	[smem:$0x3FA6] =	sst s1  }
0xa: {  	[smem:$0x3FA7] =	sst s2  }
0xb: {  	[smem:$0x3FA8] =	sst s3  }
0xc: {  	[smem:$0x3FA9] =	sst s4  }
0xd: {  	[smem:$0x3FAA] =	sst s5  }
0xe: {  	[smem:$0x3FAB] =	sst s6  }
0xf: {  	[smem:$0x3FAC] =	sst s7  }
0x10: {  	[smem:$0x3FAD] =	sst s8  }
0x11: {  	[smem:$0x3FAE] =	sst s9;
	s0 =	simm.s32 @!p0 $0x0  }
0x12: {  	s1 =	sld [smem:$0x3F94];
	s0 =	simm.s32 @p0 $0x1  }
0x13: {  	[smem:$0x3FAF] =	sst s0;
	s0 =	simm.s32 @!p1 $0x0  }
0x14: {  	s2 =	sld [smem:$0x3F93];
	s0 =	simm.s32 @p1 $0x1  }
0x15: {  	[smem:$0x3FB0] =	sst s0;
	s0 =	simm.s32 @!p2 $0x0  }
0x16: {  	s3 =	sld [smem:$0x3FDB];
	s0 =	simm.s32 @p2 $0x1  }
0x17: {  	s4 =	simm.s32 $0x1BF5;
	[smem:$0x3FB2] =	sst s0  }
0x18: {  	s0 =	sld [smem:$0x3F95];
	_ =	swait.ge [sflag:s4], $0x0  }
0x19: {  	s7 =	sld [smem:$0x3F96]  }
0x1a: {  	s8 =	sadd.s32 $0xFFFFE003, lr  }
0x1b: {  	s9 =	sadd.s32 $0xFFFFFEF7, lr;
	s5 =	simm.s32 $0xFFFFFFFF;
	p2 =	slt.u32 s8, $0xFFFFF086  }
0x1c: {  	p1 =	slt.u32 s9, $0xF7A;
	s5 =	simm.s32 @!p2 $0x0  }
0x1d: {  	s5 =	simm.s32 @p1 $0x1;
	p0 =	seq.s32 s7, s2  }
0x1e: {  	s7 =	smul.u32 @!p0 $0xF7A, s2;
	p2 =	seq.s32 @!p0 s5, $0x0  }
0x1f: {  	s9 =	smul.u32 $0xF7A, s1;
	s8 =	simm.s32 @!p0 $0x1BF5;
	p2 =	por !p2, p0  }
0x20: {  	[sflag:s8] =	ssyncset.s32 @!p0 $0xFFFFF086;
	s6 =	sadd.s32 @!p0 s3, s7;
	s7 =	simm.s32 @!p0 $0x108  }
0x21: {  	s3 =	sadd.s32 s3, s9;
	s6 =	sadd.s32 @!p0 $0x88, s6;
	s7 =	simm.s32 @p2 $0x1082  }
0x22: {  	[simem:s7], [sflag:s8] =	dma.local @!p0 [hbm:s6], $0xF7A  }
0x23: {  	s9 =	sor.u32 $0xD0000000, s2;
	s6 =	simm.s32 $0x108;
	_ =	swait.ge @!p0 [sflag:s8], $0x0  }
0x24: {  	s3 =	sadd.s32 $0x88, s3;
	s6 =	simm.s32 @!p1 $0x1082;
	[sflag:s4] =	ssyncset.s32 $0xFFFFF086  }
0x25: {  	[simem:s6], [sflag:s4] =	dma.local [hbm:s3], $0xF7A  }
0x26: {  	[smem:$0x3F96] =	sst s1;
	(tag) =	ssettag s2;
	_ =	strace s9  }
0x27: {  	s1 =	sld [smem:$0x3FA6]  }
0x28: {  	s2 =	sld [smem:$0x3FA7]  }
0x29: {  	s4 =	sld [smem:$0x3FA9]  }
0x2a: {  	p0 =	seq.s32 s5, $0x0;
	s5 =	sld [smem:$0x3FAA]  }
0x2b: {  	s6 =	sld [smem:$0x3FAB]  }
0x2c: {  	s7 =	sld [smem:$0x3FAC]  }
0x2d: {  	s3 =	simm.s32 $0x108;
	s8 =	sld [smem:$0x3FAD]  }
0x2e: {  	s3 =	simm.s32 @!p0 $0x1082;
	s9 =	sld [smem:$0x3FAE]  }
0x2f: {  	lr =	sadd.s32 s0, s3;
	s0 =	sld [smem:$0x3FA5]  }
0x30: {  	s3 =	sld [smem:$0x3FA8]  }
0x31: {  	[smem:$0x3FB1] =	sst s10  }
0x32: {  	s10 =	sld [smem:$0x3FAF];
	_ =	sdelay $0x3  }
0x33: {  	p0 =	seq.s32 s10, $0x1;
	s10 =	sld [smem:$0x3FB1];
	_ =	sdelay $0x3  }
0x34: {  	[smem:$0x3FB1] =	sst s10  }
0x35: {  	s10 =	sld [smem:$0x3FB0];
	_ =	sdelay $0x3  }
0x36: {  	p1 =	seq.s32 s10, $0x1;
	s10 =	sld [smem:$0x3FB1];
	_ =	sdelay $0x3  }
0x37: {  	[smem:$0x3FB1] =	sst s10  }
0x38: {  	s10 =	sld [smem:$0x3FB2]  }
0x39: {  	_ = 	snop;
	(pc) =	sbr.ind lr, $3  }
0x3a: {  	_ = 	snop  }
0x3b: {  	_ = 	snop  }
0x3c: {  	p2 =	seq.s32 s10, $0x1;
	s10 =	sld [smem:$0x3FB1]  }
0x3d: {  	_ =	shalt  }
0x3e: {  	_ =	shalt  }
0x3f: {  	_ =	shalt  }
0x40: {  	_ =	shalt  }
0x41: {  	_ =	shalt  }
0x42: {  	_ =	shalt  }
0x43: {  	_ =	shalt  }
0x44: {  	_ =	shalt  }
0x45: {  	_ =	shalt  }
0x46: {  	_ =	shalt  }
0x47: {  	_ =	shalt  }
0x48: {  	_ =	shalt  }
0x49: {  	_ =	shalt  }
0x4a: {  	_ =	shalt  }
0x4b: {  	_ =	shalt  }
0x4c: {  	_ =	shalt  }
0x4d: {  	_ =	shalt  }
0x4e: {  	_ =	shalt  }
0x4f: {  	_ =	shalt  }
0x50: {  	_ =	shalt  }
0x51: {  	_ =	shalt  }
0x52: {  	_ =	shalt  }
0x53: {  	_ =	shalt  }
0x54: {  	_ =	shalt  }
0x55: {  	_ =	shalt  }
0x56: {  	_ =	shalt  }
0x57: {  	_ =	shalt  }
0x58: {  	_ =	shalt  }
0x59: {  	_ =	shalt  }
0x5a: {  	_ =	shalt  }
0x5b: {  	_ =	shalt  }
0x5c: {  	_ =	shalt  }
0x5d: {  	_ =	shalt  }
0x5e: {  	_ =	shalt  }
0x5f: {  	_ =	shalt  }
0x60: {  	_ =	shalt  }
0x61: {  	_ =	shalt  }
0x62: {  	_ =	shalt  }
0x63: {  	_ =	shalt  }
0x64: {  	_ =	shalt  }
0x65: {  	_ =	shalt  }
0x66: {  	_ =	shalt  }
0x67: {  	_ =	shalt  }
0x68: {  	_ =	shalt  }
0x69: {  	_ =	shalt  }
0x6a: {  	_ =	shalt  }
0x6b: {  	_ =	shalt  }
0x6c: {  	_ =	shalt  }
0x6d: {  	_ =	shalt  }
0x6e: {  	_ =	shalt  }
0x6f: {  	_ =	shalt  }
0x70: {  	_ =	shalt  }
0x71: {  	_ =	shalt  }
0x72: {  	_ =	shalt  }
0x73: {  	_ =	shalt  }
0x74: {  	_ =	shalt  }
0x75: {  	_ =	shalt  }
0x76: {  	_ =	shalt  }
0x77: {  	_ =	shalt  }
0x78: {  	_ =	shalt  }
0x79: {  	_ =	shalt  }
0x7a: {  	_ =	shalt  }
0x7b: {  	_ =	shalt  }
0x7c: {  	_ =	shalt  }
0x7d: {  	_ =	shalt  }
0x7e: {  	_ =	shalt  }
0x7f: {  	_ =	shalt  }
0x80: {  	_ =	shalt  }
0x81: {  	_ =	shalt  }
0x82: {  	_ =	shalt  }
0x83: {  	_ =	shalt  }
0x84: {  	_ =	shalt  }
0x85: {  	_ =	shalt  }
0x86: {  	_ =	shalt  }
0x87: {  	_ =	shalt  }
.Lfunc_end0:
.L_simem_size_0:
called_computation.1_lowered:
.L_overlay_start_0:
0x88: {  	s2 =	sld [smem:$0x3FD9]  }
0x89: {  	s3 =	sld [smem:$0x3FFE];
	_ =	sdelay $0x1  }
0x8a: {  	s1 =	srdreg.scid  }
0x8b: {  	s0 =	sand.u32 $0x1, s1  }
0x8c: {  	s17 =	sshll.u32 s0, $0xA;
	s2 =	sadd.s32 s3, s2  }
0x8d: {  	s2 =	sadd.s32 s2, s17  }
0x8e: {  	[smem:$0x3FBD] =	sst s2  }
0x8f: {  	_ = 	snop  }
0x90: {  	s2 =	sld [smem:$0x3FD0];
	(tm) =	ssettm $0x1  }
0x91: {  	s18 =	sld [smem:$0x3FFB];
	_ =	sdelay $0x3  }
0x92: {  	_ =	strace s18  }
0x93: {  	s3 =	sld [smem:$0x3FFC];
	_ =	sdelay $0x3  }
0x94: {  	_ =	strace s3  }
0x95: {  	s3 =	sld [smem:$0x3FFD];
	_ =	sdelay $0x3  }
0x96: {  	_ =	strace s3  }
0x97: {  	_ =	strace $0x8FFFFFFF  }
0x98: {  	s19 =	sld [smem:$0x3FDB];
	_ =	sdelay $0x1  }
0x99: {  	s4 =	simm.s32 $_scs_section_size  }
0x9a: {  	s5 =	simm.s32 $_size__tile_overlayer_lowered;
	s6 =	simm.s32 $_tile_overlayer_lowered  }
0x9b: {  	s22 =	simm.s32 $0x1BFF;
	s21 =	sshll.u32 s6, $0x1;
	s3 =	sadd.s32 s4, s19  }
0x9c: {  	s7 =	simm.s32 $0x0;
	s20 =	sshll.u32 s5, $0x1;
	s5 =	sadd.s32 s21, s3  }
0x9d: {  	[timem:s7], [sflag:s22] =	dma.local [hbm:s5], s20  }
0x9e: {  	_ =	swait.ge [sflag:s22], s20  }
0x9f: {  	s4 =	ssub.s32 $0x0, s20;
	[sflag:s22] =	ssyncset.done $0x0  }
0xa0: {  	[sflag:s22] =	ssyncadd.s32 s4;
	_ =	sdelay $0x1  }
0xa1: {  	s23 =	simm.s32 $0x1B8B  }
0xa2: {  	_ =	swait.ge [sflag:s23], $0x1  }
0xa3: {  	[sflag:s23] =	ssyncset.done $0x0  }
0xa4: {  	s25 =	simm.s32 $0x1B8E;
	s24 =	sld [smem:$0x3FFE];
	[sflag:s23] =	ssyncadd.s32 $0xFFFFFFFF  }
0xa5: {  	s26 =	simm.s32 $execute0_lowered;
	[smem:$0x3FD2] =	sst s25  }
0xa6: {  	s5 =	sshll.u32 s26, $0x1;
	_ =	strace $0x80000049;
	[dreg:$0x1] =	wrdreg $0xFFFFFFFF  }
0xa7: {  	s28 =	simm.s32 $_size_execute0_lowered;
	s3 =	sadd.s32 s3, s5;
	[dreg:$0x0] =	wrdreg $0x0  }
0xa8: {  	s5 =	sshll.u32 s28, $0x1;
	[dreg:$0x2] =	wrdreg s3  }
0xa9: {  	[dreg:$0x3] =	wrdreg s5  }
0xaa: {  	[dreg:$0x4] =	wrdreg $0xC0  }
0xab: {  	_ =	task [dreg:s7], $0x5FFFF  }
0xac: {  	[dreg:$0x1] =	wrdreg $0xFFFFFFFF  }
0xad: {  	[dreg:$0x0] =	wrdreg $0x60  }
0xae: {  	[dreg:$0x2] =	wrdreg s2  }
0xaf: {  	[dreg:$0x3] =	wrdreg s24  }
0xb0: {  	[dreg:$0x4] =	wrdreg $0x90000  }
0xb1: {  	[dreg:$0x5] =	wrdreg $0x130000  }
0xb2: {  	[dreg:$0x6] =	wrdreg $0x9  }
0xb3: {  	_ =	task.clear_ibuf [dreg:s7], $0x7FFFF;
	_ =	strace $0x90000049  }
0xb4: {  	s29 =	simm.s32 $0x9;
	_ =	strace $0x8000004B  }
0xb5: {  	_ =	swait.ge [sflag:s29], $0x1  }
0xb6: {  	[sflag:s29] =	ssyncadd.s32 $0xFFFFFFFF  }
0xb7: {  	_ =	strace $0x9000004B  }
0xb8: {  	_ =	sfence  }
0xb9: {  	s30 =	sld [smem:$0x0];
	_ =	sdelay $0x2  }
0xba: {  	s31 =	sshll.u32 s1, $0xD;
	s1 =	sshrl.u32 s1, $0x2  }
0xbb: {  	s3 =	sand.u32 $0x4000, s31;
	s1 =	sadd.s32 s1, s30  }
0xbc: {  	s0 =	sor.u32 s3, s0;
	s1 =	sshll.u32 s1, $0x11  }
0xbd: {  	s0 =	sor.u32 s1, s0  }
0xbe: {  	s0 =	sadd.s32 $0x8F2B, s0  }
0xbf: {  	[sflag:s0] =	ssyncadd.remote.s32 $0x1  }
0xc0: {  	_ =	sfence.sel $0xFFFF  }
0xc1: {  	[dreg:$0x0] =	wrdreg $0xFFFFFFFF;
	(pc) =	sbr.abs _section_cstart, $3  }
0xc2: {  	[dreg:$0x1] =	wrdreg $0xFFFFFFFF  }
0xc3: {  	_ =	task.clear_ibuf [dreg:s7], $0x2FFFF;
	_ =	strace $0x9FFFFFFF  }
0xc4: {  	(tm) =	ssettm $0x7FFFFFFF  }
0xc5: {  	_ =	shalt  }
tec
execute0_lowered:
.L_overlay_start_1:
0x0: {  	(tag) =	ssettag $0x1  }
0x1: {  	s7 =	rddreg [dreg:$0x0]  }
0x2: {  	s15 =	rddreg [dreg:$0x1]  }
0x3: {  	s0 =	srdreg.scid;
	s2 =	rddreg [dreg:$0x2]  }
0x4: {  	s3 =	rddreg [dreg:$0x3];
	s4 =	simm.s32 $0x0;
	s19 =	simm.s32 $0x3F400  }
0x5: {  	s20 =	simm.s32 $0x2;
	s21 =	simm.s32 $0x3;
	s22 =	simm.s32 $0x4  }
0x6: {  	s23 =	simm.s32 $0x80;
	s24 =	simm.s32 $0x1;
	s25 =	simm.s32 $0x5  }
0x7: {  	s26 =	simm.s32 $0x0;
	s11 =	sand.u32 $0x1, s0;
	s0 =	stileid.u32  }
0x8: {  	[smem:$0x7FF] =	sst s4;
	s1 =	sshll.u32 s11, $0x4;
	s10 =	smul.u32 $0xA000, s0  }
0x9: {  	s6 =	ssub.s32 $0x2, s11;
	_ =	strace $0x8000004A;
	s12 =	smul.u32 $0x28000, s0  }
0xa: {  	p0 =	seq.s32 s11, $0x1;
	s5 =	sor.u32 s0, s1;
	s31 =	sshrl.u32 s6, $0x1  }
0xb: {  	s19 =	simm.s32 @!p0 $0x53400;
	s5 =	smul.u32 $0x500, s5;
	s16 =	ssub.s32 s6, s31  }
0xc: {  	s17 =	sshrl.u32 s10, $0x3;
	s18 =	sadd.s32 s10, s2;
	s10 =	sadd.s32 s10, s3  }
0xd: {  	s12 =	sshrl.u32 s12, $0x2;
	s19 =	sadd.s32 s19, s15;
	s7 =	sadd.s32 s7, s17  }
0xe: {  	s14 =	sadd.s32 s12, s3;
	s18 =	sshrl.u32 s18, $0x3;
	s8 =	sadd.s32 s5, s15  }
0xf: {  	s11 =	sadd.s32 $0x2000, s14;
	s12 =	sadd.s32 $0x4000, s14;
	s13 =	sadd.s32 $0x6000, s14  }
0x10: {  	s14 =	sadd.s32 $0x8000, s14;
	s15 =	smax.u32 s16, $0x1;
	s16 =	sadd.s32 s19, s17  }
0x11: {  	s5 =	sadd.s32 $0x35400, s8;
	s6 =	sadd.s32 $0x2B400, s8;
	s8 =	sshll.u32 s0, $0x6  }
0x12: {  	v0 =	vimm.f32 $0.0e+00;
	s17 =	simm.s32 $0x2800;
	s19 =	simm.s32 $0x5000;
	s9 =	sor.u32 $0x1C01, s8  }
.LBB2_1:
0x13: {  	[tilespmem:s4], [sflag:$0x2] =	stream.linear.gather [hbm4b:s5+s4], $0x2800, $0x38;
	[tilespmem:$0x1D000] =	vst v63  }
0x14: {  	s29 =	simm.s32 $0x100;
	s28 =	simm.s32 $0x0  }
0x15: {  	[tilespmem:s17], [sflag:$0x3] =	stream.linear.gather [hbm4b:s6+s4], $0x2800, $0x38;
	[tilespmem:$0x1D000] =	vst v63  }
0x16: {  	[spmem:s18], [sflag:s9] =	dma.local [hbm:s7], $0x1400  }
.LBB2_2:
0x17: {  	p0 =	sne.s32 s29, $0x7F00;
	[tilespmem:s28+$0x5030] =	vst v0;
	s30 =	smov.u32 s29;
	s29 =	sadd.s32 $0x100, s29  }
.Ltmp0:
0x18: {  	[tilespmem:s28+$0x5020] =	vst v0;
	(pc) =	sbr.rel @p0 .LBB2_2-.Ltmp0, $3  }
0x19: {  	[tilespmem:s28+$0x5000] =	vst v0  }
0x1a: {  	[tilespmem:s28+$0x5010] =	vst v0;
	_ =	sdelay $0x1  }
0x1b: {  	s28 =	sshra.s32 s30, $0x2  }
0x1c: {  	[tilespmem:s28+$0x5030] =	vst v0  }
0x1d: {  	[tilespmem:s28+$0x5020] =	vst v0  }
0x1e: {  	[tilespmem:s28+$0x5000] =	vst v0  }
0x1f: {  	[tilespmem:s28+$0x5010] =	vst v0  }
0x20: {  	[spmem:s10] =	stream.linear.scatter [tilespmem:s19], [sflag:$0x4], $0x2000, $0x38;
	[tilespmem:$0x1D000] =	vst v63  }
0x21: {  	_ = 	snop  }
0x22: {  	[spmem:s11] =	stream.linear.scatter [tilespmem:s19], [sflag:$0x4], $0x2000, $0x38;
	[tilespmem:$0x1D000] =	vst v63  }
0x23: {  	_ = 	snop  }
0x24: {  	[spmem:s12] =	stream.linear.scatter [tilespmem:s19], [sflag:$0x4], $0x2000, $0x38;
	[tilespmem:$0x1D000] =	vst v63  }
0x25: {  	_ = 	snop  }
0x26: {  	[spmem:s13] =	stream.linear.scatter [tilespmem:s19], [sflag:$0x4], $0x2000, $0x38;
	[tilespmem:$0x1D000] =	vst v63  }
0x27: {  	_ = 	snop  }
0x28: {  	[spmem:s14] =	stream.linear.scatter [tilespmem:s19], [sflag:$0x4], $0x2000, $0x38;
	[tilespmem:$0x1D000] =	vst v63  }
0x29: {  	_ =	swait.ge [sflag:s20], $0x2800  }
0x2a: {  	[sflag:s20] =	ssyncset.done $0x0  }
0x2b: {  	[sflag:s20] =	ssyncadd.s32 $0xFFFFD800  }
0x2c: {  	_ =	swait.ge [sflag:s21], $0x2800  }
0x2d: {  	[sflag:s21] =	ssyncset.done $0x0  }
0x2e: {  	s28 =	simm.s32 $0x1;
	[sflag:s21] =	ssyncadd.s32 $0xFFFFD800  }
0x2f: {  	_ =	swait.ge [sflag:s28], $0x1400  }
0x30: {  	[sflag:s28] =	ssyncset.done $0x0  }
0x31: {  	[sflag:s28] =	ssyncadd.s32 $0xFFFFEC00  }
0x32: {  	_ =	swait.ge [sflag:s22], $0x2000  }
0x33: {  	[sflag:s22] =	ssyncset.done $0x0  }
0x34: {  	[sflag:s22] =	ssyncadd.s32 $0xFFFFE000  }
0x35: {  	_ =	swait.ge [sflag:s22], $0x2000  }
0x36: {  	[sflag:s22] =	ssyncset.done $0x0  }
0x37: {  	[sflag:s22] =	ssyncadd.s32 $0xFFFFE000  }
0x38: {  	_ =	swait.ge [sflag:s22], $0x2000  }
0x39: {  	[sflag:s22] =	ssyncset.done $0x0  }
0x3a: {  	[sflag:s22] =	ssyncadd.s32 $0xFFFFE000  }
0x3b: {  	_ =	swait.ge [sflag:s22], $0x2000  }
0x3c: {  	[sflag:s22] =	ssyncset.done $0x0  }
0x3d: {  	[sflag:s22] =	ssyncadd.s32 $0xFFFFE000  }
0x3e: {  	_ =	swait.ge [sflag:s22], $0x2000  }
0x3f: {  	[sflag:s22] =	ssyncset.done $0x0  }
0x40: {  	[sflag:s22] =	ssyncadd.s32 $0xFFFFE000  }
0x41: {  	s29 =	simm.s32 $0x0;
	[bflag:$0x0] =	sbarrier.arrive $0xFFFF  }
0x42: {  	[tilespmem:s19], [sflag:$0x1] =	stream.indirect.gather [spmem:s2], $0x40, s4, s23, $0xb8;
	[tilespmem:$0x1D000] =	vst v63  }
0x43: {  	s29 =	sand.u32 $0x1, s29;
	_ =	swait.ge [sflag:s24], $0x2000  }
0x44: {  	s29 =	sshll.u32 s29, $0xD;
	s28 =	smin.u32 s28, $0x4F;
	[sflag:s24] =	ssyncset.done $0x0  }
0x45: {  	s30 =	sxor.u32 $0x7000, s29;
	s28 =	sshll.u32 s28, $0x7;
	[sflag:s24] =	ssyncadd.s32 $0xFFFFE000  }
0x46: {  	[tilespmem:s30], [sflag:$0x1] =	stream.indirect.gather [spmem:s2], $0x40, s28, s23, $0xb8;
	[tilespmem:$0x1D000] =	vst v63  }
0x47: {  	s29 =	sor.u32 $0x5000, s29;
	s28 =	simm.s32 $0x2800  }
0x48: {  	[spmem:s3] =	stream.indirect.scatter.add.f32 [tilespmem:s29], [sflag:$0x5], $0x40, s28, s23, $0xb8;
	[tilespmem:$0x1D000] =	vst v63  }
0x49: {  	_ =	swait.ge [sflag:s25], $0x2000  }
0x4a: {  	s29 =	simm.s32 $0x2;
	[sflag:s25] =	ssyncset.done $0x0  }
.LBB2_4:
0x4b: {  	p0 =	sne.s32 s29, $0x50;
	[sflag:s25] =	ssyncadd.s32 $0xFFFFE000;
	s28 =	sadd.s32 $0x80, s28  }
0x4c: {  	s30 =	sadd.s32 $0xFFFFFFFF, s29;
	s31 =	smov.u32 s29;
	s29 =	sadd.s32 $0x1, s29  }
0x4d: {  	s30 =	sand.u32 $0x1, s30;
	_ =	swait.ge [sflag:s24], $0x2000  }
0x4e: {  	s31 =	smin.u32 s31, $0x4F;
	s30 =	sshll.u32 s30, $0xD;
	[sflag:s24] =	ssyncset.done $0x0  }
0x4f: {  	s31 =	sshll.u32 s31, $0x7;
	s1 =	sxor.u32 $0x7000, s30;
	[sflag:s24] =	ssyncadd.s32 $0xFFFFE000  }
0x50: {  	[tilespmem:s1], [sflag:$0x1] =	stream.indirect.gather [spmem:s2], $0x40, s31, s23, $0xb8;
	[tilespmem:$0x1D000] =	vst v63  }
.Ltmp1:
0x51: {  	_ = 	snop;
	(pc) =	sbr.rel @p0 .LBB2_4-.Ltmp1, $4  }
0x52: {  	s1 =	sor.u32 $0x5000, s30  }
0x53: {  	[spmem:s3] =	stream.indirect.scatter.add.f32 [tilespmem:s1], [sflag:$0x5], $0x40, s28, s23, $0xb8;
	[tilespmem:$0x1D000] =	vst v63  }
0x54: {  	_ =	swait.ge [sflag:s25], $0x2000  }
0x55: {  	[sflag:s25] =	ssyncset.done $0x0  }
0x56: {  	[sflag:s25] =	ssyncadd.s32 $0xFFFFE000  }
0x57: {  	_ =	swait.ge [sflag:s24], $0x2000  }
0x58: {  	s26 =	sadd.s32 $0x1, s26;
	[sflag:s24] =	ssyncset.done $0x0  }
0x59: {  	s1 =	sor.u32 $0x1C05, s8;
	p0 =	sne.s32 s26, s15;
	[sflag:s24] =	ssyncadd.s32 $0xFFFFE000  }
.Ltmp2:
0x5a: {  	s28 =	sshrl.u32 s10, $0x3;
	[bflag:$0x0] =	sbarrier.arrive $0xFFFF;
	(pc) =	sbr.rel @p0 .LBB2_1-.Ltmp2, $4  }
0x5b: {  	[hbm:s16], [sflag:s1] =	dma.local [spmem:s28], $0x1400  }
0x5c: {  	_ =	swait.ge [sflag:s25], $0x1400  }
0x5d: {  	[sflag:s25] =	ssyncset.done $0x0  }
0x5e: {  	[sflag:s25] =	ssyncadd.s32 $0xFFFFEC00  }
0x5f: {  	_ =	sfence.sel $0x180000  }
0x60: {  	[bflag:$0x0] =	sbarrier.arrive $0xFFFF  }
0x61: {  	_ =	strace $0x9000004A  }
0x62: {  	[bflag:$0x2] =	sbarrier.arrive $0xFFFF  }
0x63: {  	p0 =	sne.s32 s0, $0x0;
	s0 =	rddreg [dreg:$0x4]  }
0x64: {  	s0 =	sadd.s32 @!p0 $0x100000, s0  }
0x65: {  	[sflag:s0] =	ssyncadd.tile.s32 @!p0 $0x1;
	_ =	shalt  }
.Lfunc_end2:
_tile_overlayer_lowered:
.L_overlay_start_2:
0x66: {  	(tag) =	ssettag $0x2  }
0x67: {  	s0 =	rddreg [dreg:$0x0];
	s2 =	stileid.u32  }
0x68: {  	s1 =	rddreg [dreg:$0x1];
	p0 =	sne.s32 s2, $0x0  }
0x69: {  	s3 =	rddreg [dreg:$0x2];
	[bflag:$0x3] =	sbarrier.arrive $0xFFFF;
	s2 =	simm.s32 @!p0 $0x1C05  }
0x6a: {  	[timem:s3], [sflag:s2] =	dma.local @!p0 [hbm:s0], s1  }
0x6b: {  	s0 =	simm.s32 @!p0 $0x5  }
0x6c: {  	_ =	swait.ge @!p0 [sflag:s0], s1  }
0x6d: {  	s1 =	ssub.s32 @!p0 $0x0, s1;
	[sflag:s0] =	ssyncset.done @!p0 $0x0  }
0x6e: {  	[sflag:s0] =	ssyncadd.s32 @!p0 s1  }
0x6f: {  	[bflag:$0x3] =	sbarrier.arrive $0xFFFF  }
0x70: {  	_ =	shalt  }

// kernel: kernel.15.cloned.1.call-start
scs
__scs_entry_jumppad:
0x0: {  	(pc) =	sbr.rel $0x88, $3  }
0x1: {  	(tag) =	ssettag $0x0;
	lr =	simm.s32 $0x1  }
0x2: {  	[smem:$0x3F96] =	sst lr;
	_ =	strace $0xD0000000  }
0x3: {  	_ = 	snop  }
0x4: {  	_ = 	snop  }
0x5: {  	_ = 	snop  }
0x6: {  	_ = 	snop  }
0x7: {  	_ = 	snop  }
__scs_overlays_trampoline_lowered:
0x8: {  	[smem:$0x3FA5] =	sst s0  }
0x9: {  	[smem:$0x3FA6] =	sst s1  }
0xa: {  	[smem:$0x3FA7] =	sst s2  }
0xb: {  	[smem:$0x3FA8] =	sst s3  }
0xc: {  	[smem:$0x3FA9] =	sst s4  }
0xd: {  	[smem:$0x3FAA] =	sst s5  }
0xe: {  	[smem:$0x3FAB] =	sst s6  }
0xf: {  	[smem:$0x3FAC] =	sst s7  }
0x10: {  	[smem:$0x3FAD] =	sst s8  }
0x11: {  	[smem:$0x3FAE] =	sst s9;
	s0 =	simm.s32 @!p0 $0x0  }
0x12: {  	s1 =	sld [smem:$0x3F94];
	s0 =	simm.s32 @p0 $0x1  }
0x13: {  	[smem:$0x3FAF] =	sst s0;
	s0 =	simm.s32 @!p1 $0x0  }
0x14: {  	s2 =	sld [smem:$0x3F93];
	s0 =	simm.s32 @p1 $0x1  }
0x15: {  	[smem:$0x3FB0] =	sst s0;
	s0 =	simm.s32 @!p2 $0x0  }
0x16: {  	s3 =	sld [smem:$0x3FDB];
	s0 =	simm.s32 @p2 $0x1  }
0x17: {  	s4 =	simm.s32 $0x1BF5;
	[smem:$0x3FB2] =	sst s0  }
0x18: {  	s0 =	sld [smem:$0x3F95];
	_ =	swait.ge [sflag:s4], $0x0  }
0x19: {  	s7 =	sld [smem:$0x3F96]  }
0x1a: {  	s8 =	sadd.s32 $0xFFFFE003, lr  }
0x1b: {  	s9 =	sadd.s32 $0xFFFFFEF7, lr;
	s5 =	simm.s32 $0xFFFFFFFF;
	p2 =	slt.u32 s8, $0xFFFFF086  }
0x1c: {  	p1 =	slt.u32 s9, $0xF7A;
	s5 =	simm.s32 @!p2 $0x0  }
0x1d: {  	s5 =	simm.s32 @p1 $0x1;
	p0 =	seq.s32 s7, s2  }
0x1e: {  	s7 =	smul.u32 @!p0 $0xF7A, s2;
	p2 =	seq.s32 @!p0 s5, $0x0  }
0x1f: {  	s9 =	smul.u32 $0xF7A, s1;
	s8 =	simm.s32 @!p0 $0x1BF5;
	p2 =	por !p2, p0  }
0x20: {  	[sflag:s8] =	ssyncset.s32 @!p0 $0xFFFFF086;
	s6 =	sadd.s32 @!p0 s3, s7;
	s7 =	simm.s32 @!p0 $0x108  }
0x21: {  	s3 =	sadd.s32 s3, s9;
	s6 =	sadd.s32 @!p0 $0x88, s6;
	s7 =	simm.s32 @p2 $0x1082  }
0x22: {  	[simem:s7], [sflag:s8] =	dma.local @!p0 [hbm:s6], $0xF7A  }
0x23: {  	s9 =	sor.u32 $0xD0000000, s2;
	s6 =	simm.s32 $0x108;
	_ =	swait.ge @!p0 [sflag:s8], $0x0  }
0x24: {  	s3 =	sadd.s32 $0x88, s3;
	s6 =	simm.s32 @!p1 $0x1082;
	[sflag:s4] =	ssyncset.s32 $0xFFFFF086  }
0x25: {  	[simem:s6], [sflag:s4] =	dma.local [hbm:s3], $0xF7A  }
0x26: {  	[smem:$0x3F96] =	sst s1;
	(tag) =	ssettag s2;
	_ =	strace s9  }
0x27: {  	s1 =	sld [smem:$0x3FA6]  }
0x28: {  	s2 =	sld [smem:$0x3FA7]  }
0x29: {  	s4 =	sld [smem:$0x3FA9]  }
0x2a: {  	p0 =	seq.s32 s5, $0x0;
	s5 =	sld [smem:$0x3FAA]  }
0x2b: {  	s6 =	sld [smem:$0x3FAB]  }
0x2c: {  	s7 =	sld [smem:$0x3FAC]  }
0x2d: {  	s3 =	simm.s32 $0x108;
	s8 =	sld [smem:$0x3FAD]  }
0x2e: {  	s3 =	simm.s32 @!p0 $0x1082;
	s9 =	sld [smem:$0x3FAE]  }
0x2f: {  	lr =	sadd.s32 s0, s3;
	s0 =	sld [smem:$0x3FA5]  }
0x30: {  	s3 =	sld [smem:$0x3FA8]  }
0x31: {  	[smem:$0x3FB1] =	sst s10  }
0x32: {  	s10 =	sld [smem:$0x3FAF];
	_ =	sdelay $0x3  }
0x33: {  	p0 =	seq.s32 s10, $0x1;
	s10 =	sld [smem:$0x3FB1];
	_ =	sdelay $0x3  }
0x34: {  	[smem:$0x3FB1] =	sst s10  }
0x35: {  	s10 =	sld [smem:$0x3FB0];
	_ =	sdelay $0x3  }
0x36: {  	p1 =	seq.s32 s10, $0x1;
	s10 =	sld [smem:$0x3FB1];
	_ =	sdelay $0x3  }
0x37: {  	[smem:$0x3FB1] =	sst s10  }
0x38: {  	s10 =	sld [smem:$0x3FB2]  }
0x39: {  	_ = 	snop;
	(pc) =	sbr.ind lr, $3  }
0x3a: {  	_ = 	snop  }
0x3b: {  	_ = 	snop  }
0x3c: {  	p2 =	seq.s32 s10, $0x1;
	s10 =	sld [smem:$0x3FB1]  }
0x3d: {  	_ =	shalt  }
0x3e: {  	_ =	shalt  }
0x3f: {  	_ =	shalt  }
0x40: {  	_ =	shalt  }
0x41: {  	_ =	shalt  }
0x42: {  	_ =	shalt  }
0x43: {  	_ =	shalt  }
0x44: {  	_ =	shalt  }
0x45: {  	_ =	shalt  }
0x46: {  	_ =	shalt  }
0x47: {  	_ =	shalt  }
0x48: {  	_ =	shalt  }
0x49: {  	_ =	shalt  }
0x4a: {  	_ =	shalt  }
0x4b: {  	_ =	shalt  }
0x4c: {  	_ =	shalt  }
0x4d: {  	_ =	shalt  }
0x4e: {  	_ =	shalt  }
0x4f: {  	_ =	shalt  }
0x50: {  	_ =	shalt  }
0x51: {  	_ =	shalt  }
0x52: {  	_ =	shalt  }
0x53: {  	_ =	shalt  }
0x54: {  	_ =	shalt  }
0x55: {  	_ =	shalt  }
0x56: {  	_ =	shalt  }
0x57: {  	_ =	shalt  }
0x58: {  	_ =	shalt  }
0x59: {  	_ =	shalt  }
0x5a: {  	_ =	shalt  }
0x5b: {  	_ =	shalt  }
0x5c: {  	_ =	shalt  }
0x5d: {  	_ =	shalt  }
0x5e: {  	_ =	shalt  }
0x5f: {  	_ =	shalt  }
0x60: {  	_ =	shalt  }
0x61: {  	_ =	shalt  }
0x62: {  	_ =	shalt  }
0x63: {  	_ =	shalt  }
0x64: {  	_ =	shalt  }
0x65: {  	_ =	shalt  }
0x66: {  	_ =	shalt  }
0x67: {  	_ =	shalt  }
0x68: {  	_ =	shalt  }
0x69: {  	_ =	shalt  }
0x6a: {  	_ =	shalt  }
0x6b: {  	_ =	shalt  }
0x6c: {  	_ =	shalt  }
0x6d: {  	_ =	shalt  }
0x6e: {  	_ =	shalt  }
0x6f: {  	_ =	shalt  }
0x70: {  	_ =	shalt  }
0x71: {  	_ =	shalt  }
0x72: {  	_ =	shalt  }
0x73: {  	_ =	shalt  }
0x74: {  	_ =	shalt  }
0x75: {  	_ =	shalt  }
0x76: {  	_ =	shalt  }
0x77: {  	_ =	shalt  }
0x78: {  	_ =	shalt  }
0x79: {  	_ =	shalt  }
0x7a: {  	_ =	shalt  }
0x7b: {  	_ =	shalt  }
0x7c: {  	_ =	shalt  }
0x7d: {  	_ =	shalt  }
0x7e: {  	_ =	shalt  }
0x7f: {  	_ =	shalt  }
0x80: {  	_ =	shalt  }
0x81: {  	_ =	shalt  }
0x82: {  	_ =	shalt  }
0x83: {  	_ =	shalt  }
0x84: {  	_ =	shalt  }
0x85: {  	_ =	shalt  }
0x86: {  	_ =	shalt  }
0x87: {  	_ =	shalt  }
.Lfunc_end0:
.L_simem_size_0:
called_computation.2_lowered:
.L_overlay_start_0:
0x88: {  	s2 =	sld [smem:$0x3FD9]  }
0x89: {  	s3 =	sld [smem:$0x3FFE];
	_ =	sdelay $0x1  }
0x8a: {  	s1 =	srdreg.scid  }
0x8b: {  	s0 =	sand.u32 $0x1, s1  }
0x8c: {  	s17 =	sshll.u32 s0, $0xA;
	s2 =	sadd.s32 s3, s2  }
0x8d: {  	s2 =	sadd.s32 s2, s17  }
0x8e: {  	[smem:$0x3FBD] =	sst s2  }
0x8f: {  	_ = 	snop  }
0x90: {  	s2 =	sld [smem:$0x3FD0];
	(tm) =	ssettm $0x1  }
0x91: {  	s18 =	sld [smem:$0x3FFB];
	_ =	sdelay $0x3  }
0x92: {  	_ =	strace s18  }
0x93: {  	s3 =	sld [smem:$0x3FFC];
	_ =	sdelay $0x3  }
0x94: {  	_ =	strace s3  }
0x95: {  	s3 =	sld [smem:$0x3FFD];
	_ =	sdelay $0x3  }
0x96: {  	_ =	strace s3  }
0x97: {  	_ =	strace $0x8FFFFFFF  }
0x98: {  	s19 =	sld [smem:$0x3FDB];
	_ =	sdelay $0x1  }
0x99: {  	s4 =	simm.s32 $_scs_section_size  }
0x9a: {  	s5 =	simm.s32 $_size__tile_overlayer_lowered;
	s6 =	simm.s32 $_tile_overlayer_lowered  }
0x9b: {  	s22 =	simm.s32 $0x1BFF;
	s21 =	sshll.u32 s6, $0x1;
	s3 =	sadd.s32 s4, s19  }
0x9c: {  	s7 =	simm.s32 $0x0;
	s20 =	sshll.u32 s5, $0x1;
	s5 =	sadd.s32 s21, s3  }
0x9d: {  	[timem:s7], [sflag:s22] =	dma.local [hbm:s5], s20  }
0x9e: {  	_ =	swait.ge [sflag:s22], s20  }
0x9f: {  	s4 =	ssub.s32 $0x0, s20;
	[sflag:s22] =	ssyncset.done $0x0  }
0xa0: {  	[sflag:s22] =	ssyncadd.s32 s4;
	_ =	sdelay $0x1  }
0xa1: {  	s23 =	simm.s32 $0x1B8B  }
0xa2: {  	_ =	swait.ge [sflag:s23], $0x1  }
0xa3: {  	[sflag:s23] =	ssyncset.done $0x0  }
0xa4: {  	s25 =	simm.s32 $0x1B8E;
	s24 =	sld [smem:$0x3FFE];
	[sflag:s23] =	ssyncadd.s32 $0xFFFFFFFF  }
0xa5: {  	s26 =	simm.s32 $execute0_lowered;
	[smem:$0x3FD2] =	sst s25  }
0xa6: {  	s5 =	sshll.u32 s26, $0x1;
	_ =	strace $0x8000004C;
	[dreg:$0x1] =	wrdreg $0xFFFFFFFF  }
0xa7: {  	s28 =	simm.s32 $_size_execute0_lowered;
	s3 =	sadd.s32 s3, s5;
	[dreg:$0x0] =	wrdreg $0x0  }
0xa8: {  	s5 =	sshll.u32 s28, $0x1;
	[dreg:$0x2] =	wrdreg s3  }
0xa9: {  	[dreg:$0x3] =	wrdreg s5  }
0xaa: {  	[dreg:$0x4] =	wrdreg $0xC0  }
0xab: {  	_ =	task [dreg:s7], $0x5FFFF  }
0xac: {  	[dreg:$0x1] =	wrdreg $0xFFFFFFFF  }
0xad: {  	[dreg:$0x0] =	wrdreg $0x60  }
0xae: {  	[dreg:$0x2] =	wrdreg s2  }
0xaf: {  	[dreg:$0x3] =	wrdreg s24  }
0xb0: {  	[dreg:$0x4] =	wrdreg $0x90000  }
0xb1: {  	[dreg:$0x5] =	wrdreg $0x130000  }
0xb2: {  	[dreg:$0x6] =	wrdreg $0x9  }
0xb3: {  	_ =	task.clear_ibuf [dreg:s7], $0x7FFFF;
	_ =	strace $0x9000004C  }
0xb4: {  	s29 =	simm.s32 $0x9;
	_ =	strace $0x8000004E  }
0xb5: {  	_ =	swait.ge [sflag:s29], $0x1  }
0xb6: {  	[sflag:s29] =	ssyncadd.s32 $0xFFFFFFFF  }
0xb7: {  	_ =	strace $0x9000004E  }
0xb8: {  	_ =	sfence  }
0xb9: {  	s30 =	sld [smem:$0x0];
	_ =	sdelay $0x2  }
0xba: {  	s31 =	sshll.u32 s1, $0xD;
	s1 =	sshrl.u32 s1, $0x2  }
0xbb: {  	s3 =	sand.u32 $0x4000, s31;
	s1 =	sadd.s32 s1, s30  }
0xbc: {  	s0 =	sor.u32 s3, s0;
	s1 =	sshll.u32 s1, $0x11  }
0xbd: {  	s0 =	sor.u32 s1, s0  }
0xbe: {  	s0 =	sadd.s32 $0x8F2B, s0  }
0xbf: {  	[sflag:s0] =	ssyncadd.remote.s32 $0x1  }
0xc0: {  	_ =	sfence.sel $0xFFFF  }
0xc1: {  	[dreg:$0x0] =	wrdreg $0xFFFFFFFF;
	(pc) =	sbr.abs _section_cstart, $3  }
0xc2: {  	[dreg:$0x1] =	wrdreg $0xFFFFFFFF  }
0xc3: {  	_ =	task.clear_ibuf [dreg:s7], $0x2FFFF;
	_ =	strace $0x9FFFFFFF  }
0xc4: {  	(tm) =	ssettm $0x7FFFFFFF  }
0xc5: {  	_ =	shalt  }
tec
execute0_lowered:
.L_overlay_start_1:
0x0: {  	(tag) =	ssettag $0x1  }
0x1: {  	s7 =	rddreg [dreg:$0x0]  }
0x2: {  	s15 =	rddreg [dreg:$0x1]  }
0x3: {  	s0 =	srdreg.scid;
	s2 =	rddreg [dreg:$0x2]  }
0x4: {  	s3 =	rddreg [dreg:$0x3];
	s4 =	simm.s32 $0x0;
	s19 =	simm.s32 $0x3400  }
0x5: {  	s20 =	simm.s32 $0x2;
	s21 =	simm.s32 $0x3;
	s22 =	simm.s32 $0x4  }
0x6: {  	s23 =	simm.s32 $0x80;
	s24 =	simm.s32 $0x1;
	s25 =	simm.s32 $0x5  }
0x7: {  	s26 =	simm.s32 $0x0;
	s11 =	sand.u32 $0x1, s0;
	s0 =	stileid.u32  }
0x8: {  	[smem:$0x7FF] =	sst s4;
	s1 =	sshll.u32 s11, $0x4;
	s10 =	smul.u32 $0xA000, s0  }
0x9: {  	s6 =	ssub.s32 $0x2, s11;
	_ =	strace $0x8000004D;
	s12 =	smul.u32 $0x28000, s0  }
0xa: {  	p0 =	seq.s32 s11, $0x1;
	s5 =	sor.u32 s0, s1;
	s31 =	sshrl.u32 s6, $0x1  }
0xb: {  	s19 =	simm.s32 @!p0 $0x17400;
	s5 =	smul.u32 $0x500, s5;
	s16 =	ssub.s32 s6, s31  }
0xc: {  	s17 =	sshrl.u32 s10, $0x3;
	s18 =	sadd.s32 s10, s2;
	s10 =	sadd.s32 s10, s3  }
0xd: {  	s12 =	sshrl.u32 s12, $0x2;
	s19 =	sadd.s32 s19, s15;
	s7 =	sadd.s32 s7, s17  }
0xe: {  	s14 =	sadd.s32 s12, s3;
	s18 =	sshrl.u32 s18, $0x3;
	s8 =	sadd.s32 s5, s15  }
0xf: {  	s11 =	sadd.s32 $0x2000, s14;
	s12 =	sadd.s32 $0x4000, s14;
	s13 =	sadd.s32 $0x6000, s14  }
0x10: {  	s14 =	sadd.s32 $0x8000, s14;
	s15 =	smax.u32 s16, $0x1;
	s16 =	sadd.s32 s19, s17  }
0x11: {  	s5 =	sadd.s32 $0x35400, s8;
	s6 =	sadd.s32 $0x2B400, s8;
	s8 =	sshll.u32 s0, $0x6  }
0x12: {  	v0 =	vimm.f32 $0.0e+00;
	s17 =	simm.s32 $0x2800;
	s19 =	simm.s32 $0x5000;
	s9 =	sor.u32 $0x1C01, s8  }
.LBB2_1:
0x13: {  	[tilespmem:s4], [sflag:$0x2] =	stream.linear.gather [hbm4b:s5+s4], $0x2800, $0x38;
	[tilespmem:$0x1D000] =	vst v63  }
0x14: {  	s29 =	simm.s32 $0x100;
	s28 =	simm.s32 $0x0  }
0x15: {  	[tilespmem:s17], [sflag:$0x3] =	stream.linear.gather [hbm4b:s6+s4], $0x2800, $0x38;
	[tilespmem:$0x1D000] =	vst v63  }
0x16: {  	[spmem:s18], [sflag:s9] =	dma.local [hbm:s7], $0x1400  }
.LBB2_2:
0x17: {  	p0 =	sne.s32 s29, $0x7F00;
	[tilespmem:s28+$0x5030] =	vst v0;
	s30 =	smov.u32 s29;
	s29 =	sadd.s32 $0x100, s29  }
.Ltmp0:
0x18: {  	[tilespmem:s28+$0x5020] =	vst v0;
	(pc) =	sbr.rel @p0 .LBB2_2-.Ltmp0, $3  }
0x19: {  	[tilespmem:s28+$0x5000] =	vst v0  }
0x1a: {  	[tilespmem:s28+$0x5010] =	vst v0;
	_ =	sdelay $0x1  }
0x1b: {  	s28 =	sshra.s32 s30, $0x2  }
0x1c: {  	[tilespmem:s28+$0x5030] =	vst v0  }
0x1d: {  	[tilespmem:s28+$0x5020] =	vst v0  }
0x1e: {  	[tilespmem:s28+$0x5000] =	vst v0  }
0x1f: {  	[tilespmem:s28+$0x5010] =	vst v0  }
0x20: {  	[spmem:s10] =	stream.linear.scatter [tilespmem:s19], [sflag:$0x4], $0x2000, $0x38;
	[tilespmem:$0x1D000] =	vst v63  }
0x21: {  	_ = 	snop  }
0x22: {  	[spmem:s11] =	stream.linear.scatter [tilespmem:s19], [sflag:$0x4], $0x2000, $0x38;
	[tilespmem:$0x1D000] =	vst v63  }
0x23: {  	_ = 	snop  }
0x24: {  	[spmem:s12] =	stream.linear.scatter [tilespmem:s19], [sflag:$0x4], $0x2000, $0x38;
	[tilespmem:$0x1D000] =	vst v63  }
0x25: {  	_ = 	snop  }
0x26: {  	[spmem:s13] =	stream.linear.scatter [tilespmem:s19], [sflag:$0x4], $0x2000, $0x38;
	[tilespmem:$0x1D000] =	vst v63  }
0x27: {  	_ = 	snop  }
0x28: {  	[spmem:s14] =	stream.linear.scatter [tilespmem:s19], [sflag:$0x4], $0x2000, $0x38;
	[tilespmem:$0x1D000] =	vst v63  }
0x29: {  	_ =	swait.ge [sflag:s20], $0x2800  }
0x2a: {  	[sflag:s20] =	ssyncset.done $0x0  }
0x2b: {  	[sflag:s20] =	ssyncadd.s32 $0xFFFFD800  }
0x2c: {  	_ =	swait.ge [sflag:s21], $0x2800  }
0x2d: {  	[sflag:s21] =	ssyncset.done $0x0  }
0x2e: {  	s28 =	simm.s32 $0x1;
	[sflag:s21] =	ssyncadd.s32 $0xFFFFD800  }
0x2f: {  	_ =	swait.ge [sflag:s28], $0x1400  }
0x30: {  	[sflag:s28] =	ssyncset.done $0x0  }
0x31: {  	[sflag:s28] =	ssyncadd.s32 $0xFFFFEC00  }
0x32: {  	_ =	swait.ge [sflag:s22], $0x2000  }
0x33: {  	[sflag:s22] =	ssyncset.done $0x0  }
0x34: {  	[sflag:s22] =	ssyncadd.s32 $0xFFFFE000  }
0x35: {  	_ =	swait.ge [sflag:s22], $0x2000  }
0x36: {  	[sflag:s22] =	ssyncset.done $0x0  }
0x37: {  	[sflag:s22] =	ssyncadd.s32 $0xFFFFE000  }
0x38: {  	_ =	swait.ge [sflag:s22], $0x2000  }
0x39: {  	[sflag:s22] =	ssyncset.done $0x0  }
0x3a: {  	[sflag:s22] =	ssyncadd.s32 $0xFFFFE000  }
0x3b: {  	_ =	swait.ge [sflag:s22], $0x2000  }
0x3c: {  	[sflag:s22] =	ssyncset.done $0x0  }
0x3d: {  	[sflag:s22] =	ssyncadd.s32 $0xFFFFE000  }
0x3e: {  	_ =	swait.ge [sflag:s22], $0x2000  }
0x3f: {  	[sflag:s22] =	ssyncset.done $0x0  }
0x40: {  	[sflag:s22] =	ssyncadd.s32 $0xFFFFE000  }
0x41: {  	s29 =	simm.s32 $0x0;
	[bflag:$0x0] =	sbarrier.arrive $0xFFFF  }
0x42: {  	[tilespmem:s19], [sflag:$0x1] =	stream.indirect.gather [spmem:s2], $0x40, s4, s23, $0xb8;
	[tilespmem:$0x1D000] =	vst v63  }
0x43: {  	s29 =	sand.u32 $0x1, s29;
	_ =	swait.ge [sflag:s24], $0x2000  }
0x44: {  	s29 =	sshll.u32 s29, $0xD;
	s28 =	smin.u32 s28, $0x4F;
	[sflag:s24] =	ssyncset.done $0x0  }
0x45: {  	s30 =	sxor.u32 $0x7000, s29;
	s28 =	sshll.u32 s28, $0x7;
	[sflag:s24] =	ssyncadd.s32 $0xFFFFE000  }
0x46: {  	[tilespmem:s30], [sflag:$0x1] =	stream.indirect.gather [spmem:s2], $0x40, s28, s23, $0xb8;
	[tilespmem:$0x1D000] =	vst v63  }
0x47: {  	s29 =	sor.u32 $0x5000, s29;
	s28 =	simm.s32 $0x2800  }
0x48: {  	[spmem:s3] =	stream.indirect.scatter.add.f32 [tilespmem:s29], [sflag:$0x5], $0x40, s28, s23, $0xb8;
	[tilespmem:$0x1D000] =	vst v63  }
0x49: {  	_ =	swait.ge [sflag:s25], $0x2000  }
0x4a: {  	s29 =	simm.s32 $0x2;
	[sflag:s25] =	ssyncset.done $0x0  }
.LBB2_4:
0x4b: {  	p0 =	sne.s32 s29, $0x50;
	[sflag:s25] =	ssyncadd.s32 $0xFFFFE000;
	s28 =	sadd.s32 $0x80, s28  }
0x4c: {  	s30 =	sadd.s32 $0xFFFFFFFF, s29;
	s31 =	smov.u32 s29;
	s29 =	sadd.s32 $0x1, s29  }
0x4d: {  	s30 =	sand.u32 $0x1, s30;
	_ =	swait.ge [sflag:s24], $0x2000  }
0x4e: {  	s31 =	smin.u32 s31, $0x4F;
	s30 =	sshll.u32 s30, $0xD;
	[sflag:s24] =	ssyncset.done $0x0  }
0x4f: {  	s31 =	sshll.u32 s31, $0x7;
	s1 =	sxor.u32 $0x7000, s30;
	[sflag:s24] =	ssyncadd.s32 $0xFFFFE000  }
0x50: {  	[tilespmem:s1], [sflag:$0x1] =	stream.indirect.gather [spmem:s2], $0x40, s31, s23, $0xb8;
	[tilespmem:$0x1D000] =	vst v63  }
.Ltmp1:
0x51: {  	_ = 	snop;
	(pc) =	sbr.rel @p0 .LBB2_4-.Ltmp1, $4  }
0x52: {  	s1 =	sor.u32 $0x5000, s30  }
0x53: {  	[spmem:s3] =	stream.indirect.scatter.add.f32 [tilespmem:s1], [sflag:$0x5], $0x40, s28, s23, $0xb8;
	[tilespmem:$0x1D000] =	vst v63  }
0x54: {  	_ =	swait.ge [sflag:s25], $0x2000  }
0x55: {  	[sflag:s25] =	ssyncset.done $0x0  }
0x56: {  	[sflag:s25] =	ssyncadd.s32 $0xFFFFE000  }
0x57: {  	_ =	swait.ge [sflag:s24], $0x2000  }
0x58: {  	s26 =	sadd.s32 $0x1, s26;
	[sflag:s24] =	ssyncset.done $0x0  }
0x59: {  	s1 =	sor.u32 $0x1C05, s8;
	p0 =	sne.s32 s26, s15;
	[sflag:s24] =	ssyncadd.s32 $0xFFFFE000  }
.Ltmp2:
0x5a: {  	s28 =	sshrl.u32 s10, $0x3;
	[bflag:$0x0] =	sbarrier.arrive $0xFFFF;
	(pc) =	sbr.rel @p0 .LBB2_1-.Ltmp2, $4  }
0x5b: {  	[hbm:s16], [sflag:s1] =	dma.local [spmem:s28], $0x1400  }
0x5c: {  	_ =	swait.ge [sflag:s25], $0x1400  }
0x5d: {  	[sflag:s25] =	ssyncset.done $0x0  }
0x5e: {  	[sflag:s25] =	ssyncadd.s32 $0xFFFFEC00  }
0x5f: {  	_ =	sfence.sel $0x180000  }
0x60: {  	[bflag:$0x0] =	sbarrier.arrive $0xFFFF  }
0x61: {  	_ =	strace $0x9000004D  }
0x62: {  	[bflag:$0x2] =	sbarrier.arrive $0xFFFF  }
0x63: {  	p0 =	sne.s32 s0, $0x0;
	s0 =	rddreg [dreg:$0x4]  }
0x64: {  	s0 =	sadd.s32 @!p0 $0x100000, s0  }
0x65: {  	[sflag:s0] =	ssyncadd.tile.s32 @!p0 $0x1;
	_ =	shalt  }
.Lfunc_end2:
_tile_overlayer_lowered:
.L_overlay_start_2:
0x66: {  	(tag) =	ssettag $0x2  }
0x67: {  	s0 =	rddreg [dreg:$0x0];
	s2 =	stileid.u32  }
0x68: {  	s1 =	rddreg [dreg:$0x1];
	p0 =	sne.s32 s2, $0x0  }
0x69: {  	s3 =	rddreg [dreg:$0x2];
	[bflag:$0x3] =	sbarrier.arrive $0xFFFF;
	s2 =	simm.s32 @!p0 $0x1C05  }
0x6a: {  	[timem:s3], [sflag:s2] =	dma.local @!p0 [hbm:s0], s1  }
0x6b: {  	s0 =	simm.s32 @!p0 $0x5  }
0x6c: {  	_ =	swait.ge @!p0 [sflag:s0], s1  }
0x6d: {  	s1 =	ssub.s32 @!p0 $0x0, s1;
	[sflag:s0] =	ssyncset.done @!p0 $0x0  }
0x6e: {  	[sflag:s0] =	ssyncadd.s32 @!p0 s1  }
0x6f: {  	[bflag:$0x3] =	sbarrier.arrive $0xFFFF  }
0x70: {  	_ =	shalt  }

// kernel: kernel.9.cloned.1.call-start
scs
__scs_entry_jumppad:
0x0: {  	(pc) =	sbr.rel $0x88, $3  }
0x1: {  	(tag) =	ssettag $0x0;
	lr =	simm.s32 $0x1  }
0x2: {  	[smem:$0x3F96] =	sst lr;
	_ =	strace $0xD0000000  }
0x3: {  	_ = 	snop  }
0x4: {  	_ = 	snop  }
0x5: {  	_ = 	snop  }
0x6: {  	_ = 	snop  }
0x7: {  	_ = 	snop  }
__scs_overlays_trampoline_lowered:
0x8: {  	[smem:$0x3FA5] =	sst s0  }
0x9: {  	[smem:$0x3FA6] =	sst s1  }
0xa: {  	[smem:$0x3FA7] =	sst s2  }
0xb: {  	[smem:$0x3FA8] =	sst s3  }
0xc: {  	[smem:$0x3FA9] =	sst s4  }
0xd: {  	[smem:$0x3FAA] =	sst s5  }
0xe: {  	[smem:$0x3FAB] =	sst s6  }
0xf: {  	[smem:$0x3FAC] =	sst s7  }
0x10: {  	[smem:$0x3FAD] =	sst s8  }
0x11: {  	[smem:$0x3FAE] =	sst s9;
	s0 =	simm.s32 @!p0 $0x0  }
0x12: {  	s1 =	sld [smem:$0x3F94];
	s0 =	simm.s32 @p0 $0x1  }
0x13: {  	[smem:$0x3FAF] =	sst s0;
	s0 =	simm.s32 @!p1 $0x0  }
0x14: {  	s2 =	sld [smem:$0x3F93];
	s0 =	simm.s32 @p1 $0x1  }
0x15: {  	[smem:$0x3FB0] =	sst s0;
	s0 =	simm.s32 @!p2 $0x0  }
0x16: {  	s3 =	sld [smem:$0x3FDB];
	s0 =	simm.s32 @p2 $0x1  }
0x17: {  	s4 =	simm.s32 $0x1BF5;
	[smem:$0x3FB2] =	sst s0  }
0x18: {  	s0 =	sld [smem:$0x3F95];
	_ =	swait.ge [sflag:s4], $0x0  }
0x19: {  	s7 =	sld [smem:$0x3F96]  }
0x1a: {  	s8 =	sadd.s32 $0xFFFFE003, lr  }
0x1b: {  	s9 =	sadd.s32 $0xFFFFFEF7, lr;
	s5 =	simm.s32 $0xFFFFFFFF;
	p2 =	slt.u32 s8, $0xFFFFF086  }
0x1c: {  	p1 =	slt.u32 s9, $0xF7A;
	s5 =	simm.s32 @!p2 $0x0  }
0x1d: {  	s5 =	simm.s32 @p1 $0x1;
	p0 =	seq.s32 s7, s2  }
0x1e: {  	s7 =	smul.u32 @!p0 $0xF7A, s2;
	p2 =	seq.s32 @!p0 s5, $0x0  }
0x1f: {  	s9 =	smul.u32 $0xF7A, s1;
	s8 =	simm.s32 @!p0 $0x1BF5;
	p2 =	por !p2, p0  }
0x20: {  	[sflag:s8] =	ssyncset.s32 @!p0 $0xFFFFF086;
	s6 =	sadd.s32 @!p0 s3, s7;
	s7 =	simm.s32 @!p0 $0x108  }
0x21: {  	s3 =	sadd.s32 s3, s9;
	s6 =	sadd.s32 @!p0 $0x88, s6;
	s7 =	simm.s32 @p2 $0x1082  }
0x22: {  	[simem:s7], [sflag:s8] =	dma.local @!p0 [hbm:s6], $0xF7A  }
0x23: {  	s9 =	sor.u32 $0xD0000000, s2;
	s6 =	simm.s32 $0x108;
	_ =	swait.ge @!p0 [sflag:s8], $0x0  }
0x24: {  	s3 =	sadd.s32 $0x88, s3;
	s6 =	simm.s32 @!p1 $0x1082;
	[sflag:s4] =	ssyncset.s32 $0xFFFFF086  }
0x25: {  	[simem:s6], [sflag:s4] =	dma.local [hbm:s3], $0xF7A  }
0x26: {  	[smem:$0x3F96] =	sst s1;
	(tag) =	ssettag s2;
	_ =	strace s9  }
0x27: {  	s1 =	sld [smem:$0x3FA6]  }
0x28: {  	s2 =	sld [smem:$0x3FA7]  }
0x29: {  	s4 =	sld [smem:$0x3FA9]  }
0x2a: {  	p0 =	seq.s32 s5, $0x0;
	s5 =	sld [smem:$0x3FAA]  }
0x2b: {  	s6 =	sld [smem:$0x3FAB]  }
0x2c: {  	s7 =	sld [smem:$0x3FAC]  }
0x2d: {  	s3 =	simm.s32 $0x108;
	s8 =	sld [smem:$0x3FAD]  }
0x2e: {  	s3 =	simm.s32 @!p0 $0x1082;
	s9 =	sld [smem:$0x3FAE]  }
0x2f: {  	lr =	sadd.s32 s0, s3;
	s0 =	sld [smem:$0x3FA5]  }
0x30: {  	s3 =	sld [smem:$0x3FA8]  }
0x31: {  	[smem:$0x3FB1] =	sst s10  }
0x32: {  	s10 =	sld [smem:$0x3FAF];
	_ =	sdelay $0x3  }
0x33: {  	p0 =	seq.s32 s10, $0x1;
	s10 =	sld [smem:$0x3FB1];
	_ =	sdelay $0x3  }
0x34: {  	[smem:$0x3FB1] =	sst s10  }
0x35: {  	s10 =	sld [smem:$0x3FB0];
	_ =	sdelay $0x3  }
0x36: {  	p1 =	seq.s32 s10, $0x1;
	s10 =	sld [smem:$0x3FB1];
	_ =	sdelay $0x3  }
0x37: {  	[smem:$0x3FB1] =	sst s10  }
0x38: {  	s10 =	sld [smem:$0x3FB2]  }
0x39: {  	_ = 	snop;
	(pc) =	sbr.ind lr, $3  }
0x3a: {  	_ = 	snop  }
0x3b: {  	_ = 	snop  }
0x3c: {  	p2 =	seq.s32 s10, $0x1;
	s10 =	sld [smem:$0x3FB1]  }
0x3d: {  	_ =	shalt  }
0x3e: {  	_ =	shalt  }
0x3f: {  	_ =	shalt  }
0x40: {  	_ =	shalt  }
0x41: {  	_ =	shalt  }
0x42: {  	_ =	shalt  }
0x43: {  	_ =	shalt  }
0x44: {  	_ =	shalt  }
0x45: {  	_ =	shalt  }
0x46: {  	_ =	shalt  }
0x47: {  	_ =	shalt  }
0x48: {  	_ =	shalt  }
0x49: {  	_ =	shalt  }
0x4a: {  	_ =	shalt  }
0x4b: {  	_ =	shalt  }
0x4c: {  	_ =	shalt  }
0x4d: {  	_ =	shalt  }
0x4e: {  	_ =	shalt  }
0x4f: {  	_ =	shalt  }
0x50: {  	_ =	shalt  }
0x51: {  	_ =	shalt  }
0x52: {  	_ =	shalt  }
0x53: {  	_ =	shalt  }
0x54: {  	_ =	shalt  }
0x55: {  	_ =	shalt  }
0x56: {  	_ =	shalt  }
0x57: {  	_ =	shalt  }
0x58: {  	_ =	shalt  }
0x59: {  	_ =	shalt  }
0x5a: {  	_ =	shalt  }
0x5b: {  	_ =	shalt  }
0x5c: {  	_ =	shalt  }
0x5d: {  	_ =	shalt  }
0x5e: {  	_ =	shalt  }
0x5f: {  	_ =	shalt  }
0x60: {  	_ =	shalt  }
0x61: {  	_ =	shalt  }
0x62: {  	_ =	shalt  }
0x63: {  	_ =	shalt  }
0x64: {  	_ =	shalt  }
0x65: {  	_ =	shalt  }
0x66: {  	_ =	shalt  }
0x67: {  	_ =	shalt  }
0x68: {  	_ =	shalt  }
0x69: {  	_ =	shalt  }
0x6a: {  	_ =	shalt  }
0x6b: {  	_ =	shalt  }
0x6c: {  	_ =	shalt  }
0x6d: {  	_ =	shalt  }
0x6e: {  	_ =	shalt  }
0x6f: {  	_ =	shalt  }
0x70: {  	_ =	shalt  }
0x71: {  	_ =	shalt  }
0x72: {  	_ =	shalt  }
0x73: {  	_ =	shalt  }
0x74: {  	_ =	shalt  }
0x75: {  	_ =	shalt  }
0x76: {  	_ =	shalt  }
0x77: {  	_ =	shalt  }
0x78: {  	_ =	shalt  }
0x79: {  	_ =	shalt  }
0x7a: {  	_ =	shalt  }
0x7b: {  	_ =	shalt  }
0x7c: {  	_ =	shalt  }
0x7d: {  	_ =	shalt  }
0x7e: {  	_ =	shalt  }
0x7f: {  	_ =	shalt  }
0x80: {  	_ =	shalt  }
0x81: {  	_ =	shalt  }
0x82: {  	_ =	shalt  }
0x83: {  	_ =	shalt  }
0x84: {  	_ =	shalt  }
0x85: {  	_ =	shalt  }
0x86: {  	_ =	shalt  }
0x87: {  	_ =	shalt  }
.Lfunc_end0:
.L_simem_size_0:
called_computation_lowered:
.L_overlay_start_0:
0x88: {  	s2 =	sld [smem:$0x3FD9]  }
0x89: {  	s3 =	sld [smem:$0x3FFE];
	_ =	sdelay $0x1  }
0x8a: {  	s1 =	srdreg.scid  }
0x8b: {  	s0 =	sand.u32 $0x1, s1  }
0x8c: {  	s17 =	sshll.u32 s0, $0xA;
	s2 =	sadd.s32 s3, s2  }
0x8d: {  	s2 =	sadd.s32 s2, s17  }
0x8e: {  	[smem:$0x3FBD] =	sst s2  }
0x8f: {  	_ = 	snop  }
0x90: {  	s2 =	sld [smem:$0x3FD0];
	(tm) =	ssettm $0x1  }
0x91: {  	s18 =	sld [smem:$0x3FFB];
	_ =	sdelay $0x3  }
0x92: {  	_ =	strace s18  }
0x93: {  	s3 =	sld [smem:$0x3FFC];
	_ =	sdelay $0x3  }
0x94: {  	_ =	strace s3  }
0x95: {  	s3 =	sld [smem:$0x3FFD];
	_ =	sdelay $0x3  }
0x96: {  	_ =	strace s3  }
0x97: {  	_ =	strace $0x8FFFFFFF  }
0x98: {  	s19 =	sld [smem:$0x3FDB];
	_ =	sdelay $0x1  }
0x99: {  	s4 =	simm.s32 $_scs_section_size  }
0x9a: {  	s5 =	simm.s32 $_size__tile_overlayer_lowered;
	s6 =	simm.s32 $_tile_overlayer_lowered  }
0x9b: {  	s22 =	simm.s32 $0x1BFF;
	s21 =	sshll.u32 s6, $0x1;
	s3 =	sadd.s32 s4, s19  }
0x9c: {  	s7 =	simm.s32 $0x0;
	s20 =	sshll.u32 s5, $0x1;
	s5 =	sadd.s32 s21, s3  }
0x9d: {  	[timem:s7], [sflag:s22] =	dma.local [hbm:s5], s20  }
0x9e: {  	_ =	swait.ge [sflag:s22], s20  }
0x9f: {  	s4 =	ssub.s32 $0x0, s20;
	[sflag:s22] =	ssyncset.done $0x0  }
0xa0: {  	[sflag:s22] =	ssyncadd.s32 s4;
	_ =	sdelay $0x1  }
0xa1: {  	s23 =	simm.s32 $0x1B8B  }
0xa2: {  	_ =	swait.ge [sflag:s23], $0x1  }
0xa3: {  	[sflag:s23] =	ssyncset.done $0x0  }
0xa4: {  	s25 =	simm.s32 $0x1B8E;
	s24 =	sld [smem:$0x3FFE];
	[sflag:s23] =	ssyncadd.s32 $0xFFFFFFFF  }
0xa5: {  	s26 =	simm.s32 $execute0_lowered;
	[smem:$0x3FD2] =	sst s25  }
0xa6: {  	s5 =	sshll.u32 s26, $0x1;
	_ =	strace $0x80000046;
	[dreg:$0x1] =	wrdreg $0xFFFFFFFF  }
0xa7: {  	s28 =	simm.s32 $_size_execute0_lowered;
	s3 =	sadd.s32 s3, s5;
	[dreg:$0x0] =	wrdreg $0x0  }
0xa8: {  	s5 =	sshll.u32 s28, $0x1;
	[dreg:$0x2] =	wrdreg s3  }
0xa9: {  	[dreg:$0x3] =	wrdreg s5  }
0xaa: {  	[dreg:$0x4] =	wrdreg $0xC0  }
0xab: {  	_ =	task [dreg:s7], $0x5FFFF  }
0xac: {  	[dreg:$0x1] =	wrdreg $0xFFFFFFFF  }
0xad: {  	[dreg:$0x0] =	wrdreg $0x60  }
0xae: {  	[dreg:$0x2] =	wrdreg s2  }
0xaf: {  	[dreg:$0x3] =	wrdreg s24  }
0xb0: {  	[dreg:$0x4] =	wrdreg $0x90000  }
0xb1: {  	[dreg:$0x5] =	wrdreg $0x130000  }
0xb2: {  	[dreg:$0x6] =	wrdreg $0x9  }
0xb3: {  	_ =	task.clear_ibuf [dreg:s7], $0x7FFFF;
	_ =	strace $0x90000046  }
0xb4: {  	s29 =	simm.s32 $0x9;
	_ =	strace $0x80000048  }
0xb5: {  	_ =	swait.ge [sflag:s29], $0x1  }
0xb6: {  	[sflag:s29] =	ssyncadd.s32 $0xFFFFFFFF  }
0xb7: {  	_ =	strace $0x90000048  }
0xb8: {  	_ =	sfence  }
0xb9: {  	s30 =	sld [smem:$0x0];
	_ =	sdelay $0x2  }
0xba: {  	s31 =	sshll.u32 s1, $0xD;
	s1 =	sshrl.u32 s1, $0x2  }
0xbb: {  	s3 =	sand.u32 $0x4000, s31;
	s1 =	sadd.s32 s1, s30  }
0xbc: {  	s0 =	sor.u32 s3, s0;
	s1 =	sshll.u32 s1, $0x11  }
0xbd: {  	s0 =	sor.u32 s1, s0  }
0xbe: {  	s0 =	sadd.s32 $0x8F2B, s0  }
0xbf: {  	[sflag:s0] =	ssyncadd.remote.s32 $0x1  }
0xc0: {  	_ =	sfence.sel $0xFFFF  }
0xc1: {  	[dreg:$0x0] =	wrdreg $0xFFFFFFFF;
	(pc) =	sbr.abs _section_cstart, $3  }
0xc2: {  	[dreg:$0x1] =	wrdreg $0xFFFFFFFF  }
0xc3: {  	_ =	task.clear_ibuf [dreg:s7], $0x2FFFF;
	_ =	strace $0x9FFFFFFF  }
0xc4: {  	(tm) =	ssettm $0x7FFFFFFF  }
0xc5: {  	_ =	shalt  }
tec
execute0_lowered:
.L_overlay_start_1:
0x0: {  	(tag) =	ssettag $0x1  }
0x1: {  	s7 =	rddreg [dreg:$0x0]  }
0x2: {  	s15 =	rddreg [dreg:$0x1]  }
0x3: {  	s0 =	srdreg.scid;
	s2 =	rddreg [dreg:$0x2]  }
0x4: {  	s3 =	rddreg [dreg:$0x3];
	s4 =	simm.s32 $0x0;
	s19 =	simm.s32 $0x3F400  }
0x5: {  	s20 =	simm.s32 $0x2;
	s21 =	simm.s32 $0x3;
	s22 =	simm.s32 $0x4  }
0x6: {  	s23 =	simm.s32 $0x80;
	s24 =	simm.s32 $0x1;
	s25 =	simm.s32 $0x5  }
0x7: {  	s26 =	simm.s32 $0x0;
	s11 =	sand.u32 $0x1, s0;
	s0 =	stileid.u32  }
0x8: {  	[smem:$0x7FF] =	sst s4;
	s1 =	sshll.u32 s11, $0x4;
	s10 =	smul.u32 $0xA000, s0  }
0x9: {  	s6 =	ssub.s32 $0x2, s11;
	_ =	strace $0x80000047;
	s12 =	smul.u32 $0x28000, s0  }
0xa: {  	p0 =	seq.s32 s11, $0x1;
	s5 =	sor.u32 s0, s1;
	s31 =	sshrl.u32 s6, $0x1  }
0xb: {  	s19 =	simm.s32 @!p0 $0x53400;
	s5 =	smul.u32 $0x500, s5;
	s16 =	ssub.s32 s6, s31  }
0xc: {  	s17 =	sshrl.u32 s10, $0x3;
	s18 =	sadd.s32 s10, s2;
	s10 =	sadd.s32 s10, s3  }
0xd: {  	s12 =	sshrl.u32 s12, $0x2;
	s19 =	sadd.s32 s19, s15;
	s7 =	sadd.s32 s7, s17  }
0xe: {  	s14 =	sadd.s32 s12, s3;
	s18 =	sshrl.u32 s18, $0x3;
	s8 =	sadd.s32 s5, s15  }
0xf: {  	s11 =	sadd.s32 $0x2000, s14;
	s12 =	sadd.s32 $0x4000, s14;
	s13 =	sadd.s32 $0x6000, s14  }
0x10: {  	s14 =	sadd.s32 $0x8000, s14;
	s15 =	smax.u32 s16, $0x1;
	s16 =	sadd.s32 s19, s17  }
0x11: {  	s5 =	sadd.s32 $0x35400, s8;
	s6 =	sadd.s32 $0x2B400, s8;
	s8 =	sshll.u32 s0, $0x6  }
0x12: {  	v0 =	vimm.f32 $0.0e+00;
	s17 =	simm.s32 $0x2800;
	s19 =	simm.s32 $0x5000;
	s9 =	sor.u32 $0x1C01, s8  }
.LBB2_1:
0x13: {  	[tilespmem:s4], [sflag:$0x2] =	stream.linear.gather [hbm4b:s5+s4], $0x2800, $0x38;
	[tilespmem:$0x1D000] =	vst v63  }
0x14: {  	s29 =	simm.s32 $0x100;
	s28 =	simm.s32 $0x0  }
0x15: {  	[tilespmem:s17], [sflag:$0x3] =	stream.linear.gather [hbm4b:s6+s4], $0x2800, $0x38;
	[tilespmem:$0x1D000] =	vst v63  }
0x16: {  	[spmem:s18], [sflag:s9] =	dma.local [hbm:s7], $0x1400  }
.LBB2_2:
0x17: {  	p0 =	sne.s32 s29, $0x7F00;
	[tilespmem:s28+$0x5030] =	vst v0;
	s30 =	smov.u32 s29;
	s29 =	sadd.s32 $0x100, s29  }
.Ltmp0:
0x18: {  	[tilespmem:s28+$0x5020] =	vst v0;
	(pc) =	sbr.rel @p0 .LBB2_2-.Ltmp0, $3  }
0x19: {  	[tilespmem:s28+$0x5000] =	vst v0  }
0x1a: {  	[tilespmem:s28+$0x5010] =	vst v0;
	_ =	sdelay $0x1  }
0x1b: {  	s28 =	sshra.s32 s30, $0x2  }
0x1c: {  	[tilespmem:s28+$0x5030] =	vst v0  }
0x1d: {  	[tilespmem:s28+$0x5020] =	vst v0  }
0x1e: {  	[tilespmem:s28+$0x5000] =	vst v0  }
0x1f: {  	[tilespmem:s28+$0x5010] =	vst v0  }
0x20: {  	[spmem:s10] =	stream.linear.scatter [tilespmem:s19], [sflag:$0x4], $0x2000, $0x38;
	[tilespmem:$0x1D000] =	vst v63  }
0x21: {  	_ = 	snop  }
0x22: {  	[spmem:s11] =	stream.linear.scatter [tilespmem:s19], [sflag:$0x4], $0x2000, $0x38;
	[tilespmem:$0x1D000] =	vst v63  }
0x23: {  	_ = 	snop  }
0x24: {  	[spmem:s12] =	stream.linear.scatter [tilespmem:s19], [sflag:$0x4], $0x2000, $0x38;
	[tilespmem:$0x1D000] =	vst v63  }
0x25: {  	_ = 	snop  }
0x26: {  	[spmem:s13] =	stream.linear.scatter [tilespmem:s19], [sflag:$0x4], $0x2000, $0x38;
	[tilespmem:$0x1D000] =	vst v63  }
0x27: {  	_ = 	snop  }
0x28: {  	[spmem:s14] =	stream.linear.scatter [tilespmem:s19], [sflag:$0x4], $0x2000, $0x38;
	[tilespmem:$0x1D000] =	vst v63  }
0x29: {  	_ =	swait.ge [sflag:s20], $0x2800  }
0x2a: {  	[sflag:s20] =	ssyncset.done $0x0  }
0x2b: {  	[sflag:s20] =	ssyncadd.s32 $0xFFFFD800  }
0x2c: {  	_ =	swait.ge [sflag:s21], $0x2800  }
0x2d: {  	[sflag:s21] =	ssyncset.done $0x0  }
0x2e: {  	s28 =	simm.s32 $0x1;
	[sflag:s21] =	ssyncadd.s32 $0xFFFFD800  }
0x2f: {  	_ =	swait.ge [sflag:s28], $0x1400  }
0x30: {  	[sflag:s28] =	ssyncset.done $0x0  }
0x31: {  	[sflag:s28] =	ssyncadd.s32 $0xFFFFEC00  }
0x32: {  	_ =	swait.ge [sflag:s22], $0x2000  }
0x33: {  	[sflag:s22] =	ssyncset.done $0x0  }
0x34: {  	[sflag:s22] =	ssyncadd.s32 $0xFFFFE000  }
0x35: {  	_ =	swait.ge [sflag:s22], $0x2000  }
0x36: {  	[sflag:s22] =	ssyncset.done $0x0  }
0x37: {  	[sflag:s22] =	ssyncadd.s32 $0xFFFFE000  }
0x38: {  	_ =	swait.ge [sflag:s22], $0x2000  }
0x39: {  	[sflag:s22] =	ssyncset.done $0x0  }
0x3a: {  	[sflag:s22] =	ssyncadd.s32 $0xFFFFE000  }
0x3b: {  	_ =	swait.ge [sflag:s22], $0x2000  }
0x3c: {  	[sflag:s22] =	ssyncset.done $0x0  }
0x3d: {  	[sflag:s22] =	ssyncadd.s32 $0xFFFFE000  }
0x3e: {  	_ =	swait.ge [sflag:s22], $0x2000  }
0x3f: {  	[sflag:s22] =	ssyncset.done $0x0  }
0x40: {  	[sflag:s22] =	ssyncadd.s32 $0xFFFFE000  }
0x41: {  	s29 =	simm.s32 $0x0;
	[bflag:$0x0] =	sbarrier.arrive $0xFFFF  }
0x42: {  	[tilespmem:s19], [sflag:$0x1] =	stream.indirect.gather [spmem:s2], $0x40, s4, s23, $0xb8;
	[tilespmem:$0x1D000] =	vst v63  }
0x43: {  	s29 =	sand.u32 $0x1, s29;
	_ =	swait.ge [sflag:s24], $0x2000  }
0x44: {  	s29 =	sshll.u32 s29, $0xD;
	s28 =	smin.u32 s28, $0x4F;
	[sflag:s24] =	ssyncset.done $0x0  }
0x45: {  	s30 =	sxor.u32 $0x7000, s29;
	s28 =	sshll.u32 s28, $0x7;
	[sflag:s24] =	ssyncadd.s32 $0xFFFFE000  }
0x46: {  	[tilespmem:s30], [sflag:$0x1] =	stream.indirect.gather [spmem:s2], $0x40, s28, s23, $0xb8;
	[tilespmem:$0x1D000] =	vst v63  }
0x47: {  	s29 =	sor.u32 $0x5000, s29;
	s28 =	simm.s32 $0x2800  }
0x48: {  	[spmem:s3] =	stream.indirect.scatter.add.f32 [tilespmem:s29], [sflag:$0x5], $0x40, s28, s23, $0xb8;
	[tilespmem:$0x1D000] =	vst v63  }
0x49: {  	_ =	swait.ge [sflag:s25], $0x2000  }
0x4a: {  	s29 =	simm.s32 $0x2;
	[sflag:s25] =	ssyncset.done $0x0  }
.LBB2_4:
0x4b: {  	p0 =	sne.s32 s29, $0x50;
	[sflag:s25] =	ssyncadd.s32 $0xFFFFE000;
	s28 =	sadd.s32 $0x80, s28  }
0x4c: {  	s30 =	sadd.s32 $0xFFFFFFFF, s29;
	s31 =	smov.u32 s29;
	s29 =	sadd.s32 $0x1, s29  }
0x4d: {  	s30 =	sand.u32 $0x1, s30;
	_ =	swait.ge [sflag:s24], $0x2000  }
0x4e: {  	s31 =	smin.u32 s31, $0x4F;
	s30 =	sshll.u32 s30, $0xD;
	[sflag:s24] =	ssyncset.done $0x0  }
0x4f: {  	s31 =	sshll.u32 s31, $0x7;
	s1 =	sxor.u32 $0x7000, s30;
	[sflag:s24] =	ssyncadd.s32 $0xFFFFE000  }
0x50: {  	[tilespmem:s1], [sflag:$0x1] =	stream.indirect.gather [spmem:s2], $0x40, s31, s23, $0xb8;
	[tilespmem:$0x1D000] =	vst v63  }
.Ltmp1:
0x51: {  	_ = 	snop;
	(pc) =	sbr.rel @p0 .LBB2_4-.Ltmp1, $4  }
0x52: {  	s1 =	sor.u32 $0x5000, s30  }
0x53: {  	[spmem:s3] =	stream.indirect.scatter.add.f32 [tilespmem:s1], [sflag:$0x5], $0x40, s28, s23, $0xb8;
	[tilespmem:$0x1D000] =	vst v63  }
0x54: {  	_ =	swait.ge [sflag:s25], $0x2000  }
0x55: {  	[sflag:s25] =	ssyncset.done $0x0  }
0x56: {  	[sflag:s25] =	ssyncadd.s32 $0xFFFFE000  }
0x57: {  	_ =	swait.ge [sflag:s24], $0x2000  }
0x58: {  	s26 =	sadd.s32 $0x1, s26;
	[sflag:s24] =	ssyncset.done $0x0  }
0x59: {  	s1 =	sor.u32 $0x1C05, s8;
	p0 =	sne.s32 s26, s15;
	[sflag:s24] =	ssyncadd.s32 $0xFFFFE000  }
.Ltmp2:
0x5a: {  	s28 =	sshrl.u32 s10, $0x3;
	[bflag:$0x0] =	sbarrier.arrive $0xFFFF;
	(pc) =	sbr.rel @p0 .LBB2_1-.Ltmp2, $4  }
0x5b: {  	[hbm:s16], [sflag:s1] =	dma.local [spmem:s28], $0x1400  }
0x5c: {  	_ =	swait.ge [sflag:s25], $0x1400  }
0x5d: {  	[sflag:s25] =	ssyncset.done $0x0  }
0x5e: {  	[sflag:s25] =	ssyncadd.s32 $0xFFFFEC00  }
0x5f: {  	_ =	sfence.sel $0x180000  }
0x60: {  	[bflag:$0x0] =	sbarrier.arrive $0xFFFF  }
0x61: {  	_ =	strace $0x90000047  }
0x62: {  	[bflag:$0x2] =	sbarrier.arrive $0xFFFF  }
0x63: {  	p0 =	sne.s32 s0, $0x0;
	s0 =	rddreg [dreg:$0x4]  }
0x64: {  	s0 =	sadd.s32 @!p0 $0x100000, s0  }
0x65: {  	[sflag:s0] =	ssyncadd.tile.s32 @!p0 $0x1;
	_ =	shalt  }
.Lfunc_end2:
_tile_overlayer_lowered:
.L_overlay_start_2:
0x66: {  	(tag) =	ssettag $0x2  }
0x67: {  	s0 =	rddreg [dreg:$0x0];
	s2 =	stileid.u32  }
0x68: {  	s1 =	rddreg [dreg:$0x1];
	p0 =	sne.s32 s2, $0x0  }
0x69: {  	s3 =	rddreg [dreg:$0x2];
	[bflag:$0x3] =	sbarrier.arrive $0xFFFF;
	s2 =	simm.s32 @!p0 $0x1C05  }
0x6a: {  	[timem:s3], [sflag:s2] =	dma.local @!p0 [hbm:s0], s1  }
0x6b: {  	s0 =	simm.s32 @!p0 $0x5  }
0x6c: {  	_ =	swait.ge @!p0 [sflag:s0], s1  }
0x6d: {  	s1 =	ssub.s32 @!p0 $0x0, s1;
	[sflag:s0] =	ssyncset.done @!p0 $0x0  }
0x6e: {  	[sflag:s0] =	ssyncadd.s32 @!p0 s1  }
0x6f: {  	[bflag:$0x3] =	sbarrier.arrive $0xFFFF  }
0x70: {  	_ =	shalt  }

</sc_bundles>
